<compile_context>
chip_gen: v7x
topology: tpu7x:2x2x1
jax: 0.10.2.dev20260603
libtpu: 0.0.44.dev20260713+nightly
codegen_flags: <defaults>
</compile_context>

<pallas_src>
import functools

import jax
import jax.numpy as jnp
from jax import lax
from jax.experimental import pallas as pl
from jax.experimental.pallas import tpu as pltpu
from jax.experimental.pallas import tpu_sc as plsc

N_NODES = 10000
N_EDGES = 320000
D_FEAT = 128
HIDDEN = 128
N_CLASSES = 40
NC = 2
NS = 16
NW = NC * NS
CHUNK = 128
EDGES_PER_W = N_EDGES // NW
N_CHUNKS = EDGES_PER_W // CHUNK
TAIL = EDGES_PER_W - N_CHUNKS * CHUNK
N_PAD = 10240
ROWS_PER_SUB = N_PAD // NS
ZROWS = 32

_MESH = plsc.VectorSubcoreMesh(core_axis_name="c", subcore_axis_name="s")


def _zero_acc(zbuf, acc, width, row0):
    def zrow(i, _):
        for j in range(width // 16):
            zbuf[i, pl.ds(j * 16, 16)] = jnp.zeros((16,), jnp.float32)
        return 0
    lax.fori_loop(0, ZROWS, zrow, 0)
    for r in range(ROWS_PER_SUB // ZROWS):
        pltpu.sync_copy(zbuf, acc.at[pl.ds(row0 + r * ZROWS, ZROWS)])


@functools.partial(
    pl.kernel, mesh=_MESH,
    out_type=(jax.ShapeDtypeStruct((NC, N_PAD, D_FEAT), jnp.float32),),
    scratch_types=(
        pltpu.VMEM((CHUNK,), jnp.int32),
        pltpu.VMEM((CHUNK,), jnp.int32),
        pltpu.VMEM((CHUNK, D_FEAT), jnp.float32),
        pltpu.VMEM((CHUNK,), jnp.int32),
        pltpu.VMEM((CHUNK,), jnp.int32),
        pltpu.VMEM((CHUNK, D_FEAT), jnp.float32),
        pltpu.VMEM((TAIL,), jnp.int32),
        pltpu.VMEM((TAIL,), jnp.int32),
        pltpu.VMEM((TAIL, D_FEAT), jnp.float32),
        pltpu.VMEM((ZROWS, D_FEAT), jnp.float32),
        pltpu.VMEM_SHARED((N_PAD, D_FEAT), jnp.float32),
        pltpu.SemaphoreType.DMA,
        pltpu.SemaphoreType.DMA,
    ))
def _edge_agg(table, src, dst, out, src_a, dst_a, rows_a,
              src_b, dst_b, rows_b, srct_v, dstt_v, rowst_v, zbuf, acc,
              sem_a, sem_b):
    c = lax.axis_index("c")
    s = lax.axis_index("s")
    wid = s * NC + c
    row0 = s * ROWS_PER_SUB

    _zero_acc(zbuf, acc, D_FEAT, row0)
    plsc.subcore_barrier()

    base0 = wid * EDGES_PER_W

    def body(j, _):
        b0 = base0 + (2 * j) * CHUNK
        b1 = b0 + CHUNK
        pltpu.sync_copy(src.at[pl.ds(b0, CHUNK)], src_a)
        cpa = pltpu.async_copy(table.at[src_a], rows_a, sem_a)
        pltpu.sync_copy(dst.at[pl.ds(b0, CHUNK)], dst_a)
        pltpu.sync_copy(src.at[pl.ds(b1, CHUNK)], src_b)
        cpb = pltpu.async_copy(table.at[src_b], rows_b, sem_b)
        pltpu.sync_copy(dst.at[pl.ds(b1, CHUNK)], dst_b)
        cpa.wait()
        pltpu.sync_copy(rows_a, acc.at[dst_a], add=True)
        cpb.wait()
        pltpu.sync_copy(rows_b, acc.at[dst_b], add=True)
        return 0
    lax.fori_loop(0, N_CHUNKS // 2, body, 0)

    bt = base0 + N_CHUNKS * CHUNK
    pltpu.sync_copy(src.at[pl.ds(bt, TAIL)], srct_v)
    pltpu.sync_copy(dst.at[pl.ds(bt, TAIL)], dstt_v)
    pltpu.async_copy(table.at[srct_v], rowst_v, sem_a).wait()
    pltpu.sync_copy(rowst_v, acc.at[dstt_v], add=True)
    plsc.subcore_barrier()

    pltpu.sync_copy(acc.at[pl.ds(row0, ROWS_PER_SUB)],
                    out.at[c, pl.ds(row0, ROWS_PER_SUB)])


BS = 1000


def _tc1_body(agg_a, agg_b, deg_a, deg_b, x, w1l, b1, w1r,
              h_ref, dinv_ref):
    deg = jnp.maximum(deg_a[0, :, :1] + deg_b[0, :, :1], 1.0)
    dinv = 1.0 / deg
    agg = (agg_a[0] + agg_b[0]) * dinv
    h = jax.nn.relu(
        lax.dot_general(agg, w1l[...], (((1,), (1,)), ((), ())),
                        preferred_element_type=jnp.float32)
        + b1[...]
        + lax.dot_general(x[...], w1r[...], (((1,), (1,)), ((), ())),
                          preferred_element_type=jnp.float32))
    h_ref[...] = h
    dinv_ref[...] = jnp.broadcast_to(dinv, (BS, 16))


def _tc2_body(a2_a, a2_b, dinv, h, w2l, b2, w2r, out_ref):
    agg2 = (a2_a[0] + a2_b[0]) * dinv[:, :1]
    o = (lax.dot_general(agg2, w2l[...], (((1,), (1,)), ((), ())),
                         preferred_element_type=jnp.float32)
         + b2[...]
         + lax.dot_general(h[...], w2r[...], (((1,), (1,)), ((), ())),
                           preferred_element_type=jnp.float32))
    m = jnp.max(o, axis=1, keepdims=True)
    e = jnp.exp(o - m)
    out_ref[...] = o - m - jnp.log(jnp.sum(e, axis=1, keepdims=True))


def _row_spec(w):
    return pl.BlockSpec((BS, w), lambda i: (i, 0))


def _part_spec(w, j):
    return pl.BlockSpec((1, BS, w), lambda i, j=j: (j, i, 0))


def _full_spec(r, c):
    return pl.BlockSpec((r, c), lambda i: (0, 0))


def kernel(x, edge_index, W1l, b1, W1r, W2l, b2, W2r):
    src = edge_index[0]
    dst = edge_index[1]

    agg, = _edge_agg(x, src, dst)
    deg, = _edge_agg(jnp.ones((N_NODES, D_FEAT), jnp.float32), src, dst)

    grid = (N_NODES // BS,)
    h, dinv = pl.pallas_call(
        _tc1_body,
        grid=grid,
        in_specs=[_part_spec(D_FEAT, 0), _part_spec(D_FEAT, 1),
                  _part_spec(D_FEAT, 0), _part_spec(D_FEAT, 1),
                  _row_spec(D_FEAT),
                  _full_spec(HIDDEN, D_FEAT), _full_spec(1, HIDDEN),
                  _full_spec(HIDDEN, D_FEAT)],
        out_specs=[_row_spec(HIDDEN), _row_spec(16)],
        out_shape=[jax.ShapeDtypeStruct((N_NODES, HIDDEN), jnp.float32),
                   jax.ShapeDtypeStruct((N_NODES, 16), jnp.float32)],
    )(agg, agg, deg, deg, x, W1l, b1.reshape(1, HIDDEN), W1r)

    a2, = _edge_agg(h, src, dst)

    out = pl.pallas_call(
        _tc2_body,
        grid=grid,
        in_specs=[_part_spec(HIDDEN, 0), _part_spec(HIDDEN, 1), _row_spec(16),
                  _row_spec(HIDDEN), _full_spec(N_CLASSES, HIDDEN),
                  _full_spec(1, N_CLASSES), _full_spec(N_CLASSES, HIDDEN)],
        out_specs=_row_spec(N_CLASSES),
        out_shape=jax.ShapeDtypeStruct((N_NODES, N_CLASSES), jnp.float32),
    )(a2, a2, dinv, h, W2l, b2.reshape(1, N_CLASSES), W2r)
    return out

# --- scband reference (transcript-rebuilt; emitter-appended) ---
"""Pipeline reference for scband-graph-sage-87110526698154 (READ-ONLY COPY).

The authoritative reference and input builder live on the scoring server;
editing this copy changes nothing except your own understanding.
"""

import jax, jax.numpy as jnp
import numpy as np

N_NODES = 10000
N_EDGES = 320000
D_FEAT = 128
HIDDEN = 128
N_CLASSES = 40


def setup_inputs(seed: int = 0) -> dict:
    key = jax.random.key(seed)
    ks = jax.random.split(key, 8)
    x = jax.random.normal(ks[0], (N_NODES, D_FEAT), dtype=jnp.float32)
    edge_index = jax.random.randint(ks[1], (2, N_EDGES), 0, N_NODES, dtype=jnp.int64 if jax.config.jax_enable_x64 else jnp.int32).astype(jnp.int32)
    s1 = 1.0 / np.sqrt(D_FEAT)
    s2 = 1.0 / np.sqrt(HIDDEN)
    W1l = jax.random.uniform(ks[2], (HIDDEN, D_FEAT), jnp.float32, -s1, s1)
    b1 = jax.random.uniform(ks[3], (HIDDEN,), jnp.float32, -s1, s1)
    W1r = jax.random.uniform(ks[4], (HIDDEN, D_FEAT), jnp.float32, -s1, s1)
    W2l = jax.random.uniform(ks[5], (N_CLASSES, HIDDEN), jnp.float32, -s2, s2)
    b2 = jax.random.uniform(ks[6], (N_CLASSES,), jnp.float32, -s2, s2)
    W2r = jax.random.uniform(ks[7], (N_CLASSES, HIDDEN), jnp.float32, -s2, s2)
    return {"x": x, "edge_index": edge_index, "W1l": W1l, "b1": b1, "W1r": W1r, "W2l": W2l, "b2": b2, "W2r": W2r}


def _sage_conv(x, src, dst, Wl, b, Wr, n_nodes):
    # PyG SAGEConv (aggr='mean', normalize=False):
    #   out = lin_l(mean_{j in N(i)} x_j) + lin_r(x_i)
    msg = jnp.take(x, src, axis=0)                      # gather  [E, d]
    agg = jax.ops.segment_sum(msg, dst, num_segments=n_nodes)  # scatter-add
    deg = jax.ops.segment_sum(jnp.ones((src.shape[0],), jnp.float32), dst, num_segments=n_nodes)
    agg = agg / jnp.clip(deg, 1.0, None)[:, None]        # mean aggregation
    return agg @ Wl.T + b + x @ Wr.T


def reference(x, edge_index, W1l, b1, W1r, W2l, b2, W2r):
    src = edge_index[0]
    dst = edge_index[1]
    n = x.shape[0]
    # dropout is identity in eval mode
    h = jax.nn.relu(_sage_conv(x, src, dst, W1l, b1, W1r, n))
    out = _sage_conv(h, src, dst, W2l, b2, W2r, n)
    return jax.nn.log_softmax(out, axis=1)

if __name__ == "__main__":
    import jax
    _d = setup_inputs()
    print(jax.jit(kernel)(*tuple(_d.values())))

</pallas_src>

<mosaic_0001>
#map = affine_map<(d0, d1) -> (0, 0)>
#map1 = affine_map<(d0, d1) -> (0)>
#map2 = affine_map<(d0, d1) -> (0, 0, 0)>
module attributes {stable_mosaic.version = 14 : i64} {
  func.func @_edge_agg(%arg0: i32, %arg1: i32, %arg2: memref<10000x128xf32, #tpu.memory_space<hbm>>, %arg3: memref<320000xi32, #tpu.memory_space<hbm>>, %arg4: memref<320000xi32, #tpu.memory_space<hbm>>, %arg5: memref<2x10240x128xf32, #tpu.memory_space<hbm>>, %arg6: memref<128xi32, #tpu.memory_space<vmem>>, %arg7: memref<128xi32, #tpu.memory_space<vmem>>, %arg8: memref<128x128xf32, #tpu.memory_space<vmem>>, %arg9: memref<128xi32, #tpu.memory_space<vmem>>, %arg10: memref<128xi32, #tpu.memory_space<vmem>>, %arg11: memref<128x128xf32, #tpu.memory_space<vmem>>, %arg12: memref<16xi32, #tpu.memory_space<vmem>>, %arg13: memref<16xi32, #tpu.memory_space<vmem>>, %arg14: memref<16x128xf32, #tpu.memory_space<vmem>>, %arg15: memref<32x128xf32, #tpu.memory_space<vmem>>, %arg16: memref<10240x128xf32, #tpu.memory_space<vmem_shared>>, %arg17: memref<!tpu.dma_semaphore, #tpu.memory_space<semaphore_mem>>, %arg18: memref<!tpu.dma_semaphore, #tpu.memory_space<semaphore_mem>>) attributes {dimension_semantics = [#tpu.dimension_semantics<core_parallel>, #tpu.dimension_semantics<subcore_parallel>], iteration_bounds = array<i64: 2, 16>, scalar_prefetch = 0 : i64, scratch_operands = 13 : i64, tpu.core_type = #tpu.core_type<sc_vector_subcore>, window_params = [{transform_indices = #map}, {transform_indices = #map1}, {transform_indices = #map1}, {transform_indices = #map2}]} {
    %mul3A = arith.constant 2 : i32
    %mul3A_0 = arith.muli %arg1, %mul3A : i32
    %add3A = arith.addi %mul3A_0, %arg0 : i32
    %mul3A_1 = arith.constant 640 : i32
    %mul3A_2 = arith.muli %arg1, %mul3A_1 : i32
    %scan3A = arith.constant 0 : i32
    %scan3A_3 = arith.constant 0 : i32
    %scan3A_4 = arith.constant 32 : i32
    %scan3A_5 = arith.addi %scan3A_3, %scan3A_4 : i32
    %scan3A_6 = arith.constant 1 : i32
    %scan3A_7 = scf.for %scan3A_65 = %scan3A_3 to %scan3A_5 step %scan3A_6 iter_args(%scan3A_66 = %scan3A) -> (i32)  : i32 {
      %broadcast_in_dim3A = arith.constant 0.000000e+00 : f32
      %broadcast_in_dim3A_67 = vector.broadcast %broadcast_in_dim3A : f32 to vector<16xf32>
      %swap3A = arith.index_cast %scan3A_65 : i32 to index
      %swap3A_68 = arith.constant 0 : index
      %swap3A_69 = tpu.vector_load %arg15[%swap3A, %swap3A_68] {strides = array<i32>} : memref<32x128xf32, #tpu.memory_space<vmem>>, vector<1x16xf32>,
      %swap3A_70 = vector.shape_cast %swap3A_69 : vector<1x16xf32> to vector<16xf32>
      %swap3A_71 = vector.shape_cast %broadcast_in_dim3A_67 : vector<16xf32> to vector<1x16xf32>
      tpu.vector_store %arg15[%swap3A, %swap3A_68], %swap3A_71 {strides = array<i32>} : memref<32x128xf32, #tpu.memory_space<vmem>>, vector<1x16xf32>,
      %broadcast_in_dim3A_72 = arith.constant 0.000000e+00 : f32
      %broadcast_in_dim3A_73 = vector.broadcast %broadcast_in_dim3A_72 : f32 to vector<16xf32>
      %swap3A_74 = arith.index_cast %scan3A_65 : i32 to index
      %swap3A_75 = arith.constant 16 : index
      %swap3A_76 = tpu.vector_load %arg15[%swap3A_74, %swap3A_75] {strides = array<i32>} : memref<32x128xf32, #tpu.memory_space<vmem>>, vector<1x16xf32>,
      %swap3A_77 = vector.shape_cast %swap3A_76 : vector<1x16xf32> to vector<16xf32>
      %swap3A_78 = vector.shape_cast %broadcast_in_dim3A_73 : vector<16xf32> to vector<1x16xf32>
      tpu.vector_store %arg15[%swap3A_74, %swap3A_75], %swap3A_78 {strides = array<i32>} : memref<32x128xf32, #tpu.memory_space<vmem>>, vector<1x16xf32>,
      %broadcast_in_dim3A_79 = arith.constant 0.000000e+00 : f32
      %broadcast_in_dim3A_80 = vector.broadcast %broadcast_in_dim3A_79 : f32 to vector<16xf32>
      %swap3A_81 = arith.index_cast %scan3A_65 : i32 to index
      %swap3A_82 = arith.constant 32 : index
      %swap3A_83 = tpu.vector_load %arg15[%swap3A_81, %swap3A_82] {strides = array<i32>} : memref<32x128xf32, #tpu.memory_space<vmem>>, vector<1x16xf32>,
      %swap3A_84 = vector.shape_cast %swap3A_83 : vector<1x16xf32> to vector<16xf32>
      %swap3A_85 = vector.shape_cast %broadcast_in_dim3A_80 : vector<16xf32> to vector<1x16xf32>
      tpu.vector_store %arg15[%swap3A_81, %swap3A_82], %swap3A_85 {strides = array<i32>} : memref<32x128xf32, #tpu.memory_space<vmem>>, vector<1x16xf32>,
      %broadcast_in_dim3A_86 = arith.constant 0.000000e+00 : f32
      %broadcast_in_dim3A_87 = vector.broadcast %broadcast_in_dim3A_86 : f32 to vector<16xf32>
      %swap3A_88 = arith.index_cast %scan3A_65 : i32 to index
      %swap3A_89 = arith.constant 48 : index
      %swap3A_90 = tpu.vector_load %arg15[%swap3A_88, %swap3A_89] {strides = array<i32>} : memref<32x128xf32, #tpu.memory_space<vmem>>, vector<1x16xf32>,
      %swap3A_91 = vector.shape_cast %swap3A_90 : vector<1x16xf32> to vector<16xf32>
      %swap3A_92 = vector.shape_cast %broadcast_in_dim3A_87 : vector<16xf32> to vector<1x16xf32>
      tpu.vector_store %arg15[%swap3A_88, %swap3A_89], %swap3A_92 {strides = array<i32>} : memref<32x128xf32, #tpu.memory_space<vmem>>, vector<1x16xf32>,
      %broadcast_in_dim3A_93 = arith.constant 0.000000e+00 : f32
      %broadcast_in_dim3A_94 = vector.broadcast %broadcast_in_dim3A_93 : f32 to vector<16xf32>
      %swap3A_95 = arith.index_cast %scan3A_65 : i32 to index
      %swap3A_96 = arith.constant 64 : index
      %swap3A_97 = tpu.vector_load %arg15[%swap3A_95, %swap3A_96] {strides = array<i32>} : memref<32x128xf32, #tpu.memory_space<vmem>>, vector<1x16xf32>,
      %swap3A_98 = vector.shape_cast %swap3A_97 : vector<1x16xf32> to vector<16xf32>
      %swap3A_99 = vector.shape_cast %broadcast_in_dim3A_94 : vector<16xf32> to vector<1x16xf32>
      tpu.vector_store %arg15[%swap3A_95, %swap3A_96], %swap3A_99 {strides = array<i32>} : memref<32x128xf32, #tpu.memory_space<vmem>>, vector<1x16xf32>,
      %broadcast_in_dim3A_100 = arith.constant 0.000000e+00 : f32
      %broadcast_in_dim3A_101 = vector.broadcast %broadcast_in_dim3A_100 : f32 to vector<16xf32>
      %swap3A_102 = arith.index_cast %scan3A_65 : i32 to index
      %swap3A_103 = arith.constant 80 : index
      %swap3A_104 = tpu.vector_load %arg15[%swap3A_102, %swap3A_103] {strides = array<i32>} : memref<32x128xf32, #tpu.memory_space<vmem>>, vector<1x16xf32>,
      %swap3A_105 = vector.shape_cast %swap3A_104 : vector<1x16xf32> to vector<16xf32>
      %swap3A_106 = vector.shape_cast %broadcast_in_dim3A_101 : vector<16xf32> to vector<1x16xf32>
      tpu.vector_store %arg15[%swap3A_102, %swap3A_103], %swap3A_106 {strides = array<i32>} : memref<32x128xf32, #tpu.memory_space<vmem>>, vector<1x16xf32>,
      %broadcast_in_dim3A_107 = arith.constant 0.000000e+00 : f32
      %broadcast_in_dim3A_108 = vector.broadcast %broadcast_in_dim3A_107 : f32 to vector<16xf32>
      %swap3A_109 = arith.index_cast %scan3A_65 : i32 to index
      %swap3A_110 = arith.constant 96 : index
      %swap3A_111 = tpu.vector_load %arg15[%swap3A_109, %swap3A_110] {strides = array<i32>} : memref<32x128xf32, #tpu.memory_space<vmem>>, vector<1x16xf32>,
      %swap3A_112 = vector.shape_cast %swap3A_111 : vector<1x16xf32> to vector<16xf32>
      %swap3A_113 = vector.shape_cast %broadcast_in_dim3A_108 : vector<16xf32> to vector<1x16xf32>
      tpu.vector_store %arg15[%swap3A_109, %swap3A_110], %swap3A_113 {strides = array<i32>} : memref<32x128xf32, #tpu.memory_space<vmem>>, vector<1x16xf32>,
      %broadcast_in_dim3A_114 = arith.constant 0.000000e+00 : f32
      %broadcast_in_dim3A_115 = vector.broadcast %broadcast_in_dim3A_114 : f32 to vector<16xf32>
      %swap3A_116 = arith.index_cast %scan3A_65 : i32 to index
      %swap3A_117 = arith.constant 112 : index
      %swap3A_118 = tpu.vector_load %arg15[%swap3A_116, %swap3A_117] {strides = array<i32>} : memref<32x128xf32, #tpu.memory_space<vmem>>, vector<1x16xf32>,
      %swap3A_119 = vector.shape_cast %swap3A_118 : vector<1x16xf32> to vector<16xf32>
      %swap3A_120 = vector.shape_cast %broadcast_in_dim3A_115 : vector<16xf32> to vector<1x16xf32>
      tpu.vector_store %arg15[%swap3A_116, %swap3A_117], %swap3A_120 {strides = array<i32>} : memref<32x128xf32, #tpu.memory_space<vmem>>, vector<1x16xf32>,
      %scan3A_121 = arith.constant 0 : i32
      scf.yield %scan3A_121 : i32
    }
    %scan3A_8 = arith.constant 32 : i32
    %add3A_9 = arith.constant 0 : i32
    %add3A_10 = arith.addi %mul3A_2, %add3A_9 : i32
    "tpu.region"() ({
      %run_scoped3A = tpu.sem_alloc : memref<!tpu.dma_semaphore, #tpu.memory_space<semaphore_mem>>
      %dma_start3A_65 = arith.constant 0 : i32
      %dma_start3A_66 = tpu.memref_slice %arg16[%add3A_10, %dma_start3A_65] : memref<10240x128xf32, #tpu.memory_space<vmem_shared>> -> memref<32x128xf32, #tpu.memory_space<vmem_shared>>
      %dma_start3A_67 = arith.constant 0 : i32
      %dma_start3A_68 = tpu.memref_slice %arg16[%add3A_10, %dma_start3A_67] : memref<10240x128xf32, #tpu.memory_space<vmem_shared>> -> memref<32x128xf32, #tpu.memory_space<vmem_shared>>
      tpu.enqueue_dma source(%arg15 : memref<32x128xf32, #tpu.memory_space<vmem>>) target(%dma_start3A_68 : memref<32x128xf32, #tpu.memory_space<vmem_shared>>) target_semaphore(%run_scoped3A : memref<!tpu.dma_semaphore, #tpu.memory_space<semaphore_mem>>)
      %dma_wait3A_69 = arith.constant 0 : i32
      %dma_wait3A_70 = tpu.memref_slice %arg16[%add3A_10, %dma_wait3A_69] : memref<10240x128xf32, #tpu.memory_space<vmem_shared>> -> memref<32x128xf32, #tpu.memory_space<vmem_shared>>
      %dma_wait3A_71 = arith.constant 0 : i32
      %dma_wait3A_72 = tpu.memref_slice %arg16[%add3A_10, %dma_wait3A_71] : memref<10240x128xf32, #tpu.memory_space<vmem_shared>> -> memref<32x128xf32, #tpu.memory_space<vmem_shared>>
      tpu.wait_dma2 semaphore(%run_scoped3A : memref<!tpu.dma_semaphore, #tpu.memory_space<semaphore_mem>>) src(%arg15 : memref<32x128xf32, #tpu.memory_space<vmem>>) dst(%dma_wait3A_72 : memref<32x128xf32, #tpu.memory_space<vmem_shared>>)
      tpu.yield
    }) : () -> ()
    %add3A_11 = arith.constant 32 : i32
    %add3A_12 = arith.addi %mul3A_2, %add3A_11 : i32
    "tpu.region"() ({
      %run_scoped3A = tpu.sem_alloc : memref<!tpu.dma_semaphore, #tpu.memory_space<semaphore_mem>>
      %dma_start3A_65 = arith.constant 0 : i32
      %dma_start3A_66 = tpu.memref_slice %arg16[%add3A_12, %dma_start3A_65] : memref<10240x128xf32, #tpu.memory_space<vmem_shared>> -> memref<32x128xf32, #tpu.memory_space<vmem_shared>>
      %dma_start3A_67 = arith.constant 0 : i32
      %dma_start3A_68 = tpu.memref_slice %arg16[%add3A_12, %dma_start3A_67] : memref<10240x128xf32, #tpu.memory_space<vmem_shared>> -> memref<32x128xf32, #tpu.memory_space<vmem_shared>>
      tpu.enqueue_dma source(%arg15 : memref<32x128xf32, #tpu.memory_space<vmem>>) target(%dma_start3A_68 : memref<32x128xf32, #tpu.memory_space<vmem_shared>>) target_semaphore(%run_scoped3A : memref<!tpu.dma_semaphore, #tpu.memory_space<semaphore_mem>>)
      %dma_wait3A_69 = arith.constant 0 : i32
      %dma_wait3A_70 = tpu.memref_slice %arg16[%add3A_12, %dma_wait3A_69] : memref<10240x128xf32, #tpu.memory_space<vmem_shared>> -> memref<32x128xf32, #tpu.memory_space<vmem_shared>>
      %dma_wait3A_71 = arith.constant 0 : i32
      %dma_wait3A_72 = tpu.memref_slice %arg16[%add3A_12, %dma_wait3A_71] : memref<10240x128xf32, #tpu.memory_space<vmem_shared>> -> memref<32x128xf32, #tpu.memory_space<vmem_shared>>
      tpu.wait_dma2 semaphore(%run_scoped3A : memref<!tpu.dma_semaphore, #tpu.memory_space<semaphore_mem>>) src(%arg15 : memref<32x128xf32, #tpu.memory_space<vmem>>) dst(%dma_wait3A_72 : memref<32x128xf32, #tpu.memory_space<vmem_shared>>)
      tpu.yield
    }) : () -> ()
    %add3A_13 = arith.constant 64 : i32
    %add3A_14 = arith.addi %mul3A_2, %add3A_13 : i32
    "tpu.region"() ({
      %run_scoped3A = tpu.sem_alloc : memref<!tpu.dma_semaphore, #tpu.memory_space<semaphore_mem>>
      %dma_start3A_65 = arith.constant 0 : i32
      %dma_start3A_66 = tpu.memref_slice %arg16[%add3A_14, %dma_start3A_65] : memref<10240x128xf32, #tpu.memory_space<vmem_shared>> -> memref<32x128xf32, #tpu.memory_space<vmem_shared>>
      %dma_start3A_67 = arith.constant 0 : i32
      %dma_start3A_68 = tpu.memref_slice %arg16[%add3A_14, %dma_start3A_67] : memref<10240x128xf32, #tpu.memory_space<vmem_shared>> -> memref<32x128xf32, #tpu.memory_space<vmem_shared>>
      tpu.enqueue_dma source(%arg15 : memref<32x128xf32, #tpu.memory_space<vmem>>) target(%dma_start3A_68 : memref<32x128xf32, #tpu.memory_space<vmem_shared>>) target_semaphore(%run_scoped3A : memref<!tpu.dma_semaphore, #tpu.memory_space<semaphore_mem>>)
      %dma_wait3A_69 = arith.constant 0 : i32
      %dma_wait3A_70 = tpu.memref_slice %arg16[%add3A_14, %dma_wait3A_69] : memref<10240x128xf32, #tpu.memory_space<vmem_shared>> -> memref<32x128xf32, #tpu.memory_space<vmem_shared>>
      %dma_wait3A_71 = arith.constant 0 : i32
      %dma_wait3A_72 = tpu.memref_slice %arg16[%add3A_14, %dma_wait3A_71] : memref<10240x128xf32, #tpu.memory_space<vmem_shared>> -> memref<32x128xf32, #tpu.memory_space<vmem_shared>>
      tpu.wait_dma2 semaphore(%run_scoped3A : memref<!tpu.dma_semaphore, #tpu.memory_space<semaphore_mem>>) src(%arg15 : memref<32x128xf32, #tpu.memory_space<vmem>>) dst(%dma_wait3A_72 : memref<32x128xf32, #tpu.memory_space<vmem_shared>>)
      tpu.yield
    }) : () -> ()
    %add3A_15 = arith.constant 96 : i32
    %add3A_16 = arith.addi %mul3A_2, %add3A_15 : i32
    "tpu.region"() ({
      %run_scoped3A = tpu.sem_alloc : memref<!tpu.dma_semaphore, #tpu.memory_space<semaphore_mem>>
      %dma_start3A_65 = arith.constant 0 : i32
      %dma_start3A_66 = tpu.memref_slice %arg16[%add3A_16, %dma_start3A_65] : memref<10240x128xf32, #tpu.memory_space<vmem_shared>> -> memref<32x128xf32, #tpu.memory_space<vmem_shared>>
      %dma_start3A_67 = arith.constant 0 : i32
      %dma_start3A_68 = tpu.memref_slice %arg16[%add3A_16, %dma_start3A_67] : memref<10240x128xf32, #tpu.memory_space<vmem_shared>> -> memref<32x128xf32, #tpu.memory_space<vmem_shared>>
      tpu.enqueue_dma source(%arg15 : memref<32x128xf32, #tpu.memory_space<vmem>>) target(%dma_start3A_68 : memref<32x128xf32, #tpu.memory_space<vmem_shared>>) target_semaphore(%run_scoped3A : memref<!tpu.dma_semaphore, #tpu.memory_space<semaphore_mem>>)
      %dma_wait3A_69 = arith.constant 0 : i32
      %dma_wait3A_70 = tpu.memref_slice %arg16[%add3A_16, %dma_wait3A_69] : memref<10240x128xf32, #tpu.memory_space<vmem_shared>> -> memref<32x128xf32, #tpu.memory_space<vmem_shared>>
      %dma_wait3A_71 = arith.constant 0 : i32
      %dma_wait3A_72 = tpu.memref_slice %arg16[%add3A_16, %dma_wait3A_71] : memref<10240x128xf32, #tpu.memory_space<vmem_shared>> -> memref<32x128xf32, #tpu.memory_space<vmem_shared>>
      tpu.wait_dma2 semaphore(%run_scoped3A : memref<!tpu.dma_semaphore, #tpu.memory_space<semaphore_mem>>) src(%arg15 : memref<32x128xf32, #tpu.memory_space<vmem>>) dst(%dma_wait3A_72 : memref<32x128xf32, #tpu.memory_space<vmem_shared>>)
      tpu.yield
    }) : () -> ()
    %add3A_17 = arith.constant 128 : i32
    %add3A_18 = arith.addi %mul3A_2, %add3A_17 : i32
    "tpu.region"() ({
      %run_scoped3A = tpu.sem_alloc : memref<!tpu.dma_semaphore, #tpu.memory_space<semaphore_mem>>
      %dma_start3A_65 = arith.constant 0 : i32
      %dma_start3A_66 = tpu.memref_slice %arg16[%add3A_18, %dma_start3A_65] : memref<10240x128xf32, #tpu.memory_space<vmem_shared>> -> memref<32x128xf32, #tpu.memory_space<vmem_shared>>
      %dma_start3A_67 = arith.constant 0 : i32
      %dma_start3A_68 = tpu.memref_slice %arg16[%add3A_18, %dma_start3A_67] : memref<10240x128xf32, #tpu.memory_space<vmem_shared>> -> memref<32x128xf32, #tpu.memory_space<vmem_shared>>
      tpu.enqueue_dma source(%arg15 : memref<32x128xf32, #tpu.memory_space<vmem>>) target(%dma_start3A_68 : memref<32x128xf32, #tpu.memory_space<vmem_shared>>) target_semaphore(%run_scoped3A : memref<!tpu.dma_semaphore, #tpu.memory_space<semaphore_mem>>)
      %dma_wait3A_69 = arith.constant 0 : i32
      %dma_wait3A_70 = tpu.memref_slice %arg16[%add3A_18, %dma_wait3A_69] : memref<10240x128xf32, #tpu.memory_space<vmem_shared>> -> memref<32x128xf32, #tpu.memory_space<vmem_shared>>
      %dma_wait3A_71 = arith.constant 0 : i32
      %dma_wait3A_72 = tpu.memref_slice %arg16[%add3A_18, %dma_wait3A_71] : memref<10240x128xf32, #tpu.memory_space<vmem_shared>> -> memref<32x128xf32, #tpu.memory_space<vmem_shared>>
      tpu.wait_dma2 semaphore(%run_scoped3A : memref<!tpu.dma_semaphore, #tpu.memory_space<semaphore_mem>>) src(%arg15 : memref<32x128xf32, #tpu.memory_space<vmem>>) dst(%dma_wait3A_72 : memref<32x128xf32, #tpu.memory_space<vmem_shared>>)
      tpu.yield
    }) : () -> ()
    %add3A_19 = arith.constant 160 : i32
    %add3A_20 = arith.addi %mul3A_2, %add3A_19 : i32
    "tpu.region"() ({
      %run_scoped3A = tpu.sem_alloc : memref<!tpu.dma_semaphore, #tpu.memory_space<semaphore_mem>>
      %dma_start3A_65 = arith.constant 0 : i32
      %dma_start3A_66 = tpu.memref_slice %arg16[%add3A_20, %dma_start3A_65] : memref<10240x128xf32, #tpu.memory_space<vmem_shared>> -> memref<32x128xf32, #tpu.memory_space<vmem_shared>>
      %dma_start3A_67 = arith.constant 0 : i32
      %dma_start3A_68 = tpu.memref_slice %arg16[%add3A_20, %dma_start3A_67] : memref<10240x128xf32, #tpu.memory_space<vmem_shared>> -> memref<32x128xf32, #tpu.memory_space<vmem_shared>>
      tpu.enqueue_dma source(%arg15 : memref<32x128xf32, #tpu.memory_space<vmem>>) target(%dma_start3A_68 : memref<32x128xf32, #tpu.memory_space<vmem_shared>>) target_semaphore(%run_scoped3A : memref<!tpu.dma_semaphore, #tpu.memory_space<semaphore_mem>>)
      %dma_wait3A_69 = arith.constant 0 : i32
      %dma_wait3A_70 = tpu.memref_slice %arg16[%add3A_20, %dma_wait3A_69] : memref<10240x128xf32, #tpu.memory_space<vmem_shared>> -> memref<32x128xf32, #tpu.memory_space<vmem_shared>>
      %dma_wait3A_71 = arith.constant 0 : i32
      %dma_wait3A_72 = tpu.memref_slice %arg16[%add3A_20, %dma_wait3A_71] : memref<10240x128xf32, #tpu.memory_space<vmem_shared>> -> memref<32x128xf32, #tpu.memory_space<vmem_shared>>
      tpu.wait_dma2 semaphore(%run_scoped3A : memref<!tpu.dma_semaphore, #tpu.memory_space<semaphore_mem>>) src(%arg15 : memref<32x128xf32, #tpu.memory_space<vmem>>) dst(%dma_wait3A_72 : memref<32x128xf32, #tpu.memory_space<vmem_shared>>)
      tpu.yield
    }) : () -> ()
    %add3A_21 = arith.constant 192 : i32
    %add3A_22 = arith.addi %mul3A_2, %add3A_21 : i32
    "tpu.region"() ({
      %run_scoped3A = tpu.sem_alloc : memref<!tpu.dma_semaphore, #tpu.memory_space<semaphore_mem>>
      %dma_start3A_65 = arith.constant 0 : i32
      %dma_start3A_66 = tpu.memref_slice %arg16[%add3A_22, %dma_start3A_65] : memref<10240x128xf32, #tpu.memory_space<vmem_shared>> -> memref<32x128xf32, #tpu.memory_space<vmem_shared>>
      %dma_start3A_67 = arith.constant 0 : i32
      %dma_start3A_68 = tpu.memref_slice %arg16[%add3A_22, %dma_start3A_67] : memref<10240x128xf32, #tpu.memory_space<vmem_shared>> -> memref<32x128xf32, #tpu.memory_space<vmem_shared>>
      tpu.enqueue_dma source(%arg15 : memref<32x128xf32, #tpu.memory_space<vmem>>) target(%dma_start3A_68 : memref<32x128xf32, #tpu.memory_space<vmem_shared>>) target_semaphore(%run_scoped3A : memref<!tpu.dma_semaphore, #tpu.memory_space<semaphore_mem>>)
      %dma_wait3A_69 = arith.constant 0 : i32
      %dma_wait3A_70 = tpu.memref_slice %arg16[%add3A_22, %dma_wait3A_69] : memref<10240x128xf32, #tpu.memory_space<vmem_shared>> -> memref<32x128xf32, #tpu.memory_space<vmem_shared>>
      %dma_wait3A_71 = arith.constant 0 : i32
      %dma_wait3A_72 = tpu.memref_slice %arg16[%add3A_22, %dma_wait3A_71] : memref<10240x128xf32, #tpu.memory_space<vmem_shared>> -> memref<32x128xf32, #tpu.memory_space<vmem_shared>>
      tpu.wait_dma2 semaphore(%run_scoped3A : memref<!tpu.dma_semaphore, #tpu.memory_space<semaphore_mem>>) src(%arg15 : memref<32x128xf32, #tpu.memory_space<vmem>>) dst(%dma_wait3A_72 : memref<32x128xf32, #tpu.memory_space<vmem_shared>>)
      tpu.yield
    }) : () -> ()
    %add3A_23 = arith.constant 224 : i32
    %add3A_24 = arith.addi %mul3A_2, %add3A_23 : i32
    "tpu.region"() ({
      %run_scoped3A = tpu.sem_alloc : memref<!tpu.dma_semaphore, #tpu.memory_space<semaphore_mem>>
      %dma_start3A_65 = arith.constant 0 : i32
      %dma_start3A_66 = tpu.memref_slice %arg16[%add3A_24, %dma_start3A_65] : memref<10240x128xf32, #tpu.memory_space<vmem_shared>> -> memref<32x128xf32, #tpu.memory_space<vmem_shared>>
      %dma_start3A_67 = arith.constant 0 : i32
      %dma_start3A_68 = tpu.memref_slice %arg16[%add3A_24, %dma_start3A_67] : memref<10240x128xf32, #tpu.memory_space<vmem_shared>> -> memref<32x128xf32, #tpu.memory_space<vmem_shared>>
      tpu.enqueue_dma source(%arg15 : memref<32x128xf32, #tpu.memory_space<vmem>>) target(%dma_start3A_68 : memref<32x128xf32, #tpu.memory_space<vmem_shared>>) target_semaphore(%run_scoped3A : memref<!tpu.dma_semaphore, #tpu.memory_space<semaphore_mem>>)
      %dma_wait3A_69 = arith.constant 0 : i32
      %dma_wait3A_70 = tpu.memref_slice %arg16[%add3A_24, %dma_wait3A_69] : memref<10240x128xf32, #tpu.memory_space<vmem_shared>> -> memref<32x128xf32, #tpu.memory_space<vmem_shared>>
      %dma_wait3A_71 = arith.constant 0 : i32
      %dma_wait3A_72 = tpu.memref_slice %arg16[%add3A_24, %dma_wait3A_71] : memref<10240x128xf32, #tpu.memory_space<vmem_shared>> -> memref<32x128xf32, #tpu.memory_space<vmem_shared>>
      tpu.wait_dma2 semaphore(%run_scoped3A : memref<!tpu.dma_semaphore, #tpu.memory_space<semaphore_mem>>) src(%arg15 : memref<32x128xf32, #tpu.memory_space<vmem>>) dst(%dma_wait3A_72 : memref<32x128xf32, #tpu.memory_space<vmem_shared>>)
      tpu.yield
    }) : () -> ()
    %add3A_25 = arith.constant 256 : i32
    %add3A_26 = arith.addi %mul3A_2, %add3A_25 : i32
    "tpu.region"() ({
      %run_scoped3A = tpu.sem_alloc : memref<!tpu.dma_semaphore, #tpu.memory_space<semaphore_mem>>
      %dma_start3A_65 = arith.constant 0 : i32
      %dma_start3A_66 = tpu.memref_slice %arg16[%add3A_26, %dma_start3A_65] : memref<10240x128xf32, #tpu.memory_space<vmem_shared>> -> memref<32x128xf32, #tpu.memory_space<vmem_shared>>
      %dma_start3A_67 = arith.constant 0 : i32
      %dma_start3A_68 = tpu.memref_slice %arg16[%add3A_26, %dma_start3A_67] : memref<10240x128xf32, #tpu.memory_space<vmem_shared>> -> memref<32x128xf32, #tpu.memory_space<vmem_shared>>
      tpu.enqueue_dma source(%arg15 : memref<32x128xf32, #tpu.memory_space<vmem>>) target(%dma_start3A_68 : memref<32x128xf32, #tpu.memory_space<vmem_shared>>) target_semaphore(%run_scoped3A : memref<!tpu.dma_semaphore, #tpu.memory_space<semaphore_mem>>)
      %dma_wait3A_69 = arith.constant 0 : i32
      %dma_wait3A_70 = tpu.memref_slice %arg16[%add3A_26, %dma_wait3A_69] : memref<10240x128xf32, #tpu.memory_space<vmem_shared>> -> memref<32x128xf32, #tpu.memory_space<vmem_shared>>
      %dma_wait3A_71 = arith.constant 0 : i32
      %dma_wait3A_72 = tpu.memref_slice %arg16[%add3A_26, %dma_wait3A_71] : memref<10240x128xf32, #tpu.memory_space<vmem_shared>> -> memref<32x128xf32, #tpu.memory_space<vmem_shared>>
      tpu.wait_dma2 semaphore(%run_scoped3A : memref<!tpu.dma_semaphore, #tpu.memory_space<semaphore_mem>>) src(%arg15 : memref<32x128xf32, #tpu.memory_space<vmem>>) dst(%dma_wait3A_72 : memref<32x128xf32, #tpu.memory_space<vmem_shared>>)
      tpu.yield
    }) : () -> ()
    %add3A_27 = arith.constant 288 : i32
    %add3A_28 = arith.addi %mul3A_2, %add3A_27 : i32
    "tpu.region"() ({
      %run_scoped3A = tpu.sem_alloc : memref<!tpu.dma_semaphore, #tpu.memory_space<semaphore_mem>>
      %dma_start3A_65 = arith.constant 0 : i32
      %dma_start3A_66 = tpu.memref_slice %arg16[%add3A_28, %dma_start3A_65] : memref<10240x128xf32, #tpu.memory_space<vmem_shared>> -> memref<32x128xf32, #tpu.memory_space<vmem_shared>>
      %dma_start3A_67 = arith.constant 0 : i32
      %dma_start3A_68 = tpu.memref_slice %arg16[%add3A_28, %dma_start3A_67] : memref<10240x128xf32, #tpu.memory_space<vmem_shared>> -> memref<32x128xf32, #tpu.memory_space<vmem_shared>>
      tpu.enqueue_dma source(%arg15 : memref<32x128xf32, #tpu.memory_space<vmem>>) target(%dma_start3A_68 : memref<32x128xf32, #tpu.memory_space<vmem_shared>>) target_semaphore(%run_scoped3A : memref<!tpu.dma_semaphore, #tpu.memory_space<semaphore_mem>>)
      %dma_wait3A_69 = arith.constant 0 : i32
      %dma_wait3A_70 = tpu.memref_slice %arg16[%add3A_28, %dma_wait3A_69] : memref<10240x128xf32, #tpu.memory_space<vmem_shared>> -> memref<32x128xf32, #tpu.memory_space<vmem_shared>>
      %dma_wait3A_71 = arith.constant 0 : i32
      %dma_wait3A_72 = tpu.memref_slice %arg16[%add3A_28, %dma_wait3A_71] : memref<10240x128xf32, #tpu.memory_space<vmem_shared>> -> memref<32x128xf32, #tpu.memory_space<vmem_shared>>
      tpu.wait_dma2 semaphore(%run_scoped3A : memref<!tpu.dma_semaphore, #tpu.memory_space<semaphore_mem>>) src(%arg15 : memref<32x128xf32, #tpu.memory_space<vmem>>) dst(%dma_wait3A_72 : memref<32x128xf32, #tpu.memory_space<vmem_shared>>)
      tpu.yield
    }) : () -> ()
    %add3A_29 = arith.constant 320 : i32
    %add3A_30 = arith.addi %mul3A_2, %add3A_29 : i32
    "tpu.region"() ({
      %run_scoped3A = tpu.sem_alloc : memref<!tpu.dma_semaphore, #tpu.memory_space<semaphore_mem>>
      %dma_start3A_65 = arith.constant 0 : i32
      %dma_start3A_66 = tpu.memref_slice %arg16[%add3A_30, %dma_start3A_65] : memref<10240x128xf32, #tpu.memory_space<vmem_shared>> -> memref<32x128xf32, #tpu.memory_space<vmem_shared>>
      %dma_start3A_67 = arith.constant 0 : i32
      %dma_start3A_68 = tpu.memref_slice %arg16[%add3A_30, %dma_start3A_67] : memref<10240x128xf32, #tpu.memory_space<vmem_shared>> -> memref<32x128xf32, #tpu.memory_space<vmem_shared>>
      tpu.enqueue_dma source(%arg15 : memref<32x128xf32, #tpu.memory_space<vmem>>) target(%dma_start3A_68 : memref<32x128xf32, #tpu.memory_space<vmem_shared>>) target_semaphore(%run_scoped3A : memref<!tpu.dma_semaphore, #tpu.memory_space<semaphore_mem>>)
      %dma_wait3A_69 = arith.constant 0 : i32
      %dma_wait3A_70 = tpu.memref_slice %arg16[%add3A_30, %dma_wait3A_69] : memref<10240x128xf32, #tpu.memory_space<vmem_shared>> -> memref<32x128xf32, #tpu.memory_space<vmem_shared>>
      %dma_wait3A_71 = arith.constant 0 : i32
      %dma_wait3A_72 = tpu.memref_slice %arg16[%add3A_30, %dma_wait3A_71] : memref<10240x128xf32, #tpu.memory_space<vmem_shared>> -> memref<32x128xf32, #tpu.memory_space<vmem_shared>>
      tpu.wait_dma2 semaphore(%run_scoped3A : memref<!tpu.dma_semaphore, #tpu.memory_space<semaphore_mem>>) src(%arg15 : memref<32x128xf32, #tpu.memory_space<vmem>>) dst(%dma_wait3A_72 : memref<32x128xf32, #tpu.memory_space<vmem_shared>>)
      tpu.yield
    }) : () -> ()
    %add3A_31 = arith.constant 352 : i32
    %add3A_32 = arith.addi %mul3A_2, %add3A_31 : i32
    "tpu.region"() ({
      %run_scoped3A = tpu.sem_alloc : memref<!tpu.dma_semaphore, #tpu.memory_space<semaphore_mem>>
      %dma_start3A_65 = arith.constant 0 : i32
      %dma_start3A_66 = tpu.memref_slice %arg16[%add3A_32, %dma_start3A_65] : memref<10240x128xf32, #tpu.memory_space<vmem_shared>> -> memref<32x128xf32, #tpu.memory_space<vmem_shared>>
      %dma_start3A_67 = arith.constant 0 : i32
      %dma_start3A_68 = tpu.memref_slice %arg16[%add3A_32, %dma_start3A_67] : memref<10240x128xf32, #tpu.memory_space<vmem_shared>> -> memref<32x128xf32, #tpu.memory_space<vmem_shared>>
      tpu.enqueue_dma source(%arg15 : memref<32x128xf32, #tpu.memory_space<vmem>>) target(%dma_start3A_68 : memref<32x128xf32, #tpu.memory_space<vmem_shared>>) target_semaphore(%run_scoped3A : memref<!tpu.dma_semaphore, #tpu.memory_space<semaphore_mem>>)
      %dma_wait3A_69 = arith.constant 0 : i32
      %dma_wait3A_70 = tpu.memref_slice %arg16[%add3A_32, %dma_wait3A_69] : memref<10240x128xf32, #tpu.memory_space<vmem_shared>> -> memref<32x128xf32, #tpu.memory_space<vmem_shared>>
      %dma_wait3A_71 = arith.constant 0 : i32
      %dma_wait3A_72 = tpu.memref_slice %arg16[%add3A_32, %dma_wait3A_71] : memref<10240x128xf32, #tpu.memory_space<vmem_shared>> -> memref<32x128xf32, #tpu.memory_space<vmem_shared>>
      tpu.wait_dma2 semaphore(%run_scoped3A : memref<!tpu.dma_semaphore, #tpu.memory_space<semaphore_mem>>) src(%arg15 : memref<32x128xf32, #tpu.memory_space<vmem>>) dst(%dma_wait3A_72 : memref<32x128xf32, #tpu.memory_space<vmem_shared>>)
      tpu.yield
    }) : () -> ()
    %add3A_33 = arith.constant 384 : i32
    %add3A_34 = arith.addi %mul3A_2, %add3A_33 : i32
    "tpu.region"() ({
      %run_scoped3A = tpu.sem_alloc : memref<!tpu.dma_semaphore, #tpu.memory_space<semaphore_mem>>
      %dma_start3A_65 = arith.constant 0 : i32
      %dma_start3A_66 = tpu.memref_slice %arg16[%add3A_34, %dma_start3A_65] : memref<10240x128xf32, #tpu.memory_space<vmem_shared>> -> memref<32x128xf32, #tpu.memory_space<vmem_shared>>
      %dma_start3A_67 = arith.constant 0 : i32
      %dma_start3A_68 = tpu.memref_slice %arg16[%add3A_34, %dma_start3A_67] : memref<10240x128xf32, #tpu.memory_space<vmem_shared>> -> memref<32x128xf32, #tpu.memory_space<vmem_shared>>
      tpu.enqueue_dma source(%arg15 : memref<32x128xf32, #tpu.memory_space<vmem>>) target(%dma_start3A_68 : memref<32x128xf32, #tpu.memory_space<vmem_shared>>) target_semaphore(%run_scoped3A : memref<!tpu.dma_semaphore, #tpu.memory_space<semaphore_mem>>)
      %dma_wait3A_69 = arith.constant 0 : i32
      %dma_wait3A_70 = tpu.memref_slice %arg16[%add3A_34, %dma_wait3A_69] : memref<10240x128xf32, #tpu.memory_space<vmem_shared>> -> memref<32x128xf32, #tpu.memory_space<vmem_shared>>
      %dma_wait3A_71 = arith.constant 0 : i32
      %dma_wait3A_72 = tpu.memref_slice %arg16[%add3A_34, %dma_wait3A_71] : memref<10240x128xf32, #tpu.memory_space<vmem_shared>> -> memref<32x128xf32, #tpu.memory_space<vmem_shared>>
      tpu.wait_dma2 semaphore(%run_scoped3A : memref<!tpu.dma_semaphore, #tpu.memory_space<semaphore_mem>>) src(%arg15 : memref<32x128xf32, #tpu.memory_space<vmem>>) dst(%dma_wait3A_72 : memref<32x128xf32, #tpu.memory_space<vmem_shared>>)
      tpu.yield
    }) : () -> ()
    %add3A_35 = arith.constant 416 : i32
    %add3A_36 = arith.addi %mul3A_2, %add3A_35 : i32
    "tpu.region"() ({
      %run_scoped3A = tpu.sem_alloc : memref<!tpu.dma_semaphore, #tpu.memory_space<semaphore_mem>>
      %dma_start3A_65 = arith.constant 0 : i32
      %dma_start3A_66 = tpu.memref_slice %arg16[%add3A_36, %dma_start3A_65] : memref<10240x128xf32, #tpu.memory_space<vmem_shared>> -> memref<32x128xf32, #tpu.memory_space<vmem_shared>>
      %dma_start3A_67 = arith.constant 0 : i32
      %dma_start3A_68 = tpu.memref_slice %arg16[%add3A_36, %dma_start3A_67] : memref<10240x128xf32, #tpu.memory_space<vmem_shared>> -> memref<32x128xf32, #tpu.memory_space<vmem_shared>>
      tpu.enqueue_dma source(%arg15 : memref<32x128xf32, #tpu.memory_space<vmem>>) target(%dma_start3A_68 : memref<32x128xf32, #tpu.memory_space<vmem_shared>>) target_semaphore(%run_scoped3A : memref<!tpu.dma_semaphore, #tpu.memory_space<semaphore_mem>>)
      %dma_wait3A_69 = arith.constant 0 : i32
      %dma_wait3A_70 = tpu.memref_slice %arg16[%add3A_36, %dma_wait3A_69] : memref<10240x128xf32, #tpu.memory_space<vmem_shared>> -> memref<32x128xf32, #tpu.memory_space<vmem_shared>>
      %dma_wait3A_71 = arith.constant 0 : i32
      %dma_wait3A_72 = tpu.memref_slice %arg16[%add3A_36, %dma_wait3A_71] : memref<10240x128xf32, #tpu.memory_space<vmem_shared>> -> memref<32x128xf32, #tpu.memory_space<vmem_shared>>
      tpu.wait_dma2 semaphore(%run_scoped3A : memref<!tpu.dma_semaphore, #tpu.memory_space<semaphore_mem>>) src(%arg15 : memref<32x128xf32, #tpu.memory_space<vmem>>) dst(%dma_wait3A_72 : memref<32x128xf32, #tpu.memory_space<vmem_shared>>)
      tpu.yield
    }) : () -> ()
    %add3A_37 = arith.constant 448 : i32
    %add3A_38 = arith.addi %mul3A_2, %add3A_37 : i32
    "tpu.region"() ({
      %run_scoped3A = tpu.sem_alloc : memref<!tpu.dma_semaphore, #tpu.memory_space<semaphore_mem>>
      %dma_start3A_65 = arith.constant 0 : i32
      %dma_start3A_66 = tpu.memref_slice %arg16[%add3A_38, %dma_start3A_65] : memref<10240x128xf32, #tpu.memory_space<vmem_shared>> -> memref<32x128xf32, #tpu.memory_space<vmem_shared>>
      %dma_start3A_67 = arith.constant 0 : i32
      %dma_start3A_68 = tpu.memref_slice %arg16[%add3A_38, %dma_start3A_67] : memref<10240x128xf32, #tpu.memory_space<vmem_shared>> -> memref<32x128xf32, #tpu.memory_space<vmem_shared>>
      tpu.enqueue_dma source(%arg15 : memref<32x128xf32, #tpu.memory_space<vmem>>) target(%dma_start3A_68 : memref<32x128xf32, #tpu.memory_space<vmem_shared>>) target_semaphore(%run_scoped3A : memref<!tpu.dma_semaphore, #tpu.memory_space<semaphore_mem>>)
      %dma_wait3A_69 = arith.constant 0 : i32
      %dma_wait3A_70 = tpu.memref_slice %arg16[%add3A_38, %dma_wait3A_69] : memref<10240x128xf32, #tpu.memory_space<vmem_shared>> -> memref<32x128xf32, #tpu.memory_space<vmem_shared>>
      %dma_wait3A_71 = arith.constant 0 : i32
      %dma_wait3A_72 = tpu.memref_slice %arg16[%add3A_38, %dma_wait3A_71] : memref<10240x128xf32, #tpu.memory_space<vmem_shared>> -> memref<32x128xf32, #tpu.memory_space<vmem_shared>>
      tpu.wait_dma2 semaphore(%run_scoped3A : memref<!tpu.dma_semaphore, #tpu.memory_space<semaphore_mem>>) src(%arg15 : memref<32x128xf32, #tpu.memory_space<vmem>>) dst(%dma_wait3A_72 : memref<32x128xf32, #tpu.memory_space<vmem_shared>>)
      tpu.yield
    }) : () -> ()
    %add3A_39 = arith.constant 480 : i32
    %add3A_40 = arith.addi %mul3A_2, %add3A_39 : i32
    "tpu.region"() ({
      %run_scoped3A = tpu.sem_alloc : memref<!tpu.dma_semaphore, #tpu.memory_space<semaphore_mem>>
      %dma_start3A_65 = arith.constant 0 : i32
      %dma_start3A_66 = tpu.memref_slice %arg16[%add3A_40, %dma_start3A_65] : memref<10240x128xf32, #tpu.memory_space<vmem_shared>> -> memref<32x128xf32, #tpu.memory_space<vmem_shared>>
      %dma_start3A_67 = arith.constant 0 : i32
      %dma_start3A_68 = tpu.memref_slice %arg16[%add3A_40, %dma_start3A_67] : memref<10240x128xf32, #tpu.memory_space<vmem_shared>> -> memref<32x128xf32, #tpu.memory_space<vmem_shared>>
      tpu.enqueue_dma source(%arg15 : memref<32x128xf32, #tpu.memory_space<vmem>>) target(%dma_start3A_68 : memref<32x128xf32, #tpu.memory_space<vmem_shared>>) target_semaphore(%run_scoped3A : memref<!tpu.dma_semaphore, #tpu.memory_space<semaphore_mem>>)
      %dma_wait3A_69 = arith.constant 0 : i32
      %dma_wait3A_70 = tpu.memref_slice %arg16[%add3A_40, %dma_wait3A_69] : memref<10240x128xf32, #tpu.memory_space<vmem_shared>> -> memref<32x128xf32, #tpu.memory_space<vmem_shared>>
      %dma_wait3A_71 = arith.constant 0 : i32
      %dma_wait3A_72 = tpu.memref_slice %arg16[%add3A_40, %dma_wait3A_71] : memref<10240x128xf32, #tpu.memory_space<vmem_shared>> -> memref<32x128xf32, #tpu.memory_space<vmem_shared>>
      tpu.wait_dma2 semaphore(%run_scoped3A : memref<!tpu.dma_semaphore, #tpu.memory_space<semaphore_mem>>) src(%arg15 : memref<32x128xf32, #tpu.memory_space<vmem>>) dst(%dma_wait3A_72 : memref<32x128xf32, #tpu.memory_space<vmem_shared>>)
      tpu.yield
    }) : () -> ()
    %add3A_41 = arith.constant 512 : i32
    %add3A_42 = arith.addi %mul3A_2, %add3A_41 : i32
    "tpu.region"() ({
      %run_scoped3A = tpu.sem_alloc : memref<!tpu.dma_semaphore, #tpu.memory_space<semaphore_mem>>
      %dma_start3A_65 = arith.constant 0 : i32
      %dma_start3A_66 = tpu.memref_slice %arg16[%add3A_42, %dma_start3A_65] : memref<10240x128xf32, #tpu.memory_space<vmem_shared>> -> memref<32x128xf32, #tpu.memory_space<vmem_shared>>
      %dma_start3A_67 = arith.constant 0 : i32
      %dma_start3A_68 = tpu.memref_slice %arg16[%add3A_42, %dma_start3A_67] : memref<10240x128xf32, #tpu.memory_space<vmem_shared>> -> memref<32x128xf32, #tpu.memory_space<vmem_shared>>
      tpu.enqueue_dma source(%arg15 : memref<32x128xf32, #tpu.memory_space<vmem>>) target(%dma_start3A_68 : memref<32x128xf32, #tpu.memory_space<vmem_shared>>) target_semaphore(%run_scoped3A : memref<!tpu.dma_semaphore, #tpu.memory_space<semaphore_mem>>)
      %dma_wait3A_69 = arith.constant 0 : i32
      %dma_wait3A_70 = tpu.memref_slice %arg16[%add3A_42, %dma_wait3A_69] : memref<10240x128xf32, #tpu.memory_space<vmem_shared>> -> memref<32x128xf32, #tpu.memory_space<vmem_shared>>
      %dma_wait3A_71 = arith.constant 0 : i32
      %dma_wait3A_72 = tpu.memref_slice %arg16[%add3A_42, %dma_wait3A_71] : memref<10240x128xf32, #tpu.memory_space<vmem_shared>> -> memref<32x128xf32, #tpu.memory_space<vmem_shared>>
      tpu.wait_dma2 semaphore(%run_scoped3A : memref<!tpu.dma_semaphore, #tpu.memory_space<semaphore_mem>>) src(%arg15 : memref<32x128xf32, #tpu.memory_space<vmem>>) dst(%dma_wait3A_72 : memref<32x128xf32, #tpu.memory_space<vmem_shared>>)
      tpu.yield
    }) : () -> ()
    %add3A_43 = arith.constant 544 : i32
    %add3A_44 = arith.addi %mul3A_2, %add3A_43 : i32
    "tpu.region"() ({
      %run_scoped3A = tpu.sem_alloc : memref<!tpu.dma_semaphore, #tpu.memory_space<semaphore_mem>>
      %dma_start3A_65 = arith.constant 0 : i32
      %dma_start3A_66 = tpu.memref_slice %arg16[%add3A_44, %dma_start3A_65] : memref<10240x128xf32, #tpu.memory_space<vmem_shared>> -> memref<32x128xf32, #tpu.memory_space<vmem_shared>>
      %dma_start3A_67 = arith.constant 0 : i32
      %dma_start3A_68 = tpu.memref_slice %arg16[%add3A_44, %dma_start3A_67] : memref<10240x128xf32, #tpu.memory_space<vmem_shared>> -> memref<32x128xf32, #tpu.memory_space<vmem_shared>>
      tpu.enqueue_dma source(%arg15 : memref<32x128xf32, #tpu.memory_space<vmem>>) target(%dma_start3A_68 : memref<32x128xf32, #tpu.memory_space<vmem_shared>>) target_semaphore(%run_scoped3A : memref<!tpu.dma_semaphore, #tpu.memory_space<semaphore_mem>>)
      %dma_wait3A_69 = arith.constant 0 : i32
      %dma_wait3A_70 = tpu.memref_slice %arg16[%add3A_44, %dma_wait3A_69] : memref<10240x128xf32, #tpu.memory_space<vmem_shared>> -> memref<32x128xf32, #tpu.memory_space<vmem_shared>>
      %dma_wait3A_71 = arith.constant 0 : i32
      %dma_wait3A_72 = tpu.memref_slice %arg16[%add3A_44, %dma_wait3A_71] : memref<10240x128xf32, #tpu.memory_space<vmem_shared>> -> memref<32x128xf32, #tpu.memory_space<vmem_shared>>
      tpu.wait_dma2 semaphore(%run_scoped3A : memref<!tpu.dma_semaphore, #tpu.memory_space<semaphore_mem>>) src(%arg15 : memref<32x128xf32, #tpu.memory_space<vmem>>) dst(%dma_wait3A_72 : memref<32x128xf32, #tpu.memory_space<vmem_shared>>)
      tpu.yield
    }) : () -> ()
    %add3A_45 = arith.constant 576 : i32
    %add3A_46 = arith.addi %mul3A_2, %add3A_45 : i32
    "tpu.region"() ({
      %run_scoped3A = tpu.sem_alloc : memref<!tpu.dma_semaphore, #tpu.memory_space<semaphore_mem>>
      %dma_start3A_65 = arith.constant 0 : i32
      %dma_start3A_66 = tpu.memref_slice %arg16[%add3A_46, %dma_start3A_65] : memref<10240x128xf32, #tpu.memory_space<vmem_shared>> -> memref<32x128xf32, #tpu.memory_space<vmem_shared>>
      %dma_start3A_67 = arith.constant 0 : i32
      %dma_start3A_68 = tpu.memref_slice %arg16[%add3A_46, %dma_start3A_67] : memref<10240x128xf32, #tpu.memory_space<vmem_shared>> -> memref<32x128xf32, #tpu.memory_space<vmem_shared>>
      tpu.enqueue_dma source(%arg15 : memref<32x128xf32, #tpu.memory_space<vmem>>) target(%dma_start3A_68 : memref<32x128xf32, #tpu.memory_space<vmem_shared>>) target_semaphore(%run_scoped3A : memref<!tpu.dma_semaphore, #tpu.memory_space<semaphore_mem>>)
      %dma_wait3A_69 = arith.constant 0 : i32
      %dma_wait3A_70 = tpu.memref_slice %arg16[%add3A_46, %dma_wait3A_69] : memref<10240x128xf32, #tpu.memory_space<vmem_shared>> -> memref<32x128xf32, #tpu.memory_space<vmem_shared>>
      %dma_wait3A_71 = arith.constant 0 : i32
      %dma_wait3A_72 = tpu.memref_slice %arg16[%add3A_46, %dma_wait3A_71] : memref<10240x128xf32, #tpu.memory_space<vmem_shared>> -> memref<32x128xf32, #tpu.memory_space<vmem_shared>>
      tpu.wait_dma2 semaphore(%run_scoped3A : memref<!tpu.dma_semaphore, #tpu.memory_space<semaphore_mem>>) src(%arg15 : memref<32x128xf32, #tpu.memory_space<vmem>>) dst(%dma_wait3A_72 : memref<32x128xf32, #tpu.memory_space<vmem_shared>>)
      tpu.yield
    }) : () -> ()
    %add3A_47 = arith.constant 608 : i32
    %add3A_48 = arith.addi %mul3A_2, %add3A_47 : i32
    "tpu.region"() ({
      %run_scoped3A = tpu.sem_alloc : memref<!tpu.dma_semaphore, #tpu.memory_space<semaphore_mem>>
      %dma_start3A_65 = arith.constant 0 : i32
      %dma_start3A_66 = tpu.memref_slice %arg16[%add3A_48, %dma_start3A_65] : memref<10240x128xf32, #tpu.memory_space<vmem_shared>> -> memref<32x128xf32, #tpu.memory_space<vmem_shared>>
      %dma_start3A_67 = arith.constant 0 : i32
      %dma_start3A_68 = tpu.memref_slice %arg16[%add3A_48, %dma_start3A_67] : memref<10240x128xf32, #tpu.memory_space<vmem_shared>> -> memref<32x128xf32, #tpu.memory_space<vmem_shared>>
      tpu.enqueue_dma source(%arg15 : memref<32x128xf32, #tpu.memory_space<vmem>>) target(%dma_start3A_68 : memref<32x128xf32, #tpu.memory_space<vmem_shared>>) target_semaphore(%run_scoped3A : memref<!tpu.dma_semaphore, #tpu.memory_space<semaphore_mem>>)
      %dma_wait3A_69 = arith.constant 0 : i32
      %dma_wait3A_70 = tpu.memref_slice %arg16[%add3A_48, %dma_wait3A_69] : memref<10240x128xf32, #tpu.memory_space<vmem_shared>> -> memref<32x128xf32, #tpu.memory_space<vmem_shared>>
      %dma_wait3A_71 = arith.constant 0 : i32
      %dma_wait3A_72 = tpu.memref_slice %arg16[%add3A_48, %dma_wait3A_71] : memref<10240x128xf32, #tpu.memory_space<vmem_shared>> -> memref<32x128xf32, #tpu.memory_space<vmem_shared>>
      tpu.wait_dma2 semaphore(%run_scoped3A : memref<!tpu.dma_semaphore, #tpu.memory_space<semaphore_mem>>) src(%arg15 : memref<32x128xf32, #tpu.memory_space<vmem>>) dst(%dma_wait3A_72 : memref<32x128xf32, #tpu.memory_space<vmem_shared>>)
      tpu.yield
    }) : () -> ()
    %barrier3A = arith.constant 0 : index
    tpu.barrier barrier_id(%barrier3A)
    %mul3A_49 = arith.constant 10000 : i32
    %mul3A_50 = arith.muli %add3A, %mul3A_49 : i32
    %scan3A_51 = arith.constant 0 : i32
    %scan3A_52 = arith.constant 0 : i32
    %scan3A_53 = arith.constant 39 : i32
    %scan3A_54 = arith.addi %scan3A_52, %scan3A_53 : i32
    %scan3A_55 = arith.constant 1 : i32
    %scan3A_56 = scf.for %scan3A_65 = %scan3A_52 to %scan3A_54 step %scan3A_55 iter_args(%scan3A_66 = %scan3A_51) -> (i32)  : i32 {
      %mul3A_67 = arith.constant 2 : i32
      %mul3A_68 = arith.muli %mul3A_67, %scan3A_65 : i32
      %mul3A_69 = arith.constant 128 : i32
      %mul3A_70 = arith.muli %mul3A_68, %mul3A_69 : i32
      %add3A_71 = arith.addi %mul3A_50, %mul3A_70 : i32
      %add3A_72 = arith.constant 128 : i32
      %add3A_73 = arith.addi %add3A_71, %add3A_72 : i32
      "tpu.region"() ({
        %run_scoped3A = tpu.sem_alloc : memref<!tpu.dma_semaphore, #tpu.memory_space<semaphore_mem>>
        %dma_start3A_87 = tpu.memref_slice %arg3[%add3A_71] : memref<320000xi32, #tpu.memory_space<hbm>> -> memref<128xi32, #tpu.memory_space<hbm>>
        %dma_start3A_88 = tpu.memref_slice %arg3[%add3A_71] : memref<320000xi32, #tpu.memory_space<hbm>> -> memref<128xi32, #tpu.memory_space<hbm>>
        tpu.enqueue_dma source(%dma_start3A_88 : memref<128xi32, #tpu.memory_space<hbm>>) target(%arg6 : memref<128xi32, #tpu.memory_space<vmem>>) target_semaphore(%run_scoped3A : memref<!tpu.dma_semaphore, #tpu.memory_space<semaphore_mem>>)
        %dma_wait3A_89 = tpu.memref_slice %arg3[%add3A_71] : memref<320000xi32, #tpu.memory_space<hbm>> -> memref<128xi32, #tpu.memory_space<hbm>>
        %dma_wait3A_90 = tpu.memref_slice %arg3[%add3A_71] : memref<320000xi32, #tpu.memory_space<hbm>> -> memref<128xi32, #tpu.memory_space<hbm>>
        tpu.wait_dma2 semaphore(%run_scoped3A : memref<!tpu.dma_semaphore, #tpu.memory_space<semaphore_mem>>) src(%dma_wait3A_90 : memref<128xi32, #tpu.memory_space<hbm>>) dst(%arg6 : memref<128xi32, #tpu.memory_space<vmem>>)
        tpu.yield
      }) : () -> ()
      %dma_start3A_74 = arith.constant 0 : i32
      %dma_start3A_75 = arith.constant 0 : i32
      %dma_start3A_76 = tpu.memref_slice %arg2[%dma_start3A_74, %dma_start3A_75] : memref<10000x128xf32, #tpu.memory_space<hbm>> -> memref<10000x128xf32, #tpu.memory_space<hbm>>
      tpu.enqueue_indirect_dma source(%dma_start3A_76 : memref<10000x128xf32, #tpu.memory_space<hbm>>) target(%arg8 : memref<128x128xf32, #tpu.memory_space<vmem>>) offsets(%arg6 : memref<128xi32, #tpu.memory_space<vmem>>) semaphore(%arg17 : memref<!tpu.dma_semaphore, #tpu.memory_space<semaphore_mem>>)
      "tpu.region"() ({
        %run_scoped3A = tpu.sem_alloc : memref<!tpu.dma_semaphore, #tpu.memory_space<semaphore_mem>>
        %dma_start3A_87 = tpu.memref_slice %arg4[%add3A_71] : memref<320000xi32, #tpu.memory_space<hbm>> -> memref<128xi32, #tpu.memory_space<hbm>>
        %dma_start3A_88 = tpu.memref_slice %arg4[%add3A_71] : memref<320000xi32, #tpu.memory_space<hbm>> -> memref<128xi32, #tpu.memory_space<hbm>>
        tpu.enqueue_dma source(%dma_start3A_88 : memref<128xi32, #tpu.memory_space<hbm>>) target(%arg7 : memref<128xi32, #tpu.memory_space<vmem>>) target_semaphore(%run_scoped3A : memref<!tpu.dma_semaphore, #tpu.memory_space<semaphore_mem>>)
        %dma_wait3A_89 = tpu.memref_slice %arg4[%add3A_71] : memref<320000xi32, #tpu.memory_space<hbm>> -> memref<128xi32, #tpu.memory_space<hbm>>
        %dma_wait3A_90 = tpu.memref_slice %arg4[%add3A_71] : memref<320000xi32, #tpu.memory_space<hbm>> -> memref<128xi32, #tpu.memory_space<hbm>>
        tpu.wait_dma2 semaphore(%run_scoped3A : memref<!tpu.dma_semaphore, #tpu.memory_space<semaphore_mem>>) src(%dma_wait3A_90 : memref<128xi32, #tpu.memory_space<hbm>>) dst(%arg7 : memref<128xi32, #tpu.memory_space<vmem>>)
        tpu.yield
      }) : () -> ()
      "tpu.region"() ({
        %run_scoped3A = tpu.sem_alloc : memref<!tpu.dma_semaphore, #tpu.memory_space<semaphore_mem>>
        %dma_start3A_87 = tpu.memref_slice %arg3[%add3A_73] : memref<320000xi32, #tpu.memory_space<hbm>> -> memref<128xi32, #tpu.memory_space<hbm>>
        %dma_start3A_88 = tpu.memref_slice %arg3[%add3A_73] : memref<320000xi32, #tpu.memory_space<hbm>> -> memref<128xi32, #tpu.memory_space<hbm>>
        tpu.enqueue_dma source(%dma_start3A_88 : memref<128xi32, #tpu.memory_space<hbm>>) target(%arg9 : memref<128xi32, #tpu.memory_space<vmem>>) target_semaphore(%run_scoped3A : memref<!tpu.dma_semaphore, #tpu.memory_space<semaphore_mem>>)
        %dma_wait3A_89 = tpu.memref_slice %arg3[%add3A_73] : memref<320000xi32, #tpu.memory_space<hbm>> -> memref<128xi32, #tpu.memory_space<hbm>>
        %dma_wait3A_90 = tpu.memref_slice %arg3[%add3A_73] : memref<320000xi32, #tpu.memory_space<hbm>> -> memref<128xi32, #tpu.memory_space<hbm>>
        tpu.wait_dma2 semaphore(%run_scoped3A : memref<!tpu.dma_semaphore, #tpu.memory_space<semaphore_mem>>) src(%dma_wait3A_90 : memref<128xi32, #tpu.memory_space<hbm>>) dst(%arg9 : memref<128xi32, #tpu.memory_space<vmem>>)
        tpu.yield
      }) : () -> ()
      %dma_start3A_77 = arith.constant 0 : i32
      %dma_start3A_78 = arith.constant 0 : i32
      %dma_start3A_79 = tpu.memref_slice %arg2[%dma_start3A_77, %dma_start3A_78] : memref<10000x128xf32, #tpu.memory_space<hbm>> -> memref<10000x128xf32, #tpu.memory_space<hbm>>
      tpu.enqueue_indirect_dma source(%dma_start3A_79 : memref<10000x128xf32, #tpu.memory_space<hbm>>) target(%arg11 : memref<128x128xf32, #tpu.memory_space<vmem>>) offsets(%arg9 : memref<128xi32, #tpu.memory_space<vmem>>) semaphore(%arg18 : memref<!tpu.dma_semaphore, #tpu.memory_space<semaphore_mem>>)
      "tpu.region"() ({
        %run_scoped3A = tpu.sem_alloc : memref<!tpu.dma_semaphore, #tpu.memory_space<semaphore_mem>>
        %dma_start3A_87 = tpu.memref_slice %arg4[%add3A_73] : memref<320000xi32, #tpu.memory_space<hbm>> -> memref<128xi32, #tpu.memory_space<hbm>>
        %dma_start3A_88 = tpu.memref_slice %arg4[%add3A_73] : memref<320000xi32, #tpu.memory_space<hbm>> -> memref<128xi32, #tpu.memory_space<hbm>>
        tpu.enqueue_dma source(%dma_start3A_88 : memref<128xi32, #tpu.memory_space<hbm>>) target(%arg10 : memref<128xi32, #tpu.memory_space<vmem>>) target_semaphore(%run_scoped3A : memref<!tpu.dma_semaphore, #tpu.memory_space<semaphore_mem>>)
        %dma_wait3A_89 = tpu.memref_slice %arg4[%add3A_73] : memref<320000xi32, #tpu.memory_space<hbm>> -> memref<128xi32, #tpu.memory_space<hbm>>
        %dma_wait3A_90 = tpu.memref_slice %arg4[%add3A_73] : memref<320000xi32, #tpu.memory_space<hbm>> -> memref<128xi32, #tpu.memory_space<hbm>>
        tpu.wait_dma2 semaphore(%run_scoped3A : memref<!tpu.dma_semaphore, #tpu.memory_space<semaphore_mem>>) src(%dma_wait3A_90 : memref<128xi32, #tpu.memory_space<hbm>>) dst(%arg10 : memref<128xi32, #tpu.memory_space<vmem>>)
        tpu.yield
      }) : () -> ()
      %dma_wait3A_80 = arith.constant 0 : i32
      %dma_wait3A_81 = arith.constant 0 : i32
      %dma_wait3A_82 = tpu.memref_slice %arg2[%dma_wait3A_80, %dma_wait3A_81] : memref<10000x128xf32, #tpu.memory_space<hbm>> -> memref<10000x128xf32, #tpu.memory_space<hbm>>
      tpu.wait_indirect_dma semaphore(%arg17 : memref<!tpu.dma_semaphore, #tpu.memory_space<semaphore_mem>>) src(%dma_wait3A_82 : memref<10000x128xf32, #tpu.memory_space<hbm>>) dst(%arg8 : memref<128x128xf32, #tpu.memory_space<vmem>>)
      "tpu.region"() ({
        %run_scoped3A = tpu.sem_alloc : memref<!tpu.dma_semaphore, #tpu.memory_space<semaphore_mem>>
        %dma_start3A_87 = arith.constant 0 : i32
        %dma_start3A_88 = arith.constant 0 : i32
        %dma_start3A_89 = tpu.memref_slice %arg16[%dma_start3A_87, %dma_start3A_88] : memref<10240x128xf32, #tpu.memory_space<vmem_shared>> -> memref<10240x128xf32, #tpu.memory_space<vmem_shared>>
        tpu.enqueue_indirect_dma source(%arg8 : memref<128x128xf32, #tpu.memory_space<vmem>>) target(%dma_start3A_89 : memref<10240x128xf32, #tpu.memory_space<vmem_shared>>) offsets(%arg7 : memref<128xi32, #tpu.memory_space<vmem>>) semaphore(%run_scoped3A : memref<!tpu.dma_semaphore, #tpu.memory_space<semaphore_mem>>) {add = true}
        %dma_wait3A_90 = arith.constant 0 : i32
        %dma_wait3A_91 = arith.constant 0 : i32
        %dma_wait3A_92 = tpu.memref_slice %arg16[%dma_wait3A_90, %dma_wait3A_91] : memref<10240x128xf32, #tpu.memory_space<vmem_shared>> -> memref<10240x128xf32, #tpu.memory_space<vmem_shared>>
        tpu.wait_indirect_dma semaphore(%run_scoped3A : memref<!tpu.dma_semaphore, #tpu.memory_space<semaphore_mem>>) src(%arg8 : memref<128x128xf32, #tpu.memory_space<vmem>>) dst(%dma_wait3A_92 : memref<10240x128xf32, #tpu.memory_space<vmem_shared>>)
        tpu.yield
      }) : () -> ()
      %dma_wait3A_83 = arith.constant 0 : i32
      %dma_wait3A_84 = arith.constant 0 : i32
      %dma_wait3A_85 = tpu.memref_slice %arg2[%dma_wait3A_83, %dma_wait3A_84] : memref<10000x128xf32, #tpu.memory_space<hbm>> -> memref<10000x128xf32, #tpu.memory_space<hbm>>
      tpu.wait_indirect_dma semaphore(%arg18 : memref<!tpu.dma_semaphore, #tpu.memory_space<semaphore_mem>>) src(%dma_wait3A_85 : memref<10000x128xf32, #tpu.memory_space<hbm>>) dst(%arg11 : memref<128x128xf32, #tpu.memory_space<vmem>>)
      "tpu.region"() ({
        %run_scoped3A = tpu.sem_alloc : memref<!tpu.dma_semaphore, #tpu.memory_space<semaphore_mem>>
        %dma_start3A_87 = arith.constant 0 : i32
        %dma_start3A_88 = arith.constant 0 : i32
        %dma_start3A_89 = tpu.memref_slice %arg16[%dma_start3A_87, %dma_start3A_88] : memref<10240x128xf32, #tpu.memory_space<vmem_shared>> -> memref<10240x128xf32, #tpu.memory_space<vmem_shared>>
        tpu.enqueue_indirect_dma source(%arg11 : memref<128x128xf32, #tpu.memory_space<vmem>>) target(%dma_start3A_89 : memref<10240x128xf32, #tpu.memory_space<vmem_shared>>) offsets(%arg10 : memref<128xi32, #tpu.memory_space<vmem>>) semaphore(%run_scoped3A : memref<!tpu.dma_semaphore, #tpu.memory_space<semaphore_mem>>) {add = true}
        %dma_wait3A_90 = arith.constant 0 : i32
        %dma_wait3A_91 = arith.constant 0 : i32
        %dma_wait3A_92 = tpu.memref_slice %arg16[%dma_wait3A_90, %dma_wait3A_91] : memref<10240x128xf32, #tpu.memory_space<vmem_shared>> -> memref<10240x128xf32, #tpu.memory_space<vmem_shared>>
        tpu.wait_indirect_dma semaphore(%run_scoped3A : memref<!tpu.dma_semaphore, #tpu.memory_space<semaphore_mem>>) src(%arg11 : memref<128x128xf32, #tpu.memory_space<vmem>>) dst(%dma_wait3A_92 : memref<10240x128xf32, #tpu.memory_space<vmem_shared>>)
        tpu.yield
      }) : () -> ()
      %scan3A_86 = arith.constant 0 : i32
      scf.yield %scan3A_86 : i32
    }
    %scan3A_57 = arith.constant 39 : i32
    %add3A_58 = arith.constant 9984 : i32
    %add3A_59 = arith.addi %mul3A_50, %add3A_58 : i32
    "tpu.region"() ({
      %run_scoped3A = tpu.sem_alloc : memref<!tpu.dma_semaphore, #tpu.memory_space<semaphore_mem>>
      %dma_start3A_65 = tpu.memref_slice %arg3[%add3A_59] : memref<320000xi32, #tpu.memory_space<hbm>> -> memref<16xi32, #tpu.memory_space<hbm>>
      %dma_start3A_66 = tpu.memref_slice %arg3[%add3A_59] : memref<320000xi32, #tpu.memory_space<hbm>> -> memref<16xi32, #tpu.memory_space<hbm>>
      tpu.enqueue_dma source(%dma_start3A_66 : memref<16xi32, #tpu.memory_space<hbm>>) target(%arg12 : memref<16xi32, #tpu.memory_space<vmem>>) target_semaphore(%run_scoped3A : memref<!tpu.dma_semaphore, #tpu.memory_space<semaphore_mem>>)
      %dma_wait3A_67 = tpu.memref_slice %arg3[%add3A_59] : memref<320000xi32, #tpu.memory_space<hbm>> -> memref<16xi32, #tpu.memory_space<hbm>>
      %dma_wait3A_68 = tpu.memref_slice %arg3[%add3A_59] : memref<320000xi32, #tpu.memory_space<hbm>> -> memref<16xi32, #tpu.memory_space<hbm>>
      tpu.wait_dma2 semaphore(%run_scoped3A : memref<!tpu.dma_semaphore, #tpu.memory_space<semaphore_mem>>) src(%dma_wait3A_68 : memref<16xi32, #tpu.memory_space<hbm>>) dst(%arg12 : memref<16xi32, #tpu.memory_space<vmem>>)
      tpu.yield
    }) : () -> ()
    "tpu.region"() ({
      %run_scoped3A = tpu.sem_alloc : memref<!tpu.dma_semaphore, #tpu.memory_space<semaphore_mem>>
      %dma_start3A_65 = tpu.memref_slice %arg4[%add3A_59] : memref<320000xi32, #tpu.memory_space<hbm>> -> memref<16xi32, #tpu.memory_space<hbm>>
      %dma_start3A_66 = tpu.memref_slice %arg4[%add3A_59] : memref<320000xi32, #tpu.memory_space<hbm>> -> memref<16xi32, #tpu.memory_space<hbm>>
      tpu.enqueue_dma source(%dma_start3A_66 : memref<16xi32, #tpu.memory_space<hbm>>) target(%arg13 : memref<16xi32, #tpu.memory_space<vmem>>) target_semaphore(%run_scoped3A : memref<!tpu.dma_semaphore, #tpu.memory_space<semaphore_mem>>)
      %dma_wait3A_67 = tpu.memref_slice %arg4[%add3A_59] : memref<320000xi32, #tpu.memory_space<hbm>> -> memref<16xi32, #tpu.memory_space<hbm>>
      %dma_wait3A_68 = tpu.memref_slice %arg4[%add3A_59] : memref<320000xi32, #tpu.memory_space<hbm>> -> memref<16xi32, #tpu.memory_space<hbm>>
      tpu.wait_dma2 semaphore(%run_scoped3A : memref<!tpu.dma_semaphore, #tpu.memory_space<semaphore_mem>>) src(%dma_wait3A_68 : memref<16xi32, #tpu.memory_space<hbm>>) dst(%arg13 : memref<16xi32, #tpu.memory_space<vmem>>)
      tpu.yield
    }) : () -> ()
    %dma_start3A = arith.constant 0 : i32
    %dma_start3A_60 = arith.constant 0 : i32
    %dma_start3A_61 = tpu.memref_slice %arg2[%dma_start3A, %dma_start3A_60] : memref<10000x128xf32, #tpu.memory_space<hbm>> -> memref<10000x128xf32, #tpu.memory_space<hbm>>
    tpu.enqueue_indirect_dma source(%dma_start3A_61 : memref<10000x128xf32, #tpu.memory_space<hbm>>) target(%arg14 : memref<16x128xf32, #tpu.memory_space<vmem>>) offsets(%arg12 : memref<16xi32, #tpu.memory_space<vmem>>) semaphore(%arg17 : memref<!tpu.dma_semaphore, #tpu.memory_space<semaphore_mem>>)
    %dma_wait3A = arith.constant 0 : i32
    %dma_wait3A_62 = arith.constant 0 : i32
    %dma_wait3A_63 = tpu.memref_slice %arg2[%dma_wait3A, %dma_wait3A_62] : memref<10000x128xf32, #tpu.memory_space<hbm>> -> memref<10000x128xf32, #tpu.memory_space<hbm>>
    tpu.wait_indirect_dma semaphore(%arg17 : memref<!tpu.dma_semaphore, #tpu.memory_space<semaphore_mem>>) src(%dma_wait3A_63 : memref<10000x128xf32, #tpu.memory_space<hbm>>) dst(%arg14 : memref<16x128xf32, #tpu.memory_space<vmem>>)
    "tpu.region"() ({
      %run_scoped3A = tpu.sem_alloc : memref<!tpu.dma_semaphore, #tpu.memory_space<semaphore_mem>>
      %dma_start3A_65 = arith.constant 0 : i32
      %dma_start3A_66 = arith.constant 0 : i32
      %dma_start3A_67 = tpu.memref_slice %arg16[%dma_start3A_65, %dma_start3A_66] : memref<10240x128xf32, #tpu.memory_space<vmem_shared>> -> memref<10240x128xf32, #tpu.memory_space<vmem_shared>>
      tpu.enqueue_indirect_dma source(%arg14 : memref<16x128xf32, #tpu.memory_space<vmem>>) target(%dma_start3A_67 : memref<10240x128xf32, #tpu.memory_space<vmem_shared>>) offsets(%arg13 : memref<16xi32, #tpu.memory_space<vmem>>) semaphore(%run_scoped3A : memref<!tpu.dma_semaphore, #tpu.memory_space<semaphore_mem>>) {add = true}
      %dma_wait3A_68 = arith.constant 0 : i32
      %dma_wait3A_69 = arith.constant 0 : i32
      %dma_wait3A_70 = tpu.memref_slice %arg16[%dma_wait3A_68, %dma_wait3A_69] : memref<10240x128xf32, #tpu.memory_space<vmem_shared>> -> memref<10240x128xf32, #tpu.memory_space<vmem_shared>>
      tpu.wait_indirect_dma semaphore(%run_scoped3A : memref<!tpu.dma_semaphore, #tpu.memory_space<semaphore_mem>>) src(%arg14 : memref<16x128xf32, #tpu.memory_space<vmem>>) dst(%dma_wait3A_70 : memref<10240x128xf32, #tpu.memory_space<vmem_shared>>)
      tpu.yield
    }) : () -> ()
    %barrier3A_64 = arith.constant 0 : index
    tpu.barrier barrier_id(%barrier3A_64)
    "tpu.region"() ({
      %run_scoped3A = tpu.sem_alloc : memref<!tpu.dma_semaphore, #tpu.memory_space<semaphore_mem>>
      %dma_start3A_65 = arith.constant 0 : i32
      %dma_start3A_66 = tpu.memref_slice %arg5[%arg0, %mul3A_2, %dma_start3A_65] : memref<2x10240x128xf32, #tpu.memory_space<hbm>> -> memref<1x640x128xf32, #tpu.memory_space<hbm>>
      %dma_start3A_67 = tpu.memref_squeeze %dma_start3A_66 : memref<1x640x128xf32, #tpu.memory_space<hbm>> -> memref<640x128xf32, #tpu.memory_space<hbm>>
      %dma_start3A_68 = arith.constant 0 : i32
      %dma_start3A_69 = tpu.memref_slice %arg16[%mul3A_2, %dma_start3A_68] : memref<10240x128xf32, #tpu.memory_space<vmem_shared>> -> memref<640x128xf32, #tpu.memory_space<vmem_shared>>
      tpu.enqueue_dma source(%dma_start3A_69 : memref<640x128xf32, #tpu.memory_space<vmem_shared>>) target(%dma_start3A_67 : memref<640x128xf32, #tpu.memory_space<hbm>>) target_semaphore(%run_scoped3A : memref<!tpu.dma_semaphore, #tpu.memory_space<semaphore_mem>>)
      %dma_wait3A_70 = arith.constant 0 : i32
      %dma_wait3A_71 = tpu.memref_slice %arg5[%arg0, %mul3A_2, %dma_wait3A_70] : memref<2x10240x128xf32, #tpu.memory_space<hbm>> -> memref<1x640x128xf32, #tpu.memory_space<hbm>>
      %dma_wait3A_72 = tpu.memref_squeeze %dma_wait3A_71 : memref<1x640x128xf32, #tpu.memory_space<hbm>> -> memref<640x128xf32, #tpu.memory_space<hbm>>
      %dma_wait3A_73 = arith.constant 0 : i32
      %dma_wait3A_74 = tpu.memref_slice %arg16[%mul3A_2, %dma_wait3A_73] : memref<10240x128xf32, #tpu.memory_space<vmem_shared>> -> memref<640x128xf32, #tpu.memory_space<vmem_shared>>
      tpu.wait_dma2 semaphore(%run_scoped3A : memref<!tpu.dma_semaphore, #tpu.memory_space<semaphore_mem>>) src(%dma_wait3A_74 : memref<640x128xf32, #tpu.memory_space<vmem_shared>>) dst(%dma_wait3A_72 : memref<640x128xf32, #tpu.memory_space<hbm>>)
      tpu.yield
    }) : () -> ()
    return
  }
}

#map = affine_map<(d0, d1) -> (0, 0)>
#map1 = affine_map<(d0, d1) -> (0)>
#map2 = affine_map<(d0, d1) -> (0, 0, 0)>
module attributes {stable_mosaic.version = 14 : i64} {
  func.func @_edge_agg(%arg0: i32, %arg1: i32, %arg2: memref<10000x128xf32, #tpu.memory_space<hbm>>, %arg3: memref<320000xi32, #tpu.memory_space<hbm>>, %arg4: memref<320000xi32, #tpu.memory_space<hbm>>, %arg5: memref<2x10240x128xf32, #tpu.memory_space<hbm>>, %arg6: memref<128xi32, #tpu.memory_space<vmem>>, %arg7: memref<128xi32, #tpu.memory_space<vmem>>, %arg8: memref<128x128xf32, #tpu.memory_space<vmem>>, %arg9: memref<128xi32, #tpu.memory_space<vmem>>, %arg10: memref<128xi32, #tpu.memory_space<vmem>>, %arg11: memref<128x128xf32, #tpu.memory_space<vmem>>, %arg12: memref<16xi32, #tpu.memory_space<vmem>>, %arg13: memref<16xi32, #tpu.memory_space<vmem>>, %arg14: memref<16x128xf32, #tpu.memory_space<vmem>>, %arg15: memref<32x128xf32, #tpu.memory_space<vmem>>, %arg16: memref<10240x128xf32, #tpu.memory_space<vmem_shared>>, %arg17: memref<!tpu.dma_semaphore, #tpu.memory_space<semaphore_mem>>, %arg18: memref<!tpu.dma_semaphore, #tpu.memory_space<semaphore_mem>>) attributes {dimension_semantics = [#tpu.dimension_semantics<core_parallel>, #tpu.dimension_semantics<subcore_parallel>], iteration_bounds = array<i64: 2, 16>, scalar_prefetch = 0 : i64, scratch_operands = 13 : i64, tpu.core_type = #tpu.core_type<sc_vector_subcore>, window_params = [{transform_indices = #map}, {transform_indices = #map1}, {transform_indices = #map1}, {transform_indices = #map2}]} {
    %mul3A = arith.constant 2 : i32
    %mul3A_0 = arith.muli %arg1, %mul3A : i32
    %add3A = arith.addi %mul3A_0, %arg0 : i32
    %mul3A_1 = arith.constant 640 : i32
    %mul3A_2 = arith.muli %arg1, %mul3A_1 : i32
    %scan3A = arith.constant 0 : i32
    %scan3A_3 = arith.constant 0 : i32
    %scan3A_4 = arith.constant 32 : i32
    %scan3A_5 = arith.addi %scan3A_3, %scan3A_4 : i32
    %scan3A_6 = arith.constant 1 : i32
    %scan3A_7 = scf.for %scan3A_65 = %scan3A_3 to %scan3A_5 step %scan3A_6 iter_args(%scan3A_66 = %scan3A) -> (i32)  : i32 {
      %broadcast_in_dim3A = arith.constant 0.000000e+00 : f32
      %broadcast_in_dim3A_67 = vector.broadcast %broadcast_in_dim3A : f32 to vector<16xf32>
      %swap3A = arith.index_cast %scan3A_65 : i32 to index
      %swap3A_68 = arith.constant 0 : index
      %swap3A_69 = tpu.vector_load %arg15[%swap3A, %swap3A_68] {strides = array<i32>} : memref<32x128xf32, #tpu.memory_space<vmem>>, vector<1x16xf32>,
      %swap3A_70 = vector.shape_cast %swap3A_69 : vector<1x16xf32> to vector<16xf32>
      %swap3A_71 = vector.shape_cast %broadcast_in_dim3A_67 : vector<16xf32> to vector<1x16xf32>
      tpu.vector_store %arg15[%swap3A, %swap3A_68], %swap3A_71 {strides = array<i32>} : memref<32x128xf32, #tpu.memory_space<vmem>>, vector<1x16xf32>,
      %broadcast_in_dim3A_72 = arith.constant 0.000000e+00 : f32
      %broadcast_in_dim3A_73 = vector.broadcast %broadcast_in_dim3A_72 : f32 to vector<16xf32>
      %swap3A_74 = arith.index_cast %scan3A_65 : i32 to index
      %swap3A_75 = arith.constant 16 : index
      %swap3A_76 = tpu.vector_load %arg15[%swap3A_74, %swap3A_75] {strides = array<i32>} : memref<32x128xf32, #tpu.memory_space<vmem>>, vector<1x16xf32>,
      %swap3A_77 = vector.shape_cast %swap3A_76 : vector<1x16xf32> to vector<16xf32>
      %swap3A_78 = vector.shape_cast %broadcast_in_dim3A_73 : vector<16xf32> to vector<1x16xf32>
      tpu.vector_store %arg15[%swap3A_74, %swap3A_75], %swap3A_78 {strides = array<i32>} : memref<32x128xf32, #tpu.memory_space<vmem>>, vector<1x16xf32>,
      %broadcast_in_dim3A_79 = arith.constant 0.000000e+00 : f32
      %broadcast_in_dim3A_80 = vector.broadcast %broadcast_in_dim3A_79 : f32 to vector<16xf32>
      %swap3A_81 = arith.index_cast %scan3A_65 : i32 to index
      %swap3A_82 = arith.constant 32 : index
      %swap3A_83 = tpu.vector_load %arg15[%swap3A_81, %swap3A_82] {strides = array<i32>} : memref<32x128xf32, #tpu.memory_space<vmem>>, vector<1x16xf32>,
      %swap3A_84 = vector.shape_cast %swap3A_83 : vector<1x16xf32> to vector<16xf32>
      %swap3A_85 = vector.shape_cast %broadcast_in_dim3A_80 : vector<16xf32> to vector<1x16xf32>
      tpu.vector_store %arg15[%swap3A_81, %swap3A_82], %swap3A_85 {strides = array<i32>} : memref<32x128xf32, #tpu.memory_space<vmem>>, vector<1x16xf32>,
      %broadcast_in_dim3A_86 = arith.constant 0.000000e+00 : f32
      %broadcast_in_dim3A_87 = vector.broadcast %broadcast_in_dim3A_86 : f32 to vector<16xf32>
      %swap3A_88 = arith.index_cast %scan3A_65 : i32 to index
      %swap3A_89 = arith.constant 48 : index
      %swap3A_90 = tpu.vector_load %arg15[%swap3A_88, %swap3A_89] {strides = array<i32>} : memref<32x128xf32, #tpu.memory_space<vmem>>, vector<1x16xf32>,
      %swap3A_91 = vector.shape_cast %swap3A_90 : vector<1x16xf32> to vector<16xf32>
      %swap3A_92 = vector.shape_cast %broadcast_in_dim3A_87 : vector<16xf32> to vector<1x16xf32>
      tpu.vector_store %arg15[%swap3A_88, %swap3A_89], %swap3A_92 {strides = array<i32>} : memref<32x128xf32, #tpu.memory_space<vmem>>, vector<1x16xf32>,
      %broadcast_in_dim3A_93 = arith.constant 0.000000e+00 : f32
      %broadcast_in_dim3A_94 = vector.broadcast %broadcast_in_dim3A_93 : f32 to vector<16xf32>
      %swap3A_95 = arith.index_cast %scan3A_65 : i32 to index
      %swap3A_96 = arith.constant 64 : index
      %swap3A_97 = tpu.vector_load %arg15[%swap3A_95, %swap3A_96] {strides = array<i32>} : memref<32x128xf32, #tpu.memory_space<vmem>>, vector<1x16xf32>,
      %swap3A_98 = vector.shape_cast %swap3A_97 : vector<1x16xf32> to vector<16xf32>
      %swap3A_99 = vector.shape_cast %broadcast_in_dim3A_94 : vector<16xf32> to vector<1x16xf32>
      tpu.vector_store %arg15[%swap3A_95, %swap3A_96], %swap3A_99 {strides = array<i32>} : memref<32x128xf32, #tpu.memory_space<vmem>>, vector<1x16xf32>,
      %broadcast_in_dim3A_100 = arith.constant 0.000000e+00 : f32
      %broadcast_in_dim3A_101 = vector.broadcast %broadcast_in_dim3A_100 : f32 to vector<16xf32>
      %swap3A_102 = arith.index_cast %scan3A_65 : i32 to index
      %swap3A_103 = arith.constant 80 : index
      %swap3A_104 = tpu.vector_load %arg15[%swap3A_102, %swap3A_103] {strides = array<i32>} : memref<32x128xf32, #tpu.memory_space<vmem>>, vector<1x16xf32>,
      %swap3A_105 = vector.shape_cast %swap3A_104 : vector<1x16xf32> to vector<16xf32>
      %swap3A_106 = vector.shape_cast %broadcast_in_dim3A_101 : vector<16xf32> to vector<1x16xf32>
      tpu.vector_store %arg15[%swap3A_102, %swap3A_103], %swap3A_106 {strides = array<i32>} : memref<32x128xf32, #tpu.memory_space<vmem>>, vector<1x16xf32>,
      %broadcast_in_dim3A_107 = arith.constant 0.000000e+00 : f32
      %broadcast_in_dim3A_108 = vector.broadcast %broadcast_in_dim3A_107 : f32 to vector<16xf32>
      %swap3A_109 = arith.index_cast %scan3A_65 : i32 to index
      %swap3A_110 = arith.constant 96 : index
      %swap3A_111 = tpu.vector_load %arg15[%swap3A_109, %swap3A_110] {strides = array<i32>} : memref<32x128xf32, #tpu.memory_space<vmem>>, vector<1x16xf32>,
      %swap3A_112 = vector.shape_cast %swap3A_111 : vector<1x16xf32> to vector<16xf32>
      %swap3A_113 = vector.shape_cast %broadcast_in_dim3A_108 : vector<16xf32> to vector<1x16xf32>
      tpu.vector_store %arg15[%swap3A_109, %swap3A_110], %swap3A_113 {strides = array<i32>} : memref<32x128xf32, #tpu.memory_space<vmem>>, vector<1x16xf32>,
      %broadcast_in_dim3A_114 = arith.constant 0.000000e+00 : f32
      %broadcast_in_dim3A_115 = vector.broadcast %broadcast_in_dim3A_114 : f32 to vector<16xf32>
      %swap3A_116 = arith.index_cast %scan3A_65 : i32 to index
      %swap3A_117 = arith.constant 112 : index
      %swap3A_118 = tpu.vector_load %arg15[%swap3A_116, %swap3A_117] {strides = array<i32>} : memref<32x128xf32, #tpu.memory_space<vmem>>, vector<1x16xf32>,
      %swap3A_119 = vector.shape_cast %swap3A_118 : vector<1x16xf32> to vector<16xf32>
      %swap3A_120 = vector.shape_cast %broadcast_in_dim3A_115 : vector<16xf32> to vector<1x16xf32>
      tpu.vector_store %arg15[%swap3A_116, %swap3A_117], %swap3A_120 {strides = array<i32>} : memref<32x128xf32, #tpu.memory_space<vmem>>, vector<1x16xf32>,
      %scan3A_121 = arith.constant 0 : i32
      scf.yield %scan3A_121 : i32
    }
    %scan3A_8 = arith.constant 32 : i32
    %add3A_9 = arith.constant 0 : i32
    %add3A_10 = arith.addi %mul3A_2, %add3A_9 : i32
    "tpu.region"() ({
      %run_scoped3A = tpu.sem_alloc : memref<!tpu.dma_semaphore, #tpu.memory_space<semaphore_mem>>
      %dma_start3A_65 = arith.constant 0 : i32
      %dma_start3A_66 = tpu.memref_slice %arg16[%add3A_10, %dma_start3A_65] : memref<10240x128xf32, #tpu.memory_space<vmem_shared>> -> memref<32x128xf32, #tpu.memory_space<vmem_shared>>
      %dma_start3A_67 = arith.constant 0 : i32
      %dma_start3A_68 = tpu.memref_slice %arg16[%add3A_10, %dma_start3A_67] : memref<10240x128xf32, #tpu.memory_space<vmem_shared>> -> memref<32x128xf32, #tpu.memory_space<vmem_shared>>
      tpu.enqueue_dma source(%arg15 : memref<32x128xf32, #tpu.memory_space<vmem>>) target(%dma_start3A_68 : memref<32x128xf32, #tpu.memory_space<vmem_shared>>) target_semaphore(%run_scoped3A : memref<!tpu.dma_semaphore, #tpu.memory_space<semaphore_mem>>)
      %dma_wait3A_69 = arith.constant 0 : i32
      %dma_wait3A_70 = tpu.memref_slice %arg16[%add3A_10, %dma_wait3A_69] : memref<10240x128xf32, #tpu.memory_space<vmem_shared>> -> memref<32x128xf32, #tpu.memory_space<vmem_shared>>
      %dma_wait3A_71 = arith.constant 0 : i32
      %dma_wait3A_72 = tpu.memref_slice %arg16[%add3A_10, %dma_wait3A_71] : memref<10240x128xf32, #tpu.memory_space<vmem_shared>> -> memref<32x128xf32, #tpu.memory_space<vmem_shared>>
      tpu.wait_dma2 semaphore(%run_scoped3A : memref<!tpu.dma_semaphore, #tpu.memory_space<semaphore_mem>>) src(%arg15 : memref<32x128xf32, #tpu.memory_space<vmem>>) dst(%dma_wait3A_72 : memref<32x128xf32, #tpu.memory_space<vmem_shared>>)
      tpu.yield
    }) : () -> ()
    %add3A_11 = arith.constant 32 : i32
    %add3A_12 = arith.addi %mul3A_2, %add3A_11 : i32
    "tpu.region"() ({
      %run_scoped3A = tpu.sem_alloc : memref<!tpu.dma_semaphore, #tpu.memory_space<semaphore_mem>>
      %dma_start3A_65 = arith.constant 0 : i32
      %dma_start3A_66 = tpu.memref_slice %arg16[%add3A_12, %dma_start3A_65] : memref<10240x128xf32, #tpu.memory_space<vmem_shared>> -> memref<32x128xf32, #tpu.memory_space<vmem_shared>>
      %dma_start3A_67 = arith.constant 0 : i32
      %dma_start3A_68 = tpu.memref_slice %arg16[%add3A_12, %dma_start3A_67] : memref<10240x128xf32, #tpu.memory_space<vmem_shared>> -> memref<32x128xf32, #tpu.memory_space<vmem_shared>>
      tpu.enqueue_dma source(%arg15 : memref<32x128xf32, #tpu.memory_space<vmem>>) target(%dma_start3A_68 : memref<32x128xf32, #tpu.memory_space<vmem_shared>>) target_semaphore(%run_scoped3A : memref<!tpu.dma_semaphore, #tpu.memory_space<semaphore_mem>>)
      %dma_wait3A_69 = arith.constant 0 : i32
      %dma_wait3A_70 = tpu.memref_slice %arg16[%add3A_12, %dma_wait3A_69] : memref<10240x128xf32, #tpu.memory_space<vmem_shared>> -> memref<32x128xf32, #tpu.memory_space<vmem_shared>>
      %dma_wait3A_71 = arith.constant 0 : i32
      %dma_wait3A_72 = tpu.memref_slice %arg16[%add3A_12, %dma_wait3A_71] : memref<10240x128xf32, #tpu.memory_space<vmem_shared>> -> memref<32x128xf32, #tpu.memory_space<vmem_shared>>
      tpu.wait_dma2 semaphore(%run_scoped3A : memref<!tpu.dma_semaphore, #tpu.memory_space<semaphore_mem>>) src(%arg15 : memref<32x128xf32, #tpu.memory_space<vmem>>) dst(%dma_wait3A_72 : memref<32x128xf32, #tpu.memory_space<vmem_shared>>)
      tpu.yield
    }) : () -> ()
    %add3A_13 = arith.constant 64 : i32
    %add3A_14 = arith.addi %mul3A_2, %add3A_13 : i32
    "tpu.region"() ({
      %run_scoped3A = tpu.sem_alloc : memref<!tpu.dma_semaphore, #tpu.memory_space<semaphore_mem>>
      %dma_start3A_65 = arith.constant 0 : i32
      %dma_start3A_66 = tpu.memref_slice %arg16[%add3A_14, %dma_start3A_65] : memref<10240x128xf32, #tpu.memory_space<vmem_shared>> -> memref<32x128xf32, #tpu.memory_space<vmem_shared>>
      %dma_start3A_67 = arith.constant 0 : i32
      %dma_start3A_68 = tpu.memref_slice %arg16[%add3A_14, %dma_start3A_67] : memref<10240x128xf32, #tpu.memory_space<vmem_shared>> -> memref<32x128xf32, #tpu.memory_space<vmem_shared>>
      tpu.enqueue_dma source(%arg15 : memref<32x128xf32, #tpu.memory_space<vmem>>) target(%dma_start3A_68 : memref<32x128xf32, #tpu.memory_space<vmem_shared>>) target_semaphore(%run_scoped3A : memref<!tpu.dma_semaphore, #tpu.memory_space<semaphore_mem>>)
      %dma_wait3A_69 = arith.constant 0 : i32
      %dma_wait3A_70 = tpu.memref_slice %arg16[%add3A_14, %dma_wait3A_69] : memref<10240x128xf32, #tpu.memory_space<vmem_shared>> -> memref<32x128xf32, #tpu.memory_space<vmem_shared>>
      %dma_wait3A_71 = arith.constant 0 : i32
      %dma_wait3A_72 = tpu.memref_slice %arg16[%add3A_14, %dma_wait3A_71] : memref<10240x128xf32, #tpu.memory_space<vmem_shared>> -> memref<32x128xf32, #tpu.memory_space<vmem_shared>>
      tpu.wait_dma2 semaphore(%run_scoped3A : memref<!tpu.dma_semaphore, #tpu.memory_space<semaphore_mem>>) src(%arg15 : memref<32x128xf32, #tpu.memory_space<vmem>>) dst(%dma_wait3A_72 : memref<32x128xf32, #tpu.memory_space<vmem_shared>>)
      tpu.yield
    }) : () -> ()
    %add3A_15 = arith.constant 96 : i32
    %add3A_16 = arith.addi %mul3A_2, %add3A_15 : i32
    "tpu.region"() ({
      %run_scoped3A = tpu.sem_alloc : memref<!tpu.dma_semaphore, #tpu.memory_space<semaphore_mem>>
      %dma_start3A_65 = arith.constant 0 : i32
      %dma_start3A_66 = tpu.memref_slice %arg16[%add3A_16, %dma_start3A_65] : memref<10240x128xf32, #tpu.memory_space<vmem_shared>> -> memref<32x128xf32, #tpu.memory_space<vmem_shared>>
      %dma_start3A_67 = arith.constant 0 : i32
      %dma_start3A_68 = tpu.memref_slice %arg16[%add3A_16, %dma_start3A_67] : memref<10240x128xf32, #tpu.memory_space<vmem_shared>> -> memref<32x128xf32, #tpu.memory_space<vmem_shared>>
      tpu.enqueue_dma source(%arg15 : memref<32x128xf32, #tpu.memory_space<vmem>>) target(%dma_start3A_68 : memref<32x128xf32, #tpu.memory_space<vmem_shared>>) target_semaphore(%run_scoped3A : memref<!tpu.dma_semaphore, #tpu.memory_space<semaphore_mem>>)
      %dma_wait3A_69 = arith.constant 0 : i32
      %dma_wait3A_70 = tpu.memref_slice %arg16[%add3A_16, %dma_wait3A_69] : memref<10240x128xf32, #tpu.memory_space<vmem_shared>> -> memref<32x128xf32, #tpu.memory_space<vmem_shared>>
      %dma_wait3A_71 = arith.constant 0 : i32
      %dma_wait3A_72 = tpu.memref_slice %arg16[%add3A_16, %dma_wait3A_71] : memref<10240x128xf32, #tpu.memory_space<vmem_shared>> -> memref<32x128xf32, #tpu.memory_space<vmem_shared>>
      tpu.wait_dma2 semaphore(%run_scoped3A : memref<!tpu.dma_semaphore, #tpu.memory_space<semaphore_mem>>) src(%arg15 : memref<32x128xf32, #tpu.memory_space<vmem>>) dst(%dma_wait3A_72 : memref<32x128xf32, #tpu.memory_space<vmem_shared>>)
      tpu.yield
    }) : () -> ()
    %add3A_17 = arith.constant 128 : i32
    %add3A_18 = arith.addi %mul3A_2, %add3A_17 : i32
    "tpu.region"() ({
      %run_scoped3A = tpu.sem_alloc : memref<!tpu.dma_semaphore, #tpu.memory_space<semaphore_mem>>
      %dma_start3A_65 = arith.constant 0 : i32
      %dma_start3A_66 = tpu.memref_slice %arg16[%add3A_18, %dma_start3A_65] : memref<10240x128xf32, #tpu.memory_space<vmem_shared>> -> memref<32x128xf32, #tpu.memory_space<vmem_shared>>
      %dma_start3A_67 = arith.constant 0 : i32
      %dma_start3A_68 = tpu.memref_slice %arg16[%add3A_18, %dma_start3A_67] : memref<10240x128xf32, #tpu.memory_space<vmem_shared>> -> memref<32x128xf32, #tpu.memory_space<vmem_shared>>
      tpu.enqueue_dma source(%arg15 : memref<32x128xf32, #tpu.memory_space<vmem>>) target(%dma_start3A_68 : memref<32x128xf32, #tpu.memory_space<vmem_shared>>) target_semaphore(%run_scoped3A : memref<!tpu.dma_semaphore, #tpu.memory_space<semaphore_mem>>)
      %dma_wait3A_69 = arith.constant 0 : i32
      %dma_wait3A_70 = tpu.memref_slice %arg16[%add3A_18, %dma_wait3A_69] : memref<10240x128xf32, #tpu.memory_space<vmem_shared>> -> memref<32x128xf32, #tpu.memory_space<vmem_shared>>
      %dma_wait3A_71 = arith.constant 0 : i32
      %dma_wait3A_72 = tpu.memref_slice %arg16[%add3A_18, %dma_wait3A_71] : memref<10240x128xf32, #tpu.memory_space<vmem_shared>> -> memref<32x128xf32, #tpu.memory_space<vmem_shared>>
      tpu.wait_dma2 semaphore(%run_scoped3A : memref<!tpu.dma_semaphore, #tpu.memory_space<semaphore_mem>>) src(%arg15 : memref<32x128xf32, #tpu.memory_space<vmem>>) dst(%dma_wait3A_72 : memref<32x128xf32, #tpu.memory_space<vmem_shared>>)
      tpu.yield
    }) : () -> ()
    %add3A_19 = arith.constant 160 : i32
    %add3A_20 = arith.addi %mul3A_2, %add3A_19 : i32
    "tpu.region"() ({
      %run_scoped3A = tpu.sem_alloc : memref<!tpu.dma_semaphore, #tpu.memory_space<semaphore_mem>>
      %dma_start3A_65 = arith.constant 0 : i32
      %dma_start3A_66 = tpu.memref_slice %arg16[%add3A_20, %dma_start3A_65] : memref<10240x128xf32, #tpu.memory_space<vmem_shared>> -> memref<32x128xf32, #tpu.memory_space<vmem_shared>>
      %dma_start3A_67 = arith.constant 0 : i32
      %dma_start3A_68 = tpu.memref_slice %arg16[%add3A_20, %dma_start3A_67] : memref<10240x128xf32, #tpu.memory_space<vmem_shared>> -> memref<32x128xf32, #tpu.memory_space<vmem_shared>>
      tpu.enqueue_dma source(%arg15 : memref<32x128xf32, #tpu.memory_space<vmem>>) target(%dma_start3A_68 : memref<32x128xf32, #tpu.memory_space<vmem_shared>>) target_semaphore(%run_scoped3A : memref<!tpu.dma_semaphore, #tpu.memory_space<semaphore_mem>>)
      %dma_wait3A_69 = arith.constant 0 : i32
      %dma_wait3A_70 = tpu.memref_slice %arg16[%add3A_20, %dma_wait3A_69] : memref<10240x128xf32, #tpu.memory_space<vmem_shared>> -> memref<32x128xf32, #tpu.memory_space<vmem_shared>>
      %dma_wait3A_71 = arith.constant 0 : i32
      %dma_wait3A_72 = tpu.memref_slice %arg16[%add3A_20, %dma_wait3A_71] : memref<10240x128xf32, #tpu.memory_space<vmem_shared>> -> memref<32x128xf32, #tpu.memory_space<vmem_shared>>
      tpu.wait_dma2 semaphore(%run_scoped3A : memref<!tpu.dma_semaphore, #tpu.memory_space<semaphore_mem>>) src(%arg15 : memref<32x128xf32, #tpu.memory_space<vmem>>) dst(%dma_wait3A_72 : memref<32x128xf32, #tpu.memory_space<vmem_shared>>)
      tpu.yield
    }) : () -> ()
    %add3A_21 = arith.constant 192 : i32
    %add3A_22 = arith.addi %mul3A_2, %add3A_21 : i32
    "tpu.region"() ({
      %run_scoped3A = tpu.sem_alloc : memref<!tpu.dma_semaphore, #tpu.memory_space<semaphore_mem>>
      %dma_start3A_65 = arith.constant 0 : i32
      %dma_start3A_66 = tpu.memref_slice %arg16[%add3A_22, %dma_start3A_65] : memref<10240x128xf32, #tpu.memory_space<vmem_shared>> -> memref<32x128xf32, #tpu.memory_space<vmem_shared>>
      %dma_start3A_67 = arith.constant 0 : i32
      %dma_start3A_68 = tpu.memref_slice %arg16[%add3A_22, %dma_start3A_67] : memref<10240x128xf32, #tpu.memory_space<vmem_shared>> -> memref<32x128xf32, #tpu.memory_space<vmem_shared>>
      tpu.enqueue_dma source(%arg15 : memref<32x128xf32, #tpu.memory_space<vmem>>) target(%dma_start3A_68 : memref<32x128xf32, #tpu.memory_space<vmem_shared>>) target_semaphore(%run_scoped3A : memref<!tpu.dma_semaphore, #tpu.memory_space<semaphore_mem>>)
      %dma_wait3A_69 = arith.constant 0 : i32
      %dma_wait3A_70 = tpu.memref_slice %arg16[%add3A_22, %dma_wait3A_69] : memref<10240x128xf32, #tpu.memory_space<vmem_shared>> -> memref<32x128xf32, #tpu.memory_space<vmem_shared>>
      %dma_wait3A_71 = arith.constant 0 : i32
      %dma_wait3A_72 = tpu.memref_slice %arg16[%add3A_22, %dma_wait3A_71] : memref<10240x128xf32, #tpu.memory_space<vmem_shared>> -> memref<32x128xf32, #tpu.memory_space<vmem_shared>>
      tpu.wait_dma2 semaphore(%run_scoped3A : memref<!tpu.dma_semaphore, #tpu.memory_space<semaphore_mem>>) src(%arg15 : memref<32x128xf32, #tpu.memory_space<vmem>>) dst(%dma_wait3A_72 : memref<32x128xf32, #tpu.memory_space<vmem_shared>>)
      tpu.yield
    }) : () -> ()
    %add3A_23 = arith.constant 224 : i32
    %add3A_24 = arith.addi %mul3A_2, %add3A_23 : i32
    "tpu.region"() ({
      %run_scoped3A = tpu.sem_alloc : memref<!tpu.dma_semaphore, #tpu.memory_space<semaphore_mem>>
      %dma_start3A_65 = arith.constant 0 : i32
      %dma_start3A_66 = tpu.memref_slice %arg16[%add3A_24, %dma_start3A_65] : memref<10240x128xf32, #tpu.memory_space<vmem_shared>> -> memref<32x128xf32, #tpu.memory_space<vmem_shared>>
      %dma_start3A_67 = arith.constant 0 : i32
      %dma_start3A_68 = tpu.memref_slice %arg16[%add3A_24, %dma_start3A_67] : memref<10240x128xf32, #tpu.memory_space<vmem_shared>> -> memref<32x128xf32, #tpu.memory_space<vmem_shared>>
      tpu.enqueue_dma source(%arg15 : memref<32x128xf32, #tpu.memory_space<vmem>>) target(%dma_start3A_68 : memref<32x128xf32, #tpu.memory_space<vmem_shared>>) target_semaphore(%run_scoped3A : memref<!tpu.dma_semaphore, #tpu.memory_space<semaphore_mem>>)
      %dma_wait3A_69 = arith.constant 0 : i32
      %dma_wait3A_70 = tpu.memref_slice %arg16[%add3A_24, %dma_wait3A_69] : memref<10240x128xf32, #tpu.memory_space<vmem_shared>> -> memref<32x128xf32, #tpu.memory_space<vmem_shared>>
      %dma_wait3A_71 = arith.constant 0 : i32
      %dma_wait3A_72 = tpu.memref_slice %arg16[%add3A_24, %dma_wait3A_71] : memref<10240x128xf32, #tpu.memory_space<vmem_shared>> -> memref<32x128xf32, #tpu.memory_space<vmem_shared>>
      tpu.wait_dma2 semaphore(%run_scoped3A : memref<!tpu.dma_semaphore, #tpu.memory_space<semaphore_mem>>) src(%arg15 : memref<32x128xf32, #tpu.memory_space<vmem>>) dst(%dma_wait3A_72 : memref<32x128xf32, #tpu.memory_space<vmem_shared>>)
      tpu.yield
    }) : () -> ()
    %add3A_25 = arith.constant 256 : i32
    %add3A_26 = arith.addi %mul3A_2, %add3A_25 : i32
    "tpu.region"() ({
      %run_scoped3A = tpu.sem_alloc : memref<!tpu.dma_semaphore, #tpu.memory_space<semaphore_mem>>
      %dma_start3A_65 = arith.constant 0 : i32
      %dma_start3A_66 = tpu.memref_slice %arg16[%add3A_26, %dma_start3A_65] : memref<10240x128xf32, #tpu.memory_space<vmem_shared>> -> memref<32x128xf32, #tpu.memory_space<vmem_shared>>
      %dma_start3A_67 = arith.constant 0 : i32
      %dma_start3A_68 = tpu.memref_slice %arg16[%add3A_26, %dma_start3A_67] : memref<10240x128xf32, #tpu.memory_space<vmem_shared>> -> memref<32x128xf32, #tpu.memory_space<vmem_shared>>
      tpu.enqueue_dma source(%arg15 : memref<32x128xf32, #tpu.memory_space<vmem>>) target(%dma_start3A_68 : memref<32x128xf32, #tpu.memory_space<vmem_shared>>) target_semaphore(%run_scoped3A : memref<!tpu.dma_semaphore, #tpu.memory_space<semaphore_mem>>)
      %dma_wait3A_69 = arith.constant 0 : i32
      %dma_wait3A_70 = tpu.memref_slice %arg16[%add3A_26, %dma_wait3A_69] : memref<10240x128xf32, #tpu.memory_space<vmem_shared>> -> memref<32x128xf32, #tpu.memory_space<vmem_shared>>
      %dma_wait3A_71 = arith.constant 0 : i32
      %dma_wait3A_72 = tpu.memref_slice %arg16[%add3A_26, %dma_wait3A_71] : memref<10240x128xf32, #tpu.memory_space<vmem_shared>> -> memref<32x128xf32, #tpu.memory_space<vmem_shared>>
      tpu.wait_dma2 semaphore(%run_scoped3A : memref<!tpu.dma_semaphore, #tpu.memory_space<semaphore_mem>>) src(%arg15 : memref<32x128xf32, #tpu.memory_space<vmem>>) dst(%dma_wait3A_72 : memref<32x128xf32, #tpu.memory_space<vmem_shared>>)
      tpu.yield
    }) : () -> ()
    %add3A_27 = arith.constant 288 : i32
    %add3A_28 = arith.addi %mul3A_2, %add3A_27 : i32
    "tpu.region"() ({
      %run_scoped3A = tpu.sem_alloc : memref<!tpu.dma_semaphore, #tpu.memory_space<semaphore_mem>>
      %dma_start3A_65 = arith.constant 0 : i32
      %dma_start3A_66 = tpu.memref_slice %arg16[%add3A_28, %dma_start3A_65] : memref<10240x128xf32, #tpu.memory_space<vmem_shared>> -> memref<32x128xf32, #tpu.memory_space<vmem_shared>>
      %dma_start3A_67 = arith.constant 0 : i32
      %dma_start3A_68 = tpu.memref_slice %arg16[%add3A_28, %dma_start3A_67] : memref<10240x128xf32, #tpu.memory_space<vmem_shared>> -> memref<32x128xf32, #tpu.memory_space<vmem_shared>>
      tpu.enqueue_dma source(%arg15 : memref<32x128xf32, #tpu.memory_space<vmem>>) target(%dma_start3A_68 : memref<32x128xf32, #tpu.memory_space<vmem_shared>>) target_semaphore(%run_scoped3A : memref<!tpu.dma_semaphore, #tpu.memory_space<semaphore_mem>>)
      %dma_wait3A_69 = arith.constant 0 : i32
      %dma_wait3A_70 = tpu.memref_slice %arg16[%add3A_28, %dma_wait3A_69] : memref<10240x128xf32, #tpu.memory_space<vmem_shared>> -> memref<32x128xf32, #tpu.memory_space<vmem_shared>>
      %dma_wait3A_71 = arith.constant 0 : i32
      %dma_wait3A_72 = tpu.memref_slice %arg16[%add3A_28, %dma_wait3A_71] : memref<10240x128xf32, #tpu.memory_space<vmem_shared>> -> memref<32x128xf32, #tpu.memory_space<vmem_shared>>
      tpu.wait_dma2 semaphore(%run_scoped3A : memref<!tpu.dma_semaphore, #tpu.memory_space<semaphore_mem>>) src(%arg15 : memref<32x128xf32, #tpu.memory_space<vmem>>) dst(%dma_wait3A_72 : memref<32x128xf32, #tpu.memory_space<vmem_shared>>)
      tpu.yield
    }) : () -> ()
    %add3A_29 = arith.constant 320 : i32
    %add3A_30 = arith.addi %mul3A_2, %add3A_29 : i32
    "tpu.region"() ({
      %run_scoped3A = tpu.sem_alloc : memref<!tpu.dma_semaphore, #tpu.memory_space<semaphore_mem>>
      %dma_start3A_65 = arith.constant 0 : i32
      %dma_start3A_66 = tpu.memref_slice %arg16[%add3A_30, %dma_start3A_65] : memref<10240x128xf32, #tpu.memory_space<vmem_shared>> -> memref<32x128xf32, #tpu.memory_space<vmem_shared>>
      %dma_start3A_67 = arith.constant 0 : i32
      %dma_start3A_68 = tpu.memref_slice %arg16[%add3A_30, %dma_start3A_67] : memref<10240x128xf32, #tpu.memory_space<vmem_shared>> -> memref<32x128xf32, #tpu.memory_space<vmem_shared>>
      tpu.enqueue_dma source(%arg15 : memref<32x128xf32, #tpu.memory_space<vmem>>) target(%dma_start3A_68 : memref<32x128xf32, #tpu.memory_space<vmem_shared>>) target_semaphore(%run_scoped3A : memref<!tpu.dma_semaphore, #tpu.memory_space<semaphore_mem>>)
      %dma_wait3A_69 = arith.constant 0 : i32
      %dma_wait3A_70 = tpu.memref_slice %arg16[%add3A_30, %dma_wait3A_69] : memref<10240x128xf32, #tpu.memory_space<vmem_shared>> -> memref<32x128xf32, #tpu.memory_space<vmem_shared>>
      %dma_wait3A_71 = arith.constant 0 : i32
      %dma_wait3A_72 = tpu.memref_slice %arg16[%add3A_30, %dma_wait3A_71] : memref<10240x128xf32, #tpu.memory_space<vmem_shared>> -> memref<32x128xf32, #tpu.memory_space<vmem_shared>>
      tpu.wait_dma2 semaphore(%run_scoped3A : memref<!tpu.dma_semaphore, #tpu.memory_space<semaphore_mem>>) src(%arg15 : memref<32x128xf32, #tpu.memory_space<vmem>>) dst(%dma_wait3A_72 : memref<32x128xf32, #tpu.memory_space<vmem_shared>>)
      tpu.yield
    }) : () -> ()
    %add3A_31 = arith.constant 352 : i32
    %add3A_32 = arith.addi %mul3A_2, %add3A_31 : i32
    "tpu.region"() ({
      %run_scoped3A = tpu.sem_alloc : memref<!tpu.dma_semaphore, #tpu.memory_space<semaphore_mem>>
      %dma_start3A_65 = arith.constant 0 : i32
      %dma_start3A_66 = tpu.memref_slice %arg16[%add3A_32, %dma_start3A_65] : memref<10240x128xf32, #tpu.memory_space<vmem_shared>> -> memref<32x128xf32, #tpu.memory_space<vmem_shared>>
      %dma_start3A_67 = arith.constant 0 : i32
      %dma_start3A_68 = tpu.memref_slice %arg16[%add3A_32, %dma_start3A_67] : memref<10240x128xf32, #tpu.memory_space<vmem_shared>> -> memref<32x128xf32, #tpu.memory_space<vmem_shared>>
      tpu.enqueue_dma source(%arg15 : memref<32x128xf32, #tpu.memory_space<vmem>>) target(%dma_start3A_68 : memref<32x128xf32, #tpu.memory_space<vmem_shared>>) target_semaphore(%run_scoped3A : memref<!tpu.dma_semaphore, #tpu.memory_space<semaphore_mem>>)
      %dma_wait3A_69 = arith.constant 0 : i32
      %dma_wait3A_70 = tpu.memref_slice %arg16[%add3A_32, %dma_wait3A_69] : memref<10240x128xf32, #tpu.memory_space<vmem_shared>> -> memref<32x128xf32, #tpu.memory_space<vmem_shared>>
      %dma_wait3A_71 = arith.constant 0 : i32
      %dma_wait3A_72 = tpu.memref_slice %arg16[%add3A_32, %dma_wait3A_71] : memref<10240x128xf32, #tpu.memory_space<vmem_shared>> -> memref<32x128xf32, #tpu.memory_space<vmem_shared>>
      tpu.wait_dma2 semaphore(%run_scoped3A : memref<!tpu.dma_semaphore, #tpu.memory_space<semaphore_mem>>) src(%arg15 : memref<32x128xf32, #tpu.memory_space<vmem>>) dst(%dma_wait3A_72 : memref<32x128xf32, #tpu.memory_space<vmem_shared>>)
      tpu.yield
    }) : () -> ()
    %add3A_33 = arith.constant 384 : i32
    %add3A_34 = arith.addi %mul3A_2, %add3A_33 : i32
    "tpu.region"() ({
      %run_scoped3A = tpu.sem_alloc : memref<!tpu.dma_semaphore, #tpu.memory_space<semaphore_mem>>
      %dma_start3A_65 = arith.constant 0 : i32
      %dma_start3A_66 = tpu.memref_slice %arg16[%add3A_34, %dma_start3A_65] : memref<10240x128xf32, #tpu.memory_space<vmem_shared>> -> memref<32x128xf32, #tpu.memory_space<vmem_shared>>
      %dma_start3A_67 = arith.constant 0 : i32
      %dma_start3A_68 = tpu.memref_slice %arg16[%add3A_34, %dma_start3A_67] : memref<10240x128xf32, #tpu.memory_space<vmem_shared>> -> memref<32x128xf32, #tpu.memory_space<vmem_shared>>
      tpu.enqueue_dma source(%arg15 : memref<32x128xf32, #tpu.memory_space<vmem>>) target(%dma_start3A_68 : memref<32x128xf32, #tpu.memory_space<vmem_shared>>) target_semaphore(%run_scoped3A : memref<!tpu.dma_semaphore, #tpu.memory_space<semaphore_mem>>)
      %dma_wait3A_69 = arith.constant 0 : i32
      %dma_wait3A_70 = tpu.memref_slice %arg16[%add3A_34, %dma_wait3A_69] : memref<10240x128xf32, #tpu.memory_space<vmem_shared>> -> memref<32x128xf32, #tpu.memory_space<vmem_shared>>
      %dma_wait3A_71 = arith.constant 0 : i32
      %dma_wait3A_72 = tpu.memref_slice %arg16[%add3A_34, %dma_wait3A_71] : memref<10240x128xf32, #tpu.memory_space<vmem_shared>> -> memref<32x128xf32, #tpu.memory_space<vmem_shared>>
      tpu.wait_dma2 semaphore(%run_scoped3A : memref<!tpu.dma_semaphore, #tpu.memory_space<semaphore_mem>>) src(%arg15 : memref<32x128xf32, #tpu.memory_space<vmem>>) dst(%dma_wait3A_72 : memref<32x128xf32, #tpu.memory_space<vmem_shared>>)
      tpu.yield
    }) : () -> ()
    %add3A_35 = arith.constant 416 : i32
    %add3A_36 = arith.addi %mul3A_2, %add3A_35 : i32
    "tpu.region"() ({
      %run_scoped3A = tpu.sem_alloc : memref<!tpu.dma_semaphore, #tpu.memory_space<semaphore_mem>>
      %dma_start3A_65 = arith.constant 0 : i32
      %dma_start3A_66 = tpu.memref_slice %arg16[%add3A_36, %dma_start3A_65] : memref<10240x128xf32, #tpu.memory_space<vmem_shared>> -> memref<32x128xf32, #tpu.memory_space<vmem_shared>>
      %dma_start3A_67 = arith.constant 0 : i32
      %dma_start3A_68 = tpu.memref_slice %arg16[%add3A_36, %dma_start3A_67] : memref<10240x128xf32, #tpu.memory_space<vmem_shared>> -> memref<32x128xf32, #tpu.memory_space<vmem_shared>>
      tpu.enqueue_dma source(%arg15 : memref<32x128xf32, #tpu.memory_space<vmem>>) target(%dma_start3A_68 : memref<32x128xf32, #tpu.memory_space<vmem_shared>>) target_semaphore(%run_scoped3A : memref<!tpu.dma_semaphore, #tpu.memory_space<semaphore_mem>>)
      %dma_wait3A_69 = arith.constant 0 : i32
      %dma_wait3A_70 = tpu.memref_slice %arg16[%add3A_36, %dma_wait3A_69] : memref<10240x128xf32, #tpu.memory_space<vmem_shared>> -> memref<32x128xf32, #tpu.memory_space<vmem_shared>>
      %dma_wait3A_71 = arith.constant 0 : i32
      %dma_wait3A_72 = tpu.memref_slice %arg16[%add3A_36, %dma_wait3A_71] : memref<10240x128xf32, #tpu.memory_space<vmem_shared>> -> memref<32x128xf32, #tpu.memory_space<vmem_shared>>
      tpu.wait_dma2 semaphore(%run_scoped3A : memref<!tpu.dma_semaphore, #tpu.memory_space<semaphore_mem>>) src(%arg15 : memref<32x128xf32, #tpu.memory_space<vmem>>) dst(%dma_wait3A_72 : memref<32x128xf32, #tpu.memory_space<vmem_shared>>)
      tpu.yield
    }) : () -> ()
    %add3A_37 = arith.constant 448 : i32
    %add3A_38 = arith.addi %mul3A_2, %add3A_37 : i32
    "tpu.region"() ({
      %run_scoped3A = tpu.sem_alloc : memref<!tpu.dma_semaphore, #tpu.memory_space<semaphore_mem>>
      %dma_start3A_65 = arith.constant 0 : i32
      %dma_start3A_66 = tpu.memref_slice %arg16[%add3A_38, %dma_start3A_65] : memref<10240x128xf32, #tpu.memory_space<vmem_shared>> -> memref<32x128xf32, #tpu.memory_space<vmem_shared>>
      %dma_start3A_67 = arith.constant 0 : i32
      %dma_start3A_68 = tpu.memref_slice %arg16[%add3A_38, %dma_start3A_67] : memref<10240x128xf32, #tpu.memory_space<vmem_shared>> -> memref<32x128xf32, #tpu.memory_space<vmem_shared>>
      tpu.enqueue_dma source(%arg15 : memref<32x128xf32, #tpu.memory_space<vmem>>) target(%dma_start3A_68 : memref<32x128xf32, #tpu.memory_space<vmem_shared>>) target_semaphore(%run_scoped3A : memref<!tpu.dma_semaphore, #tpu.memory_space<semaphore_mem>>)
      %dma_wait3A_69 = arith.constant 0 : i32
      %dma_wait3A_70 = tpu.memref_slice %arg16[%add3A_38, %dma_wait3A_69] : memref<10240x128xf32, #tpu.memory_space<vmem_shared>> -> memref<32x128xf32, #tpu.memory_space<vmem_shared>>
      %dma_wait3A_71 = arith.constant 0 : i32
      %dma_wait3A_72 = tpu.memref_slice %arg16[%add3A_38, %dma_wait3A_71] : memref<10240x128xf32, #tpu.memory_space<vmem_shared>> -> memref<32x128xf32, #tpu.memory_space<vmem_shared>>
      tpu.wait_dma2 semaphore(%run_scoped3A : memref<!tpu.dma_semaphore, #tpu.memory_space<semaphore_mem>>) src(%arg15 : memref<32x128xf32, #tpu.memory_space<vmem>>) dst(%dma_wait3A_72 : memref<32x128xf32, #tpu.memory_space<vmem_shared>>)
      tpu.yield
    }) : () -> ()
    %add3A_39 = arith.constant 480 : i32
    %add3A_40 = arith.addi %mul3A_2, %add3A_39 : i32
    "tpu.region"() ({
      %run_scoped3A = tpu.sem_alloc : memref<!tpu.dma_semaphore, #tpu.memory_space<semaphore_mem>>
      %dma_start3A_65 = arith.constant 0 : i32
      %dma_start3A_66 = tpu.memref_slice %arg16[%add3A_40, %dma_start3A_65] : memref<10240x128xf32, #tpu.memory_space<vmem_shared>> -> memref<32x128xf32, #tpu.memory_space<vmem_shared>>
      %dma_start3A_67 = arith.constant 0 : i32
      %dma_start3A_68 = tpu.memref_slice %arg16[%add3A_40, %dma_start3A_67] : memref<10240x128xf32, #tpu.memory_space<vmem_shared>> -> memref<32x128xf32, #tpu.memory_space<vmem_shared>>
      tpu.enqueue_dma source(%arg15 : memref<32x128xf32, #tpu.memory_space<vmem>>) target(%dma_start3A_68 : memref<32x128xf32, #tpu.memory_space<vmem_shared>>) target_semaphore(%run_scoped3A : memref<!tpu.dma_semaphore, #tpu.memory_space<semaphore_mem>>)
      %dma_wait3A_69 = arith.constant 0 : i32
      %dma_wait3A_70 = tpu.memref_slice %arg16[%add3A_40, %dma_wait3A_69] : memref<10240x128xf32, #tpu.memory_space<vmem_shared>> -> memref<32x128xf32, #tpu.memory_space<vmem_shared>>
      %dma_wait3A_71 = arith.constant 0 : i32
      %dma_wait3A_72 = tpu.memref_slice %arg16[%add3A_40, %dma_wait3A_71] : memref<10240x128xf32, #tpu.memory_space<vmem_shared>> -> memref<32x128xf32, #tpu.memory_space<vmem_shared>>
      tpu.wait_dma2 semaphore(%run_scoped3A : memref<!tpu.dma_semaphore, #tpu.memory_space<semaphore_mem>>) src(%arg15 : memref<32x128xf32, #tpu.memory_space<vmem>>) dst(%dma_wait3A_72 : memref<32x128xf32, #tpu.memory_space<vmem_shared>>)
      tpu.yield
    }) : () -> ()
    %add3A_41 = arith.constant 512 : i32
    %add3A_42 = arith.addi %mul3A_2, %add3A_41 : i32
    "tpu.region"() ({
      %run_scoped3A = tpu.sem_alloc : memref<!tpu.dma_semaphore, #tpu.memory_space<semaphore_mem>>
      %dma_start3A_65 = arith.constant 0 : i32
      %dma_start3A_66 = tpu.memref_slice %arg16[%add3A_42, %dma_start3A_65] : memref<10240x128xf32, #tpu.memory_space<vmem_shared>> -> memref<32x128xf32, #tpu.memory_space<vmem_shared>>
      %dma_start3A_67 = arith.constant 0 : i32
      %dma_start3A_68 = tpu.memref_slice %arg16[%add3A_42, %dma_start3A_67] : memref<10240x128xf32, #tpu.memory_space<vmem_shared>> -> memref<32x128xf32, #tpu.memory_space<vmem_shared>>
      tpu.enqueue_dma source(%arg15 : memref<32x128xf32, #tpu.memory_space<vmem>>) target(%dma_start3A_68 : memref<32x128xf32, #tpu.memory_space<vmem_shared>>) target_semaphore(%run_scoped3A : memref<!tpu.dma_semaphore, #tpu.memory_space<semaphore_mem>>)
      %dma_wait3A_69 = arith.constant 0 : i32
      %dma_wait3A_70 = tpu.memref_slice %arg16[%add3A_42, %dma_wait3A_69] : memref<10240x128xf32, #tpu.memory_space<vmem_shared>> -> memref<32x128xf32, #tpu.memory_space<vmem_shared>>
      %dma_wait3A_71 = arith.constant 0 : i32
      %dma_wait3A_72 = tpu.memref_slice %arg16[%add3A_42, %dma_wait3A_71] : memref<10240x128xf32, #tpu.memory_space<vmem_shared>> -> memref<32x128xf32, #tpu.memory_space<vmem_shared>>
      tpu.wait_dma2 semaphore(%run_scoped3A : memref<!tpu.dma_semaphore, #tpu.memory_space<semaphore_mem>>) src(%arg15 : memref<32x128xf32, #tpu.memory_space<vmem>>) dst(%dma_wait3A_72 : memref<32x128xf32, #tpu.memory_space<vmem_shared>>)
      tpu.yield
    }) : () -> ()
    %add3A_43 = arith.constant 544 : i32
    %add3A_44 = arith.addi %mul3A_2, %add3A_43 : i32
    "tpu.region"() ({
      %run_scoped3A = tpu.sem_alloc : memref<!tpu.dma_semaphore, #tpu.memory_space<semaphore_mem>>
      %dma_start3A_65 = arith.constant 0 : i32
      %dma_start3A_66 = tpu.memref_slice %arg16[%add3A_44, %dma_start3A_65] : memref<10240x128xf32, #tpu.memory_space<vmem_shared>> -> memref<32x128xf32, #tpu.memory_space<vmem_shared>>
      %dma_start3A_67 = arith.constant 0 : i32
      %dma_start3A_68 = tpu.memref_slice %arg16[%add3A_44, %dma_start3A_67] : memref<10240x128xf32, #tpu.memory_space<vmem_shared>> -> memref<32x128xf32, #tpu.memory_space<vmem_shared>>
      tpu.enqueue_dma source(%arg15 : memref<32x128xf32, #tpu.memory_space<vmem>>) target(%dma_start3A_68 : memref<32x128xf32, #tpu.memory_space<vmem_shared>>) target_semaphore(%run_scoped3A : memref<!tpu.dma_semaphore, #tpu.memory_space<semaphore_mem>>)
      %dma_wait3A_69 = arith.constant 0 : i32
      %dma_wait3A_70 = tpu.memref_slice %arg16[%add3A_44, %dma_wait3A_69] : memref<10240x128xf32, #tpu.memory_space<vmem_shared>> -> memref<32x128xf32, #tpu.memory_space<vmem_shared>>
      %dma_wait3A_71 = arith.constant 0 : i32
      %dma_wait3A_72 = tpu.memref_slice %arg16[%add3A_44, %dma_wait3A_71] : memref<10240x128xf32, #tpu.memory_space<vmem_shared>> -> memref<32x128xf32, #tpu.memory_space<vmem_shared>>
      tpu.wait_dma2 semaphore(%run_scoped3A : memref<!tpu.dma_semaphore, #tpu.memory_space<semaphore_mem>>) src(%arg15 : memref<32x128xf32, #tpu.memory_space<vmem>>) dst(%dma_wait3A_72 : memref<32x128xf32, #tpu.memory_space<vmem_shared>>)
      tpu.yield
    }) : () -> ()
    %add3A_45 = arith.constant 576 : i32
    %add3A_46 = arith.addi %mul3A_2, %add3A_45 : i32
    "tpu.region"() ({
      %run_scoped3A = tpu.sem_alloc : memref<!tpu.dma_semaphore, #tpu.memory_space<semaphore_mem>>
      %dma_start3A_65 = arith.constant 0 : i32
      %dma_start3A_66 = tpu.memref_slice %arg16[%add3A_46, %dma_start3A_65] : memref<10240x128xf32, #tpu.memory_space<vmem_shared>> -> memref<32x128xf32, #tpu.memory_space<vmem_shared>>
      %dma_start3A_67 = arith.constant 0 : i32
      %dma_start3A_68 = tpu.memref_slice %arg16[%add3A_46, %dma_start3A_67] : memref<10240x128xf32, #tpu.memory_space<vmem_shared>> -> memref<32x128xf32, #tpu.memory_space<vmem_shared>>
      tpu.enqueue_dma source(%arg15 : memref<32x128xf32, #tpu.memory_space<vmem>>) target(%dma_start3A_68 : memref<32x128xf32, #tpu.memory_space<vmem_shared>>) target_semaphore(%run_scoped3A : memref<!tpu.dma_semaphore, #tpu.memory_space<semaphore_mem>>)
      %dma_wait3A_69 = arith.constant 0 : i32
      %dma_wait3A_70 = tpu.memref_slice %arg16[%add3A_46, %dma_wait3A_69] : memref<10240x128xf32, #tpu.memory_space<vmem_shared>> -> memref<32x128xf32, #tpu.memory_space<vmem_shared>>
      %dma_wait3A_71 = arith.constant 0 : i32
      %dma_wait3A_72 = tpu.memref_slice %arg16[%add3A_46, %dma_wait3A_71] : memref<10240x128xf32, #tpu.memory_space<vmem_shared>> -> memref<32x128xf32, #tpu.memory_space<vmem_shared>>
      tpu.wait_dma2 semaphore(%run_scoped3A : memref<!tpu.dma_semaphore, #tpu.memory_space<semaphore_mem>>) src(%arg15 : memref<32x128xf32, #tpu.memory_space<vmem>>) dst(%dma_wait3A_72 : memref<32x128xf32, #tpu.memory_space<vmem_shared>>)
      tpu.yield
    }) : () -> ()
    %add3A_47 = arith.constant 608 : i32
    %add3A_48 = arith.addi %mul3A_2, %add3A_47 : i32
    "tpu.region"() ({
      %run_scoped3A = tpu.sem_alloc : memref<!tpu.dma_semaphore, #tpu.memory_space<semaphore_mem>>
      %dma_start3A_65 = arith.constant 0 : i32
      %dma_start3A_66 = tpu.memref_slice %arg16[%add3A_48, %dma_start3A_65] : memref<10240x128xf32, #tpu.memory_space<vmem_shared>> -> memref<32x128xf32, #tpu.memory_space<vmem_shared>>
      %dma_start3A_67 = arith.constant 0 : i32
      %dma_start3A_68 = tpu.memref_slice %arg16[%add3A_48, %dma_start3A_67] : memref<10240x128xf32, #tpu.memory_space<vmem_shared>> -> memref<32x128xf32, #tpu.memory_space<vmem_shared>>
      tpu.enqueue_dma source(%arg15 : memref<32x128xf32, #tpu.memory_space<vmem>>) target(%dma_start3A_68 : memref<32x128xf32, #tpu.memory_space<vmem_shared>>) target_semaphore(%run_scoped3A : memref<!tpu.dma_semaphore, #tpu.memory_space<semaphore_mem>>)
      %dma_wait3A_69 = arith.constant 0 : i32
      %dma_wait3A_70 = tpu.memref_slice %arg16[%add3A_48, %dma_wait3A_69] : memref<10240x128xf32, #tpu.memory_space<vmem_shared>> -> memref<32x128xf32, #tpu.memory_space<vmem_shared>>
      %dma_wait3A_71 = arith.constant 0 : i32
      %dma_wait3A_72 = tpu.memref_slice %arg16[%add3A_48, %dma_wait3A_71] : memref<10240x128xf32, #tpu.memory_space<vmem_shared>> -> memref<32x128xf32, #tpu.memory_space<vmem_shared>>
      tpu.wait_dma2 semaphore(%run_scoped3A : memref<!tpu.dma_semaphore, #tpu.memory_space<semaphore_mem>>) src(%arg15 : memref<32x128xf32, #tpu.memory_space<vmem>>) dst(%dma_wait3A_72 : memref<32x128xf32, #tpu.memory_space<vmem_shared>>)
      tpu.yield
    }) : () -> ()
    %barrier3A = arith.constant 0 : index
    tpu.barrier barrier_id(%barrier3A)
    %mul3A_49 = arith.constant 10000 : i32
    %mul3A_50 = arith.muli %add3A, %mul3A_49 : i32
    %scan3A_51 = arith.constant 0 : i32
    %scan3A_52 = arith.constant 0 : i32
    %scan3A_53 = arith.constant 39 : i32
    %scan3A_54 = arith.addi %scan3A_52, %scan3A_53 : i32
    %scan3A_55 = arith.constant 1 : i32
    %scan3A_56 = scf.for %scan3A_65 = %scan3A_52 to %scan3A_54 step %scan3A_55 iter_args(%scan3A_66 = %scan3A_51) -> (i32)  : i32 {
      %mul3A_67 = arith.constant 2 : i32
      %mul3A_68 = arith.muli %mul3A_67, %scan3A_65 : i32
      %mul3A_69 = arith.constant 128 : i32
      %mul3A_70 = arith.muli %mul3A_68, %mul3A_69 : i32
      %add3A_71 = arith.addi %mul3A_50, %mul3A_70 : i32
      %add3A_72 = arith.constant 128 : i32
      %add3A_73 = arith.addi %add3A_71, %add3A_72 : i32
      "tpu.region"() ({
        %run_scoped3A = tpu.sem_alloc : memref<!tpu.dma_semaphore, #tpu.memory_space<semaphore_mem>>
        %dma_start3A_87 = tpu.memref_slice %arg3[%add3A_71] : memref<320000xi32, #tpu.memory_space<hbm>> -> memref<128xi32, #tpu.memory_space<hbm>>
        %dma_start3A_88 = tpu.memref_slice %arg3[%add3A_71] : memref<320000xi32, #tpu.memory_space<hbm>> -> memref<128xi32, #tpu.memory_space<hbm>>
        tpu.enqueue_dma source(%dma_start3A_88 : memref<128xi32, #tpu.memory_space<hbm>>) target(%arg6 : memref<128xi32, #tpu.memory_space<vmem>>) target_semaphore(%run_scoped3A : memref<!tpu.dma_semaphore, #tpu.memory_space<semaphore_mem>>)
        %dma_wait3A_89 = tpu.memref_slice %arg3[%add3A_71] : memref<320000xi32, #tpu.memory_space<hbm>> -> memref<128xi32, #tpu.memory_space<hbm>>
        %dma_wait3A_90 = tpu.memref_slice %arg3[%add3A_71] : memref<320000xi32, #tpu.memory_space<hbm>> -> memref<128xi32, #tpu.memory_space<hbm>>
        tpu.wait_dma2 semaphore(%run_scoped3A : memref<!tpu.dma_semaphore, #tpu.memory_space<semaphore_mem>>) src(%dma_wait3A_90 : memref<128xi32, #tpu.memory_space<hbm>>) dst(%arg6 : memref<128xi32, #tpu.memory_space<vmem>>)
        tpu.yield
      }) : () -> ()
      %dma_start3A_74 = arith.constant 0 : i32
      %dma_start3A_75 = arith.constant 0 : i32
      %dma_start3A_76 = tpu.memref_slice %arg2[%dma_start3A_74, %dma_start3A_75] : memref<10000x128xf32, #tpu.memory_space<hbm>> -> memref<10000x128xf32, #tpu.memory_space<hbm>>
      tpu.enqueue_indirect_dma source(%dma_start3A_76 : memref<10000x128xf32, #tpu.memory_space<hbm>>) target(%arg8 : memref<128x128xf32, #tpu.memory_space<vmem>>) offsets(%arg6 : memref<128xi32, #tpu.memory_space<vmem>>) semaphore(%arg17 : memref<!tpu.dma_semaphore, #tpu.memory_space<semaphore_mem>>)
      "tpu.region"() ({
        %run_scoped3A = tpu.sem_alloc : memref<!tpu.dma_semaphore, #tpu.memory_space<semaphore_mem>>
        %dma_start3A_87 = tpu.memref_slice %arg4[%add3A_71] : memref<320000xi32, #tpu.memory_space<hbm>> -> memref<128xi32, #tpu.memory_space<hbm>>
        %dma_start3A_88 = tpu.memref_slice %arg4[%add3A_71] : memref<320000xi32, #tpu.memory_space<hbm>> -> memref<128xi32, #tpu.memory_space<hbm>>
        tpu.enqueue_dma source(%dma_start3A_88 : memref<128xi32, #tpu.memory_space<hbm>>) target(%arg7 : memref<128xi32, #tpu.memory_space<vmem>>) target_semaphore(%run_scoped3A : memref<!tpu.dma_semaphore, #tpu.memory_space<semaphore_mem>>)
        %dma_wait3A_89 = tpu.memref_slice %arg4[%add3A_71] : memref<320000xi32, #tpu.memory_space<hbm>> -> memref<128xi32, #tpu.memory_space<hbm>>
        %dma_wait3A_90 = tpu.memref_slice %arg4[%add3A_71] : memref<320000xi32, #tpu.memory_space<hbm>> -> memref<128xi32, #tpu.memory_space<hbm>>
        tpu.wait_dma2 semaphore(%run_scoped3A : memref<!tpu.dma_semaphore, #tpu.memory_space<semaphore_mem>>) src(%dma_wait3A_90 : memref<128xi32, #tpu.memory_space<hbm>>) dst(%arg7 : memref<128xi32, #tpu.memory_space<vmem>>)
        tpu.yield
      }) : () -> ()
      "tpu.region"() ({
        %run_scoped3A = tpu.sem_alloc : memref<!tpu.dma_semaphore, #tpu.memory_space<semaphore_mem>>
        %dma_start3A_87 = tpu.memref_slice %arg3[%add3A_73] : memref<320000xi32, #tpu.memory_space<hbm>> -> memref<128xi32, #tpu.memory_space<hbm>>
        %dma_start3A_88 = tpu.memref_slice %arg3[%add3A_73] : memref<320000xi32, #tpu.memory_space<hbm>> -> memref<128xi32, #tpu.memory_space<hbm>>
        tpu.enqueue_dma source(%dma_start3A_88 : memref<128xi32, #tpu.memory_space<hbm>>) target(%arg9 : memref<128xi32, #tpu.memory_space<vmem>>) target_semaphore(%run_scoped3A : memref<!tpu.dma_semaphore, #tpu.memory_space<semaphore_mem>>)
        %dma_wait3A_89 = tpu.memref_slice %arg3[%add3A_73] : memref<320000xi32, #tpu.memory_space<hbm>> -> memref<128xi32, #tpu.memory_space<hbm>>
        %dma_wait3A_90 = tpu.memref_slice %arg3[%add3A_73] : memref<320000xi32, #tpu.memory_space<hbm>> -> memref<128xi32, #tpu.memory_space<hbm>>
        tpu.wait_dma2 semaphore(%run_scoped3A : memref<!tpu.dma_semaphore, #tpu.memory_space<semaphore_mem>>) src(%dma_wait3A_90 : memref<128xi32, #tpu.memory_space<hbm>>) dst(%arg9 : memref<128xi32, #tpu.memory_space<vmem>>)
        tpu.yield
      }) : () -> ()
      %dma_start3A_77 = arith.constant 0 : i32
      %dma_start3A_78 = arith.constant 0 : i32
      %dma_start3A_79 = tpu.memref_slice %arg2[%dma_start3A_77, %dma_start3A_78] : memref<10000x128xf32, #tpu.memory_space<hbm>> -> memref<10000x128xf32, #tpu.memory_space<hbm>>
      tpu.enqueue_indirect_dma source(%dma_start3A_79 : memref<10000x128xf32, #tpu.memory_space<hbm>>) target(%arg11 : memref<128x128xf32, #tpu.memory_space<vmem>>) offsets(%arg9 : memref<128xi32, #tpu.memory_space<vmem>>) semaphore(%arg18 : memref<!tpu.dma_semaphore, #tpu.memory_space<semaphore_mem>>)
      "tpu.region"() ({
        %run_scoped3A = tpu.sem_alloc : memref<!tpu.dma_semaphore, #tpu.memory_space<semaphore_mem>>
        %dma_start3A_87 = tpu.memref_slice %arg4[%add3A_73] : memref<320000xi32, #tpu.memory_space<hbm>> -> memref<128xi32, #tpu.memory_space<hbm>>
        %dma_start3A_88 = tpu.memref_slice %arg4[%add3A_73] : memref<320000xi32, #tpu.memory_space<hbm>> -> memref<128xi32, #tpu.memory_space<hbm>>
        tpu.enqueue_dma source(%dma_start3A_88 : memref<128xi32, #tpu.memory_space<hbm>>) target(%arg10 : memref<128xi32, #tpu.memory_space<vmem>>) target_semaphore(%run_scoped3A : memref<!tpu.dma_semaphore, #tpu.memory_space<semaphore_mem>>)
        %dma_wait3A_89 = tpu.memref_slice %arg4[%add3A_73] : memref<320000xi32, #tpu.memory_space<hbm>> -> memref<128xi32, #tpu.memory_space<hbm>>
        %dma_wait3A_90 = tpu.memref_slice %arg4[%add3A_73] : memref<320000xi32, #tpu.memory_space<hbm>> -> memref<128xi32, #tpu.memory_space<hbm>>
        tpu.wait_dma2 semaphore(%run_scoped3A : memref<!tpu.dma_semaphore, #tpu.memory_space<semaphore_mem>>) src(%dma_wait3A_90 : memref<128xi32, #tpu.memory_space<hbm>>) dst(%arg10 : memref<128xi32, #tpu.memory_space<vmem>>)
        tpu.yield
      }) : () -> ()
      %dma_wait3A_80 = arith.constant 0 : i32
      %dma_wait3A_81 = arith.constant 0 : i32
      %dma_wait3A_82 = tpu.memref_slice %arg2[%dma_wait3A_80, %dma_wait3A_81] : memref<10000x128xf32, #tpu.memory_space<hbm>> -> memref<10000x128xf32, #tpu.memory_space<hbm>>
      tpu.wait_indirect_dma semaphore(%arg17 : memref<!tpu.dma_semaphore, #tpu.memory_space<semaphore_mem>>) src(%dma_wait3A_82 : memref<10000x128xf32, #tpu.memory_space<hbm>>) dst(%arg8 : memref<128x128xf32, #tpu.memory_space<vmem>>)
      "tpu.region"() ({
        %run_scoped3A = tpu.sem_alloc : memref<!tpu.dma_semaphore, #tpu.memory_space<semaphore_mem>>
        %dma_start3A_87 = arith.constant 0 : i32
        %dma_start3A_88 = arith.constant 0 : i32
        %dma_start3A_89 = tpu.memref_slice %arg16[%dma_start3A_87, %dma_start3A_88] : memref<10240x128xf32, #tpu.memory_space<vmem_shared>> -> memref<10240x128xf32, #tpu.memory_space<vmem_shared>>
        tpu.enqueue_indirect_dma source(%arg8 : memref<128x128xf32, #tpu.memory_space<vmem>>) target(%dma_start3A_89 : memref<10240x128xf32, #tpu.memory_space<vmem_shared>>) offsets(%arg7 : memref<128xi32, #tpu.memory_space<vmem>>) semaphore(%run_scoped3A : memref<!tpu.dma_semaphore, #tpu.memory_space<semaphore_mem>>) {add = true}
        %dma_wait3A_90 = arith.constant 0 : i32
        %dma_wait3A_91 = arith.constant 0 : i32
        %dma_wait3A_92 = tpu.memref_slice %arg16[%dma_wait3A_90, %dma_wait3A_91] : memref<10240x128xf32, #tpu.memory_space<vmem_shared>> -> memref<10240x128xf32, #tpu.memory_space<vmem_shared>>
        tpu.wait_indirect_dma semaphore(%run_scoped3A : memref<!tpu.dma_semaphore, #tpu.memory_space<semaphore_mem>>) src(%arg8 : memref<128x128xf32, #tpu.memory_space<vmem>>) dst(%dma_wait3A_92 : memref<10240x128xf32, #tpu.memory_space<vmem_shared>>)
        tpu.yield
      }) : () -> ()
      %dma_wait3A_83 = arith.constant 0 : i32
      %dma_wait3A_84 = arith.constant 0 : i32
      %dma_wait3A_85 = tpu.memref_slice %arg2[%dma_wait3A_83, %dma_wait3A_84] : memref<10000x128xf32, #tpu.memory_space<hbm>> -> memref<10000x128xf32, #tpu.memory_space<hbm>>
      tpu.wait_indirect_dma semaphore(%arg18 : memref<!tpu.dma_semaphore, #tpu.memory_space<semaphore_mem>>) src(%dma_wait3A_85 : memref<10000x128xf32, #tpu.memory_space<hbm>>) dst(%arg11 : memref<128x128xf32, #tpu.memory_space<vmem>>)
      "tpu.region"() ({
        %run_scoped3A = tpu.sem_alloc : memref<!tpu.dma_semaphore, #tpu.memory_space<semaphore_mem>>
        %dma_start3A_87 = arith.constant 0 : i32
        %dma_start3A_88 = arith.constant 0 : i32
        %dma_start3A_89 = tpu.memref_slice %arg16[%dma_start3A_87, %dma_start3A_88] : memref<10240x128xf32, #tpu.memory_space<vmem_shared>> -> memref<10240x128xf32, #tpu.memory_space<vmem_shared>>
        tpu.enqueue_indirect_dma source(%arg11 : memref<128x128xf32, #tpu.memory_space<vmem>>) target(%dma_start3A_89 : memref<10240x128xf32, #tpu.memory_space<vmem_shared>>) offsets(%arg10 : memref<128xi32, #tpu.memory_space<vmem>>) semaphore(%run_scoped3A : memref<!tpu.dma_semaphore, #tpu.memory_space<semaphore_mem>>) {add = true}
        %dma_wait3A_90 = arith.constant 0 : i32
        %dma_wait3A_91 = arith.constant 0 : i32
        %dma_wait3A_92 = tpu.memref_slice %arg16[%dma_wait3A_90, %dma_wait3A_91] : memref<10240x128xf32, #tpu.memory_space<vmem_shared>> -> memref<10240x128xf32, #tpu.memory_space<vmem_shared>>
        tpu.wait_indirect_dma semaphore(%run_scoped3A : memref<!tpu.dma_semaphore, #tpu.memory_space<semaphore_mem>>) src(%arg11 : memref<128x128xf32, #tpu.memory_space<vmem>>) dst(%dma_wait3A_92 : memref<10240x128xf32, #tpu.memory_space<vmem_shared>>)
        tpu.yield
      }) : () -> ()
      %scan3A_86 = arith.constant 0 : i32
      scf.yield %scan3A_86 : i32
    }
    %scan3A_57 = arith.constant 39 : i32
    %add3A_58 = arith.constant 9984 : i32
    %add3A_59 = arith.addi %mul3A_50, %add3A_58 : i32
    "tpu.region"() ({
      %run_scoped3A = tpu.sem_alloc : memref<!tpu.dma_semaphore, #tpu.memory_space<semaphore_mem>>
      %dma_start3A_65 = tpu.memref_slice %arg3[%add3A_59] : memref<320000xi32, #tpu.memory_space<hbm>> -> memref<16xi32, #tpu.memory_space<hbm>>
      %dma_start3A_66 = tpu.memref_slice %arg3[%add3A_59] : memref<320000xi32, #tpu.memory_space<hbm>> -> memref<16xi32, #tpu.memory_space<hbm>>
      tpu.enqueue_dma source(%dma_start3A_66 : memref<16xi32, #tpu.memory_space<hbm>>) target(%arg12 : memref<16xi32, #tpu.memory_space<vmem>>) target_semaphore(%run_scoped3A : memref<!tpu.dma_semaphore, #tpu.memory_space<semaphore_mem>>)
      %dma_wait3A_67 = tpu.memref_slice %arg3[%add3A_59] : memref<320000xi32, #tpu.memory_space<hbm>> -> memref<16xi32, #tpu.memory_space<hbm>>
      %dma_wait3A_68 = tpu.memref_slice %arg3[%add3A_59] : memref<320000xi32, #tpu.memory_space<hbm>> -> memref<16xi32, #tpu.memory_space<hbm>>
      tpu.wait_dma2 semaphore(%run_scoped3A : memref<!tpu.dma_semaphore, #tpu.memory_space<semaphore_mem>>) src(%dma_wait3A_68 : memref<16xi32, #tpu.memory_space<hbm>>) dst(%arg12 : memref<16xi32, #tpu.memory_space<vmem>>)
      tpu.yield
    }) : () -> ()
    "tpu.region"() ({
      %run_scoped3A = tpu.sem_alloc : memref<!tpu.dma_semaphore, #tpu.memory_space<semaphore_mem>>
      %dma_start3A_65 = tpu.memref_slice %arg4[%add3A_59] : memref<320000xi32, #tpu.memory_space<hbm>> -> memref<16xi32, #tpu.memory_space<hbm>>
      %dma_start3A_66 = tpu.memref_slice %arg4[%add3A_59] : memref<320000xi32, #tpu.memory_space<hbm>> -> memref<16xi32, #tpu.memory_space<hbm>>
      tpu.enqueue_dma source(%dma_start3A_66 : memref<16xi32, #tpu.memory_space<hbm>>) target(%arg13 : memref<16xi32, #tpu.memory_space<vmem>>) target_semaphore(%run_scoped3A : memref<!tpu.dma_semaphore, #tpu.memory_space<semaphore_mem>>)
      %dma_wait3A_67 = tpu.memref_slice %arg4[%add3A_59] : memref<320000xi32, #tpu.memory_space<hbm>> -> memref<16xi32, #tpu.memory_space<hbm>>
      %dma_wait3A_68 = tpu.memref_slice %arg4[%add3A_59] : memref<320000xi32, #tpu.memory_space<hbm>> -> memref<16xi32, #tpu.memory_space<hbm>>
      tpu.wait_dma2 semaphore(%run_scoped3A : memref<!tpu.dma_semaphore, #tpu.memory_space<semaphore_mem>>) src(%dma_wait3A_68 : memref<16xi32, #tpu.memory_space<hbm>>) dst(%arg13 : memref<16xi32, #tpu.memory_space<vmem>>)
      tpu.yield
    }) : () -> ()
    %dma_start3A = arith.constant 0 : i32
    %dma_start3A_60 = arith.constant 0 : i32
    %dma_start3A_61 = tpu.memref_slice %arg2[%dma_start3A, %dma_start3A_60] : memref<10000x128xf32, #tpu.memory_space<hbm>> -> memref<10000x128xf32, #tpu.memory_space<hbm>>
    tpu.enqueue_indirect_dma source(%dma_start3A_61 : memref<10000x128xf32, #tpu.memory_space<hbm>>) target(%arg14 : memref<16x128xf32, #tpu.memory_space<vmem>>) offsets(%arg12 : memref<16xi32, #tpu.memory_space<vmem>>) semaphore(%arg17 : memref<!tpu.dma_semaphore, #tpu.memory_space<semaphore_mem>>)
    %dma_wait3A = arith.constant 0 : i32
    %dma_wait3A_62 = arith.constant 0 : i32
    %dma_wait3A_63 = tpu.memref_slice %arg2[%dma_wait3A, %dma_wait3A_62] : memref<10000x128xf32, #tpu.memory_space<hbm>> -> memref<10000x128xf32, #tpu.memory_space<hbm>>
    tpu.wait_indirect_dma semaphore(%arg17 : memref<!tpu.dma_semaphore, #tpu.memory_space<semaphore_mem>>) src(%dma_wait3A_63 : memref<10000x128xf32, #tpu.memory_space<hbm>>) dst(%arg14 : memref<16x128xf32, #tpu.memory_space<vmem>>)
    "tpu.region"() ({
      %run_scoped3A = tpu.sem_alloc : memref<!tpu.dma_semaphore, #tpu.memory_space<semaphore_mem>>
      %dma_start3A_65 = arith.constant 0 : i32
      %dma_start3A_66 = arith.constant 0 : i32
      %dma_start3A_67 = tpu.memref_slice %arg16[%dma_start3A_65, %dma_start3A_66] : memref<10240x128xf32, #tpu.memory_space<vmem_shared>> -> memref<10240x128xf32, #tpu.memory_space<vmem_shared>>
      tpu.enqueue_indirect_dma source(%arg14 : memref<16x128xf32, #tpu.memory_space<vmem>>) target(%dma_start3A_67 : memref<10240x128xf32, #tpu.memory_space<vmem_shared>>) offsets(%arg13 : memref<16xi32, #tpu.memory_space<vmem>>) semaphore(%run_scoped3A : memref<!tpu.dma_semaphore, #tpu.memory_space<semaphore_mem>>) {add = true}
      %dma_wait3A_68 = arith.constant 0 : i32
      %dma_wait3A_69 = arith.constant 0 : i32
      %dma_wait3A_70 = tpu.memref_slice %arg16[%dma_wait3A_68, %dma_wait3A_69] : memref<10240x128xf32, #tpu.memory_space<vmem_shared>> -> memref<10240x128xf32, #tpu.memory_space<vmem_shared>>
      tpu.wait_indirect_dma semaphore(%run_scoped3A : memref<!tpu.dma_semaphore, #tpu.memory_space<semaphore_mem>>) src(%arg14 : memref<16x128xf32, #tpu.memory_space<vmem>>) dst(%dma_wait3A_70 : memref<10240x128xf32, #tpu.memory_space<vmem_shared>>)
      tpu.yield
    }) : () -> ()
    %barrier3A_64 = arith.constant 0 : index
    tpu.barrier barrier_id(%barrier3A_64)
    "tpu.region"() ({
      %run_scoped3A = tpu.sem_alloc : memref<!tpu.dma_semaphore, #tpu.memory_space<semaphore_mem>>
      %dma_start3A_65 = arith.constant 0 : i32
      %dma_start3A_66 = tpu.memref_slice %arg5[%arg0, %mul3A_2, %dma_start3A_65] : memref<2x10240x128xf32, #tpu.memory_space<hbm>> -> memref<1x640x128xf32, #tpu.memory_space<hbm>>
      %dma_start3A_67 = tpu.memref_squeeze %dma_start3A_66 : memref<1x640x128xf32, #tpu.memory_space<hbm>> -> memref<640x128xf32, #tpu.memory_space<hbm>>
      %dma_start3A_68 = arith.constant 0 : i32
      %dma_start3A_69 = tpu.memref_slice %arg16[%mul3A_2, %dma_start3A_68] : memref<10240x128xf32, #tpu.memory_space<vmem_shared>> -> memref<640x128xf32, #tpu.memory_space<vmem_shared>>
      tpu.enqueue_dma source(%dma_start3A_69 : memref<640x128xf32, #tpu.memory_space<vmem_shared>>) target(%dma_start3A_67 : memref<640x128xf32, #tpu.memory_space<hbm>>) target_semaphore(%run_scoped3A : memref<!tpu.dma_semaphore, #tpu.memory_space<semaphore_mem>>)
      %dma_wait3A_70 = arith.constant 0 : i32
      %dma_wait3A_71 = tpu.memref_slice %arg5[%arg0, %mul3A_2, %dma_wait3A_70] : memref<2x10240x128xf32, #tpu.memory_space<hbm>> -> memref<1x640x128xf32, #tpu.memory_space<hbm>>
      %dma_wait3A_72 = tpu.memref_squeeze %dma_wait3A_71 : memref<1x640x128xf32, #tpu.memory_space<hbm>> -> memref<640x128xf32, #tpu.memory_space<hbm>>
      %dma_wait3A_73 = arith.constant 0 : i32
      %dma_wait3A_74 = tpu.memref_slice %arg16[%mul3A_2, %dma_wait3A_73] : memref<10240x128xf32, #tpu.memory_space<vmem_shared>> -> memref<640x128xf32, #tpu.memory_space<vmem_shared>>
      tpu.wait_dma2 semaphore(%run_scoped3A : memref<!tpu.dma_semaphore, #tpu.memory_space<semaphore_mem>>) src(%dma_wait3A_74 : memref<640x128xf32, #tpu.memory_space<vmem_shared>>) dst(%dma_wait3A_72 : memref<640x128xf32, #tpu.memory_space<hbm>>)
      tpu.yield
    }) : () -> ()
    return
  }
}

#map = affine_map<(d0, d1) -> (0, 0)>
#map1 = affine_map<(d0, d1) -> (0)>
#map2 = affine_map<(d0, d1) -> (0, 0, 0)>
module attributes {stable_mosaic.version = 14 : i64} {
  func.func @_edge_agg(%arg0: i32, %arg1: i32, %arg2: memref<10000x128xf32, #tpu.memory_space<hbm>>, %arg3: memref<320000xi32, #tpu.memory_space<hbm>>, %arg4: memref<320000xi32, #tpu.memory_space<hbm>>, %arg5: memref<2x10240x128xf32, #tpu.memory_space<hbm>>, %arg6: memref<128xi32, #tpu.memory_space<vmem>>, %arg7: memref<128xi32, #tpu.memory_space<vmem>>, %arg8: memref<128x128xf32, #tpu.memory_space<vmem>>, %arg9: memref<128xi32, #tpu.memory_space<vmem>>, %arg10: memref<128xi32, #tpu.memory_space<vmem>>, %arg11: memref<128x128xf32, #tpu.memory_space<vmem>>, %arg12: memref<16xi32, #tpu.memory_space<vmem>>, %arg13: memref<16xi32, #tpu.memory_space<vmem>>, %arg14: memref<16x128xf32, #tpu.memory_space<vmem>>, %arg15: memref<32x128xf32, #tpu.memory_space<vmem>>, %arg16: memref<10240x128xf32, #tpu.memory_space<vmem_shared>>, %arg17: memref<!tpu.dma_semaphore, #tpu.memory_space<semaphore_mem>>, %arg18: memref<!tpu.dma_semaphore, #tpu.memory_space<semaphore_mem>>) attributes {dimension_semantics = [#tpu.dimension_semantics<core_parallel>, #tpu.dimension_semantics<subcore_parallel>], iteration_bounds = array<i64: 2, 16>, scalar_prefetch = 0 : i64, scratch_operands = 13 : i64, tpu.core_type = #tpu.core_type<sc_vector_subcore>, window_params = [{transform_indices = #map}, {transform_indices = #map1}, {transform_indices = #map1}, {transform_indices = #map2}]} {
    %mul3A = arith.constant 2 : i32
    %mul3A_0 = arith.muli %arg1, %mul3A : i32
    %add3A = arith.addi %mul3A_0, %arg0 : i32
    %mul3A_1 = arith.constant 640 : i32
    %mul3A_2 = arith.muli %arg1, %mul3A_1 : i32
    %scan3A = arith.constant 0 : i32
    %scan3A_3 = arith.constant 0 : i32
    %scan3A_4 = arith.constant 32 : i32
    %scan3A_5 = arith.addi %scan3A_3, %scan3A_4 : i32
    %scan3A_6 = arith.constant 1 : i32
    %scan3A_7 = scf.for %scan3A_65 = %scan3A_3 to %scan3A_5 step %scan3A_6 iter_args(%scan3A_66 = %scan3A) -> (i32)  : i32 {
      %broadcast_in_dim3A = arith.constant 0.000000e+00 : f32
      %broadcast_in_dim3A_67 = vector.broadcast %broadcast_in_dim3A : f32 to vector<16xf32>
      %swap3A = arith.index_cast %scan3A_65 : i32 to index
      %swap3A_68 = arith.constant 0 : index
      %swap3A_69 = tpu.vector_load %arg15[%swap3A, %swap3A_68] {strides = array<i32>} : memref<32x128xf32, #tpu.memory_space<vmem>>, vector<1x16xf32>,
      %swap3A_70 = vector.shape_cast %swap3A_69 : vector<1x16xf32> to vector<16xf32>
      %swap3A_71 = vector.shape_cast %broadcast_in_dim3A_67 : vector<16xf32> to vector<1x16xf32>
      tpu.vector_store %arg15[%swap3A, %swap3A_68], %swap3A_71 {strides = array<i32>} : memref<32x128xf32, #tpu.memory_space<vmem>>, vector<1x16xf32>,
      %broadcast_in_dim3A_72 = arith.constant 0.000000e+00 : f32
      %broadcast_in_dim3A_73 = vector.broadcast %broadcast_in_dim3A_72 : f32 to vector<16xf32>
      %swap3A_74 = arith.index_cast %scan3A_65 : i32 to index
      %swap3A_75 = arith.constant 16 : index
      %swap3A_76 = tpu.vector_load %arg15[%swap3A_74, %swap3A_75] {strides = array<i32>} : memref<32x128xf32, #tpu.memory_space<vmem>>, vector<1x16xf32>,
      %swap3A_77 = vector.shape_cast %swap3A_76 : vector<1x16xf32> to vector<16xf32>
      %swap3A_78 = vector.shape_cast %broadcast_in_dim3A_73 : vector<16xf32> to vector<1x16xf32>
      tpu.vector_store %arg15[%swap3A_74, %swap3A_75], %swap3A_78 {strides = array<i32>} : memref<32x128xf32, #tpu.memory_space<vmem>>, vector<1x16xf32>,
      %broadcast_in_dim3A_79 = arith.constant 0.000000e+00 : f32
      %broadcast_in_dim3A_80 = vector.broadcast %broadcast_in_dim3A_79 : f32 to vector<16xf32>
      %swap3A_81 = arith.index_cast %scan3A_65 : i32 to index
      %swap3A_82 = arith.constant 32 : index
      %swap3A_83 = tpu.vector_load %arg15[%swap3A_81, %swap3A_82] {strides = array<i32>} : memref<32x128xf32, #tpu.memory_space<vmem>>, vector<1x16xf32>,
      %swap3A_84 = vector.shape_cast %swap3A_83 : vector<1x16xf32> to vector<16xf32>
      %swap3A_85 = vector.shape_cast %broadcast_in_dim3A_80 : vector<16xf32> to vector<1x16xf32>
      tpu.vector_store %arg15[%swap3A_81, %swap3A_82], %swap3A_85 {strides = array<i32>} : memref<32x128xf32, #tpu.memory_space<vmem>>, vector<1x16xf32>,
      %broadcast_in_dim3A_86 = arith.constant 0.000000e+00 : f32
      %broadcast_in_dim3A_87 = vector.broadcast %broadcast_in_dim3A_86 : f32 to vector<16xf32>
      %swap3A_88 = arith.index_cast %scan3A_65 : i32 to index
      %swap3A_89 = arith.constant 48 : index
      %swap3A_90 = tpu.vector_load %arg15[%swap3A_88, %swap3A_89] {strides = array<i32>} : memref<32x128xf32, #tpu.memory_space<vmem>>, vector<1x16xf32>,
      %swap3A_91 = vector.shape_cast %swap3A_90 : vector<1x16xf32> to vector<16xf32>
      %swap3A_92 = vector.shape_cast %broadcast_in_dim3A_87 : vector<16xf32> to vector<1x16xf32>
      tpu.vector_store %arg15[%swap3A_88, %swap3A_89], %swap3A_92 {strides = array<i32>} : memref<32x128xf32, #tpu.memory_space<vmem>>, vector<1x16xf32>,
      %broadcast_in_dim3A_93 = arith.constant 0.000000e+00 : f32
      %broadcast_in_dim3A_94 = vector.broadcast %broadcast_in_dim3A_93 : f32 to vector<16xf32>
      %swap3A_95 = arith.index_cast %scan3A_65 : i32 to index
      %swap3A_96 = arith.constant 64 : index
      %swap3A_97 = tpu.vector_load %arg15[%swap3A_95, %swap3A_96] {strides = array<i32>} : memref<32x128xf32, #tpu.memory_space<vmem>>, vector<1x16xf32>,
      %swap3A_98 = vector.shape_cast %swap3A_97 : vector<1x16xf32> to vector<16xf32>
      %swap3A_99 = vector.shape_cast %broadcast_in_dim3A_94 : vector<16xf32> to vector<1x16xf32>
      tpu.vector_store %arg15[%swap3A_95, %swap3A_96], %swap3A_99 {strides = array<i32>} : memref<32x128xf32, #tpu.memory_space<vmem>>, vector<1x16xf32>,
      %broadcast_in_dim3A_100 = arith.constant 0.000000e+00 : f32
      %broadcast_in_dim3A_101 = vector.broadcast %broadcast_in_dim3A_100 : f32 to vector<16xf32>
      %swap3A_102 = arith.index_cast %scan3A_65 : i32 to index
      %swap3A_103 = arith.constant 80 : index
      %swap3A_104 = tpu.vector_load %arg15[%swap3A_102, %swap3A_103] {strides = array<i32>} : memref<32x128xf32, #tpu.memory_space<vmem>>, vector<1x16xf32>,
      %swap3A_105 = vector.shape_cast %swap3A_104 : vector<1x16xf32> to vector<16xf32>
      %swap3A_106 = vector.shape_cast %broadcast_in_dim3A_101 : vector<16xf32> to vector<1x16xf32>
      tpu.vector_store %arg15[%swap3A_102, %swap3A_103], %swap3A_106 {strides = array<i32>} : memref<32x128xf32, #tpu.memory_space<vmem>>, vector<1x16xf32>,
      %broadcast_in_dim3A_107 = arith.constant 0.000000e+00 : f32
      %broadcast_in_dim3A_108 = vector.broadcast %broadcast_in_dim3A_107 : f32 to vector<16xf32>
      %swap3A_109 = arith.index_cast %scan3A_65 : i32 to index
      %swap3A_110 = arith.constant 96 : index
      %swap3A_111 = tpu.vector_load %arg15[%swap3A_109, %swap3A_110] {strides = array<i32>} : memref<32x128xf32, #tpu.memory_space<vmem>>, vector<1x16xf32>,
      %swap3A_112 = vector.shape_cast %swap3A_111 : vector<1x16xf32> to vector<16xf32>
      %swap3A_113 = vector.shape_cast %broadcast_in_dim3A_108 : vector<16xf32> to vector<1x16xf32>
      tpu.vector_store %arg15[%swap3A_109, %swap3A_110], %swap3A_113 {strides = array<i32>} : memref<32x128xf32, #tpu.memory_space<vmem>>, vector<1x16xf32>,
      %broadcast_in_dim3A_114 = arith.constant 0.000000e+00 : f32
      %broadcast_in_dim3A_115 = vector.broadcast %broadcast_in_dim3A_114 : f32 to vector<16xf32>
      %swap3A_116 = arith.index_cast %scan3A_65 : i32 to index
      %swap3A_117 = arith.constant 112 : index
      %swap3A_118 = tpu.vector_load %arg15[%swap3A_116, %swap3A_117] {strides = array<i32>} : memref<32x128xf32, #tpu.memory_space<vmem>>, vector<1x16xf32>,
      %swap3A_119 = vector.shape_cast %swap3A_118 : vector<1x16xf32> to vector<16xf32>
      %swap3A_120 = vector.shape_cast %broadcast_in_dim3A_115 : vector<16xf32> to vector<1x16xf32>
      tpu.vector_store %arg15[%swap3A_116, %swap3A_117], %swap3A_120 {strides = array<i32>} : memref<32x128xf32, #tpu.memory_space<vmem>>, vector<1x16xf32>,
      %scan3A_121 = arith.constant 0 : i32
      scf.yield %scan3A_121 : i32
    }
    %scan3A_8 = arith.constant 32 : i32
    %add3A_9 = arith.constant 0 : i32
    %add3A_10 = arith.addi %mul3A_2, %add3A_9 : i32
    "tpu.region"() ({
      %run_scoped3A = tpu.sem_alloc : memref<!tpu.dma_semaphore, #tpu.memory_space<semaphore_mem>>
      %dma_start3A_65 = arith.constant 0 : i32
      %dma_start3A_66 = tpu.memref_slice %arg16[%add3A_10, %dma_start3A_65] : memref<10240x128xf32, #tpu.memory_space<vmem_shared>> -> memref<32x128xf32, #tpu.memory_space<vmem_shared>>
      %dma_start3A_67 = arith.constant 0 : i32
      %dma_start3A_68 = tpu.memref_slice %arg16[%add3A_10, %dma_start3A_67] : memref<10240x128xf32, #tpu.memory_space<vmem_shared>> -> memref<32x128xf32, #tpu.memory_space<vmem_shared>>
      tpu.enqueue_dma source(%arg15 : memref<32x128xf32, #tpu.memory_space<vmem>>) target(%dma_start3A_68 : memref<32x128xf32, #tpu.memory_space<vmem_shared>>) target_semaphore(%run_scoped3A : memref<!tpu.dma_semaphore, #tpu.memory_space<semaphore_mem>>)
      %dma_wait3A_69 = arith.constant 0 : i32
      %dma_wait3A_70 = tpu.memref_slice %arg16[%add3A_10, %dma_wait3A_69] : memref<10240x128xf32, #tpu.memory_space<vmem_shared>> -> memref<32x128xf32, #tpu.memory_space<vmem_shared>>
      %dma_wait3A_71 = arith.constant 0 : i32
      %dma_wait3A_72 = tpu.memref_slice %arg16[%add3A_10, %dma_wait3A_71] : memref<10240x128xf32, #tpu.memory_space<vmem_shared>> -> memref<32x128xf32, #tpu.memory_space<vmem_shared>>
      tpu.wait_dma2 semaphore(%run_scoped3A : memref<!tpu.dma_semaphore, #tpu.memory_space<semaphore_mem>>) src(%arg15 : memref<32x128xf32, #tpu.memory_space<vmem>>) dst(%dma_wait3A_72 : memref<32x128xf32, #tpu.memory_space<vmem_shared>>)
      tpu.yield
    }) : () -> ()
    %add3A_11 = arith.constant 32 : i32
    %add3A_12 = arith.addi %mul3A_2, %add3A_11 : i32
    "tpu.region"() ({
      %run_scoped3A = tpu.sem_alloc : memref<!tpu.dma_semaphore, #tpu.memory_space<semaphore_mem>>
      %dma_start3A_65 = arith.constant 0 : i32
      %dma_start3A_66 = tpu.memref_slice %arg16[%add3A_12, %dma_start3A_65] : memref<10240x128xf32, #tpu.memory_space<vmem_shared>> -> memref<32x128xf32, #tpu.memory_space<vmem_shared>>
      %dma_start3A_67 = arith.constant 0 : i32
      %dma_start3A_68 = tpu.memref_slice %arg16[%add3A_12, %dma_start3A_67] : memref<10240x128xf32, #tpu.memory_space<vmem_shared>> -> memref<32x128xf32, #tpu.memory_space<vmem_shared>>
      tpu.enqueue_dma source(%arg15 : memref<32x128xf32, #tpu.memory_space<vmem>>) target(%dma_start3A_68 : memref<32x128xf32, #tpu.memory_space<vmem_shared>>) target_semaphore(%run_scoped3A : memref<!tpu.dma_semaphore, #tpu.memory_space<semaphore_mem>>)
      %dma_wait3A_69 = arith.constant 0 : i32
      %dma_wait3A_70 = tpu.memref_slice %arg16[%add3A_12, %dma_wait3A_69] : memref<10240x128xf32, #tpu.memory_space<vmem_shared>> -> memref<32x128xf32, #tpu.memory_space<vmem_shared>>
      %dma_wait3A_71 = arith.constant 0 : i32
      %dma_wait3A_72 = tpu.memref_slice %arg16[%add3A_12, %dma_wait3A_71] : memref<10240x128xf32, #tpu.memory_space<vmem_shared>> -> memref<32x128xf32, #tpu.memory_space<vmem_shared>>
      tpu.wait_dma2 semaphore(%run_scoped3A : memref<!tpu.dma_semaphore, #tpu.memory_space<semaphore_mem>>) src(%arg15 : memref<32x128xf32, #tpu.memory_space<vmem>>) dst(%dma_wait3A_72 : memref<32x128xf32, #tpu.memory_space<vmem_shared>>)
      tpu.yield
    }) : () -> ()
    %add3A_13 = arith.constant 64 : i32
    %add3A_14 = arith.addi %mul3A_2, %add3A_13 : i32
    "tpu.region"() ({
      %run_scoped3A = tpu.sem_alloc : memref<!tpu.dma_semaphore, #tpu.memory_space<semaphore_mem>>
      %dma_start3A_65 = arith.constant 0 : i32
      %dma_start3A_66 = tpu.memref_slice %arg16[%add3A_14, %dma_start3A_65] : memref<10240x128xf32, #tpu.memory_space<vmem_shared>> -> memref<32x128xf32, #tpu.memory_space<vmem_shared>>
      %dma_start3A_67 = arith.constant 0 : i32
      %dma_start3A_68 = tpu.memref_slice %arg16[%add3A_14, %dma_start3A_67] : memref<10240x128xf32, #tpu.memory_space<vmem_shared>> -> memref<32x128xf32, #tpu.memory_space<vmem_shared>>
      tpu.enqueue_dma source(%arg15 : memref<32x128xf32, #tpu.memory_space<vmem>>) target(%dma_start3A_68 : memref<32x128xf32, #tpu.memory_space<vmem_shared>>) target_semaphore(%run_scoped3A : memref<!tpu.dma_semaphore, #tpu.memory_space<semaphore_mem>>)
      %dma_wait3A_69 = arith.constant 0 : i32
      %dma_wait3A_70 = tpu.memref_slice %arg16[%add3A_14, %dma_wait3A_69] : memref<10240x128xf32, #tpu.memory_space<vmem_shared>> -> memref<32x128xf32, #tpu.memory_space<vmem_shared>>
      %dma_wait3A_71 = arith.constant 0 : i32
      %dma_wait3A_72 = tpu.memref_slice %arg16[%add3A_14, %dma_wait3A_71] : memref<10240x128xf32, #tpu.memory_space<vmem_shared>> -> memref<32x128xf32, #tpu.memory_space<vmem_shared>>
      tpu.wait_dma2 semaphore(%run_scoped3A : memref<!tpu.dma_semaphore, #tpu.memory_space<semaphore_mem>>) src(%arg15 : memref<32x128xf32, #tpu.memory_space<vmem>>) dst(%dma_wait3A_72 : memref<32x128xf32, #tpu.memory_space<vmem_shared>>)
      tpu.yield
    }) : () -> ()
    %add3A_15 = arith.constant 96 : i32
    %add3A_16 = arith.addi %mul3A_2, %add3A_15 : i32
    "tpu.region"() ({
      %run_scoped3A = tpu.sem_alloc : memref<!tpu.dma_semaphore, #tpu.memory_space<semaphore_mem>>
      %dma_start3A_65 = arith.constant 0 : i32
      %dma_start3A_66 = tpu.memref_slice %arg16[%add3A_16, %dma_start3A_65] : memref<10240x128xf32, #tpu.memory_space<vmem_shared>> -> memref<32x128xf32, #tpu.memory_space<vmem_shared>>
      %dma_start3A_67 = arith.constant 0 : i32
      %dma_start3A_68 = tpu.memref_slice %arg16[%add3A_16, %dma_start3A_67] : memref<10240x128xf32, #tpu.memory_space<vmem_shared>> -> memref<32x128xf32, #tpu.memory_space<vmem_shared>>
      tpu.enqueue_dma source(%arg15 : memref<32x128xf32, #tpu.memory_space<vmem>>) target(%dma_start3A_68 : memref<32x128xf32, #tpu.memory_space<vmem_shared>>) target_semaphore(%run_scoped3A : memref<!tpu.dma_semaphore, #tpu.memory_space<semaphore_mem>>)
      %dma_wait3A_69 = arith.constant 0 : i32
      %dma_wait3A_70 = tpu.memref_slice %arg16[%add3A_16, %dma_wait3A_69] : memref<10240x128xf32, #tpu.memory_space<vmem_shared>> -> memref<32x128xf32, #tpu.memory_space<vmem_shared>>
      %dma_wait3A_71 = arith.constant 0 : i32
      %dma_wait3A_72 = tpu.memref_slice %arg16[%add3A_16, %dma_wait3A_71] : memref<10240x128xf32, #tpu.memory_space<vmem_shared>> -> memref<32x128xf32, #tpu.memory_space<vmem_shared>>
      tpu.wait_dma2 semaphore(%run_scoped3A : memref<!tpu.dma_semaphore, #tpu.memory_space<semaphore_mem>>) src(%arg15 : memref<32x128xf32, #tpu.memory_space<vmem>>) dst(%dma_wait3A_72 : memref<32x128xf32, #tpu.memory_space<vmem_shared>>)
      tpu.yield
    }) : () -> ()
    %add3A_17 = arith.constant 128 : i32
    %add3A_18 = arith.addi %mul3A_2, %add3A_17 : i32
    "tpu.region"() ({
      %run_scoped3A = tpu.sem_alloc : memref<!tpu.dma_semaphore, #tpu.memory_space<semaphore_mem>>
      %dma_start3A_65 = arith.constant 0 : i32
      %dma_start3A_66 = tpu.memref_slice %arg16[%add3A_18, %dma_start3A_65] : memref<10240x128xf32, #tpu.memory_space<vmem_shared>> -> memref<32x128xf32, #tpu.memory_space<vmem_shared>>
      %dma_start3A_67 = arith.constant 0 : i32
      %dma_start3A_68 = tpu.memref_slice %arg16[%add3A_18, %dma_start3A_67] : memref<10240x128xf32, #tpu.memory_space<vmem_shared>> -> memref<32x128xf32, #tpu.memory_space<vmem_shared>>
      tpu.enqueue_dma source(%arg15 : memref<32x128xf32, #tpu.memory_space<vmem>>) target(%dma_start3A_68 : memref<32x128xf32, #tpu.memory_space<vmem_shared>>) target_semaphore(%run_scoped3A : memref<!tpu.dma_semaphore, #tpu.memory_space<semaphore_mem>>)
      %dma_wait3A_69 = arith.constant 0 : i32
      %dma_wait3A_70 = tpu.memref_slice %arg16[%add3A_18, %dma_wait3A_69] : memref<10240x128xf32, #tpu.memory_space<vmem_shared>> -> memref<32x128xf32, #tpu.memory_space<vmem_shared>>
      %dma_wait3A_71 = arith.constant 0 : i32
      %dma_wait3A_72 = tpu.memref_slice %arg16[%add3A_18, %dma_wait3A_71] : memref<10240x128xf32, #tpu.memory_space<vmem_shared>> -> memref<32x128xf32, #tpu.memory_space<vmem_shared>>
      tpu.wait_dma2 semaphore(%run_scoped3A : memref<!tpu.dma_semaphore, #tpu.memory_space<semaphore_mem>>) src(%arg15 : memref<32x128xf32, #tpu.memory_space<vmem>>) dst(%dma_wait3A_72 : memref<32x128xf32, #tpu.memory_space<vmem_shared>>)
      tpu.yield
    }) : () -> ()
    %add3A_19 = arith.constant 160 : i32
    %add3A_20 = arith.addi %mul3A_2, %add3A_19 : i32
    "tpu.region"() ({
      %run_scoped3A = tpu.sem_alloc : memref<!tpu.dma_semaphore, #tpu.memory_space<semaphore_mem>>
      %dma_start3A_65 = arith.constant 0 : i32
      %dma_start3A_66 = tpu.memref_slice %arg16[%add3A_20, %dma_start3A_65] : memref<10240x128xf32, #tpu.memory_space<vmem_shared>> -> memref<32x128xf32, #tpu.memory_space<vmem_shared>>
      %dma_start3A_67 = arith.constant 0 : i32
      %dma_start3A_68 = tpu.memref_slice %arg16[%add3A_20, %dma_start3A_67] : memref<10240x128xf32, #tpu.memory_space<vmem_shared>> -> memref<32x128xf32, #tpu.memory_space<vmem_shared>>
      tpu.enqueue_dma source(%arg15 : memref<32x128xf32, #tpu.memory_space<vmem>>) target(%dma_start3A_68 : memref<32x128xf32, #tpu.memory_space<vmem_shared>>) target_semaphore(%run_scoped3A : memref<!tpu.dma_semaphore, #tpu.memory_space<semaphore_mem>>)
      %dma_wait3A_69 = arith.constant 0 : i32
      %dma_wait3A_70 = tpu.memref_slice %arg16[%add3A_20, %dma_wait3A_69] : memref<10240x128xf32, #tpu.memory_space<vmem_shared>> -> memref<32x128xf32, #tpu.memory_space<vmem_shared>>
      %dma_wait3A_71 = arith.constant 0 : i32
      %dma_wait3A_72 = tpu.memref_slice %arg16[%add3A_20, %dma_wait3A_71] : memref<10240x128xf32, #tpu.memory_space<vmem_shared>> -> memref<32x128xf32, #tpu.memory_space<vmem_shared>>
      tpu.wait_dma2 semaphore(%run_scoped3A : memref<!tpu.dma_semaphore, #tpu.memory_space<semaphore_mem>>) src(%arg15 : memref<32x128xf32, #tpu.memory_space<vmem>>) dst(%dma_wait3A_72 : memref<32x128xf32, #tpu.memory_space<vmem_shared>>)
      tpu.yield
    }) : () -> ()
    %add3A_21 = arith.constant 192 : i32
    %add3A_22 = arith.addi %mul3A_2, %add3A_21 : i32
    "tpu.region"() ({
      %run_scoped3A = tpu.sem_alloc : memref<!tpu.dma_semaphore, #tpu.memory_space<semaphore_mem>>
      %dma_start3A_65 = arith.constant 0 : i32
      %dma_start3A_66 = tpu.memref_slice %arg16[%add3A_22, %dma_start3A_65] : memref<10240x128xf32, #tpu.memory_space<vmem_shared>> -> memref<32x128xf32, #tpu.memory_space<vmem_shared>>
      %dma_start3A_67 = arith.constant 0 : i32
      %dma_start3A_68 = tpu.memref_slice %arg16[%add3A_22, %dma_start3A_67] : memref<10240x128xf32, #tpu.memory_space<vmem_shared>> -> memref<32x128xf32, #tpu.memory_space<vmem_shared>>
      tpu.enqueue_dma source(%arg15 : memref<32x128xf32, #tpu.memory_space<vmem>>) target(%dma_start3A_68 : memref<32x128xf32, #tpu.memory_space<vmem_shared>>) target_semaphore(%run_scoped3A : memref<!tpu.dma_semaphore, #tpu.memory_space<semaphore_mem>>)
      %dma_wait3A_69 = arith.constant 0 : i32
      %dma_wait3A_70 = tpu.memref_slice %arg16[%add3A_22, %dma_wait3A_69] : memref<10240x128xf32, #tpu.memory_space<vmem_shared>> -> memref<32x128xf32, #tpu.memory_space<vmem_shared>>
      %dma_wait3A_71 = arith.constant 0 : i32
      %dma_wait3A_72 = tpu.memref_slice %arg16[%add3A_22, %dma_wait3A_71] : memref<10240x128xf32, #tpu.memory_space<vmem_shared>> -> memref<32x128xf32, #tpu.memory_space<vmem_shared>>
      tpu.wait_dma2 semaphore(%run_scoped3A : memref<!tpu.dma_semaphore, #tpu.memory_space<semaphore_mem>>) src(%arg15 : memref<32x128xf32, #tpu.memory_space<vmem>>) dst(%dma_wait3A_72 : memref<32x128xf32, #tpu.memory_space<vmem_shared>>)
      tpu.yield
    }) : () -> ()
    %add3A_23 = arith.constant 224 : i32
    %add3A_24 = arith.addi %mul3A_2, %add3A_23 : i32
    "tpu.region"() ({
      %run_scoped3A = tpu.sem_alloc : memref<!tpu.dma_semaphore, #tpu.memory_space<semaphore_mem>>
      %dma_start3A_65 = arith.constant 0 : i32
      %dma_start3A_66 = tpu.memref_slice %arg16[%add3A_24, %dma_start3A_65] : memref<10240x128xf32, #tpu.memory_space<vmem_shared>> -> memref<32x128xf32, #tpu.memory_space<vmem_shared>>
      %dma_start3A_67 = arith.constant 0 : i32
      %dma_start3A_68 = tpu.memref_slice %arg16[%add3A_24, %dma_start3A_67] : memref<10240x128xf32, #tpu.memory_space<vmem_shared>> -> memref<32x128xf32, #tpu.memory_space<vmem_shared>>
      tpu.enqueue_dma source(%arg15 : memref<32x128xf32, #tpu.memory_space<vmem>>) target(%dma_start3A_68 : memref<32x128xf32, #tpu.memory_space<vmem_shared>>) target_semaphore(%run_scoped3A : memref<!tpu.dma_semaphore, #tpu.memory_space<semaphore_mem>>)
      %dma_wait3A_69 = arith.constant 0 : i32
      %dma_wait3A_70 = tpu.memref_slice %arg16[%add3A_24, %dma_wait3A_69] : memref<10240x128xf32, #tpu.memory_space<vmem_shared>> -> memref<32x128xf32, #tpu.memory_space<vmem_shared>>
      %dma_wait3A_71 = arith.constant 0 : i32
      %dma_wait3A_72 = tpu.memref_slice %arg16[%add3A_24, %dma_wait3A_71] : memref<10240x128xf32, #tpu.memory_space<vmem_shared>> -> memref<32x128xf32, #tpu.memory_space<vmem_shared>>
      tpu.wait_dma2 semaphore(%run_scoped3A : memref<!tpu.dma_semaphore, #tpu.memory_space<semaphore_mem>>) src(%arg15 : memref<32x128xf32, #tpu.memory_space<vmem>>) dst(%dma_wait3A_72 : memref<32x128xf32, #tpu.memory_space<vmem_shared>>)
      tpu.yield
    }) : () -> ()
    %add3A_25 = arith.constant 256 : i32
    %add3A_26 = arith.addi %mul3A_2, %add3A_25 : i32
    "tpu.region"() ({
      %run_scoped3A = tpu.sem_alloc : memref<!tpu.dma_semaphore, #tpu.memory_space<semaphore_mem>>
      %dma_start3A_65 = arith.constant 0 : i32
      %dma_start3A_66 = tpu.memref_slice %arg16[%add3A_26, %dma_start3A_65] : memref<10240x128xf32, #tpu.memory_space<vmem_shared>> -> memref<32x128xf32, #tpu.memory_space<vmem_shared>>
      %dma_start3A_67 = arith.constant 0 : i32
      %dma_start3A_68 = tpu.memref_slice %arg16[%add3A_26, %dma_start3A_67] : memref<10240x128xf32, #tpu.memory_space<vmem_shared>> -> memref<32x128xf32, #tpu.memory_space<vmem_shared>>
      tpu.enqueue_dma source(%arg15 : memref<32x128xf32, #tpu.memory_space<vmem>>) target(%dma_start3A_68 : memref<32x128xf32, #tpu.memory_space<vmem_shared>>) target_semaphore(%run_scoped3A : memref<!tpu.dma_semaphore, #tpu.memory_space<semaphore_mem>>)
      %dma_wait3A_69 = arith.constant 0 : i32
      %dma_wait3A_70 = tpu.memref_slice %arg16[%add3A_26, %dma_wait3A_69] : memref<10240x128xf32, #tpu.memory_space<vmem_shared>> -> memref<32x128xf32, #tpu.memory_space<vmem_shared>>
      %dma_wait3A_71 = arith.constant 0 : i32
      %dma_wait3A_72 = tpu.memref_slice %arg16[%add3A_26, %dma_wait3A_71] : memref<10240x128xf32, #tpu.memory_space<vmem_shared>> -> memref<32x128xf32, #tpu.memory_space<vmem_shared>>
      tpu.wait_dma2 semaphore(%run_scoped3A : memref<!tpu.dma_semaphore, #tpu.memory_space<semaphore_mem>>) src(%arg15 : memref<32x128xf32, #tpu.memory_space<vmem>>) dst(%dma_wait3A_72 : memref<32x128xf32, #tpu.memory_space<vmem_shared>>)
      tpu.yield
    }) : () -> ()
    %add3A_27 = arith.constant 288 : i32
    %add3A_28 = arith.addi %mul3A_2, %add3A_27 : i32
    "tpu.region"() ({
      %run_scoped3A = tpu.sem_alloc : memref<!tpu.dma_semaphore, #tpu.memory_space<semaphore_mem>>
      %dma_start3A_65 = arith.constant 0 : i32
      %dma_start3A_66 = tpu.memref_slice %arg16[%add3A_28, %dma_start3A_65] : memref<10240x128xf32, #tpu.memory_space<vmem_shared>> -> memref<32x128xf32, #tpu.memory_space<vmem_shared>>
      %dma_start3A_67 = arith.constant 0 : i32
      %dma_start3A_68 = tpu.memref_slice %arg16[%add3A_28, %dma_start3A_67] : memref<10240x128xf32, #tpu.memory_space<vmem_shared>> -> memref<32x128xf32, #tpu.memory_space<vmem_shared>>
      tpu.enqueue_dma source(%arg15 : memref<32x128xf32, #tpu.memory_space<vmem>>) target(%dma_start3A_68 : memref<32x128xf32, #tpu.memory_space<vmem_shared>>) target_semaphore(%run_scoped3A : memref<!tpu.dma_semaphore, #tpu.memory_space<semaphore_mem>>)
      %dma_wait3A_69 = arith.constant 0 : i32
      %dma_wait3A_70 = tpu.memref_slice %arg16[%add3A_28, %dma_wait3A_69] : memref<10240x128xf32, #tpu.memory_space<vmem_shared>> -> memref<32x128xf32, #tpu.memory_space<vmem_shared>>
      %dma_wait3A_71 = arith.constant 0 : i32
      %dma_wait3A_72 = tpu.memref_slice %arg16[%add3A_28, %dma_wait3A_71] : memref<10240x128xf32, #tpu.memory_space<vmem_shared>> -> memref<32x128xf32, #tpu.memory_space<vmem_shared>>
      tpu.wait_dma2 semaphore(%run_scoped3A : memref<!tpu.dma_semaphore, #tpu.memory_space<semaphore_mem>>) src(%arg15 : memref<32x128xf32, #tpu.memory_space<vmem>>) dst(%dma_wait3A_72 : memref<32x128xf32, #tpu.memory_space<vmem_shared>>)
      tpu.yield
    }) : () -> ()
    %add3A_29 = arith.constant 320 : i32
    %add3A_30 = arith.addi %mul3A_2, %add3A_29 : i32
    "tpu.region"() ({
      %run_scoped3A = tpu.sem_alloc : memref<!tpu.dma_semaphore, #tpu.memory_space<semaphore_mem>>
      %dma_start3A_65 = arith.constant 0 : i32
      %dma_start3A_66 = tpu.memref_slice %arg16[%add3A_30, %dma_start3A_65] : memref<10240x128xf32, #tpu.memory_space<vmem_shared>> -> memref<32x128xf32, #tpu.memory_space<vmem_shared>>
      %dma_start3A_67 = arith.constant 0 : i32
      %dma_start3A_68 = tpu.memref_slice %arg16[%add3A_30, %dma_start3A_67] : memref<10240x128xf32, #tpu.memory_space<vmem_shared>> -> memref<32x128xf32, #tpu.memory_space<vmem_shared>>
      tpu.enqueue_dma source(%arg15 : memref<32x128xf32, #tpu.memory_space<vmem>>) target(%dma_start3A_68 : memref<32x128xf32, #tpu.memory_space<vmem_shared>>) target_semaphore(%run_scoped3A : memref<!tpu.dma_semaphore, #tpu.memory_space<semaphore_mem>>)
      %dma_wait3A_69 = arith.constant 0 : i32
      %dma_wait3A_70 = tpu.memref_slice %arg16[%add3A_30, %dma_wait3A_69] : memref<10240x128xf32, #tpu.memory_space<vmem_shared>> -> memref<32x128xf32, #tpu.memory_space<vmem_shared>>
      %dma_wait3A_71 = arith.constant 0 : i32
      %dma_wait3A_72 = tpu.memref_slice %arg16[%add3A_30, %dma_wait3A_71] : memref<10240x128xf32, #tpu.memory_space<vmem_shared>> -> memref<32x128xf32, #tpu.memory_space<vmem_shared>>
      tpu.wait_dma2 semaphore(%run_scoped3A : memref<!tpu.dma_semaphore, #tpu.memory_space<semaphore_mem>>) src(%arg15 : memref<32x128xf32, #tpu.memory_space<vmem>>) dst(%dma_wait3A_72 : memref<32x128xf32, #tpu.memory_space<vmem_shared>>)
      tpu.yield
    }) : () -> ()
    %add3A_31 = arith.constant 352 : i32
    %add3A_32 = arith.addi %mul3A_2, %add3A_31 : i32
    "tpu.region"() ({
      %run_scoped3A = tpu.sem_alloc : memref<!tpu.dma_semaphore, #tpu.memory_space<semaphore_mem>>
      %dma_start3A_65 = arith.constant 0 : i32
      %dma_start3A_66 = tpu.memref_slice %arg16[%add3A_32, %dma_start3A_65] : memref<10240x128xf32, #tpu.memory_space<vmem_shared>> -> memref<32x128xf32, #tpu.memory_space<vmem_shared>>
      %dma_start3A_67 = arith.constant 0 : i32
      %dma_start3A_68 = tpu.memref_slice %arg16[%add3A_32, %dma_start3A_67] : memref<10240x128xf32, #tpu.memory_space<vmem_shared>> -> memref<32x128xf32, #tpu.memory_space<vmem_shared>>
      tpu.enqueue_dma source(%arg15 : memref<32x128xf32, #tpu.memory_space<vmem>>) target(%dma_start3A_68 : memref<32x128xf32, #tpu.memory_space<vmem_shared>>) target_semaphore(%run_scoped3A : memref<!tpu.dma_semaphore, #tpu.memory_space<semaphore_mem>>)
      %dma_wait3A_69 = arith.constant 0 : i32
      %dma_wait3A_70 = tpu.memref_slice %arg16[%add3A_32, %dma_wait3A_69] : memref<10240x128xf32, #tpu.memory_space<vmem_shared>> -> memref<32x128xf32, #tpu.memory_space<vmem_shared>>
      %dma_wait3A_71 = arith.constant 0 : i32
      %dma_wait3A_72 = tpu.memref_slice %arg16[%add3A_32, %dma_wait3A_71] : memref<10240x128xf32, #tpu.memory_space<vmem_shared>> -> memref<32x128xf32, #tpu.memory_space<vmem_shared>>
      tpu.wait_dma2 semaphore(%run_scoped3A : memref<!tpu.dma_semaphore, #tpu.memory_space<semaphore_mem>>) src(%arg15 : memref<32x128xf32, #tpu.memory_space<vmem>>) dst(%dma_wait3A_72 : memref<32x128xf32, #tpu.memory_space<vmem_shared>>)
      tpu.yield
    }) : () -> ()
    %add3A_33 = arith.constant 384 : i32
    %add3A_34 = arith.addi %mul3A_2, %add3A_33 : i32
    "tpu.region"() ({
      %run_scoped3A = tpu.sem_alloc : memref<!tpu.dma_semaphore, #tpu.memory_space<semaphore_mem>>
      %dma_start3A_65 = arith.constant 0 : i32
      %dma_start3A_66 = tpu.memref_slice %arg16[%add3A_34, %dma_start3A_65] : memref<10240x128xf32, #tpu.memory_space<vmem_shared>> -> memref<32x128xf32, #tpu.memory_space<vmem_shared>>
      %dma_start3A_67 = arith.constant 0 : i32
      %dma_start3A_68 = tpu.memref_slice %arg16[%add3A_34, %dma_start3A_67] : memref<10240x128xf32, #tpu.memory_space<vmem_shared>> -> memref<32x128xf32, #tpu.memory_space<vmem_shared>>
      tpu.enqueue_dma source(%arg15 : memref<32x128xf32, #tpu.memory_space<vmem>>) target(%dma_start3A_68 : memref<32x128xf32, #tpu.memory_space<vmem_shared>>) target_semaphore(%run_scoped3A : memref<!tpu.dma_semaphore, #tpu.memory_space<semaphore_mem>>)
      %dma_wait3A_69 = arith.constant 0 : i32
      %dma_wait3A_70 = tpu.memref_slice %arg16[%add3A_34, %dma_wait3A_69] : memref<10240x128xf32, #tpu.memory_space<vmem_shared>> -> memref<32x128xf32, #tpu.memory_space<vmem_shared>>
      %dma_wait3A_71 = arith.constant 0 : i32
      %dma_wait3A_72 = tpu.memref_slice %arg16[%add3A_34, %dma_wait3A_71] : memref<10240x128xf32, #tpu.memory_space<vmem_shared>> -> memref<32x128xf32, #tpu.memory_space<vmem_shared>>
      tpu.wait_dma2 semaphore(%run_scoped3A : memref<!tpu.dma_semaphore, #tpu.memory_space<semaphore_mem>>) src(%arg15 : memref<32x128xf32, #tpu.memory_space<vmem>>) dst(%dma_wait3A_72 : memref<32x128xf32, #tpu.memory_space<vmem_shared>>)
      tpu.yield
    }) : () -> ()
    %add3A_35 = arith.constant 416 : i32
    %add3A_36 = arith.addi %mul3A_2, %add3A_35 : i32
    "tpu.region"() ({
      %run_scoped3A = tpu.sem_alloc : memref<!tpu.dma_semaphore, #tpu.memory_space<semaphore_mem>>
      %dma_start3A_65 = arith.constant 0 : i32
      %dma_start3A_66 = tpu.memref_slice %arg16[%add3A_36, %dma_start3A_65] : memref<10240x128xf32, #tpu.memory_space<vmem_shared>> -> memref<32x128xf32, #tpu.memory_space<vmem_shared>>
      %dma_start3A_67 = arith.constant 0 : i32
      %dma_start3A_68 = tpu.memref_slice %arg16[%add3A_36, %dma_start3A_67] : memref<10240x128xf32, #tpu.memory_space<vmem_shared>> -> memref<32x128xf32, #tpu.memory_space<vmem_shared>>
      tpu.enqueue_dma source(%arg15 : memref<32x128xf32, #tpu.memory_space<vmem>>) target(%dma_start3A_68 : memref<32x128xf32, #tpu.memory_space<vmem_shared>>) target_semaphore(%run_scoped3A : memref<!tpu.dma_semaphore, #tpu.memory_space<semaphore_mem>>)
      %dma_wait3A_69 = arith.constant 0 : i32
      %dma_wait3A_70 = tpu.memref_slice %arg16[%add3A_36, %dma_wait3A_69] : memref<10240x128xf32, #tpu.memory_space<vmem_shared>> -> memref<32x128xf32, #tpu.memory_space<vmem_shared>>
      %dma_wait3A_71 = arith.constant 0 : i32
      %dma_wait3A_72 = tpu.memref_slice %arg16[%add3A_36, %dma_wait3A_71] : memref<10240x128xf32, #tpu.memory_space<vmem_shared>> -> memref<32x128xf32, #tpu.memory_space<vmem_shared>>
      tpu.wait_dma2 semaphore(%run_scoped3A : memref<!tpu.dma_semaphore, #tpu.memory_space<semaphore_mem>>) src(%arg15 : memref<32x128xf32, #tpu.memory_space<vmem>>) dst(%dma_wait3A_72 : memref<32x128xf32, #tpu.memory_space<vmem_shared>>)
      tpu.yield
    }) : () -> ()
    %add3A_37 = arith.constant 448 : i32
    %add3A_38 = arith.addi %mul3A_2, %add3A_37 : i32
    "tpu.region"() ({
      %run_scoped3A = tpu.sem_alloc : memref<!tpu.dma_semaphore, #tpu.memory_space<semaphore_mem>>
      %dma_start3A_65 = arith.constant 0 : i32
      %dma_start3A_66 = tpu.memref_slice %arg16[%add3A_38, %dma_start3A_65] : memref<10240x128xf32, #tpu.memory_space<vmem_shared>> -> memref<32x128xf32, #tpu.memory_space<vmem_shared>>
      %dma_start3A_67 = arith.constant 0 : i32
      %dma_start3A_68 = tpu.memref_slice %arg16[%add3A_38, %dma_start3A_67] : memref<10240x128xf32, #tpu.memory_space<vmem_shared>> -> memref<32x128xf32, #tpu.memory_space<vmem_shared>>
      tpu.enqueue_dma source(%arg15 : memref<32x128xf32, #tpu.memory_space<vmem>>) target(%dma_start3A_68 : memref<32x128xf32, #tpu.memory_space<vmem_shared>>) target_semaphore(%run_scoped3A : memref<!tpu.dma_semaphore, #tpu.memory_space<semaphore_mem>>)
      %dma_wait3A_69 = arith.constant 0 : i32
      %dma_wait3A_70 = tpu.memref_slice %arg16[%add3A_38, %dma_wait3A_69] : memref<10240x128xf32, #tpu.memory_space<vmem_shared>> -> memref<32x128xf32, #tpu.memory_space<vmem_shared>>
      %dma_wait3A_71 = arith.constant 0 : i32
      %dma_wait3A_72 = tpu.memref_slice %arg16[%add3A_38, %dma_wait3A_71] : memref<10240x128xf32, #tpu.memory_space<vmem_shared>> -> memref<32x128xf32, #tpu.memory_space<vmem_shared>>
      tpu.wait_dma2 semaphore(%run_scoped3A : memref<!tpu.dma_semaphore, #tpu.memory_space<semaphore_mem>>) src(%arg15 : memref<32x128xf32, #tpu.memory_space<vmem>>) dst(%dma_wait3A_72 : memref<32x128xf32, #tpu.memory_space<vmem_shared>>)
      tpu.yield
    }) : () -> ()
    %add3A_39 = arith.constant 480 : i32
    %add3A_40 = arith.addi %mul3A_2, %add3A_39 : i32
    "tpu.region"() ({
      %run_scoped3A = tpu.sem_alloc : memref<!tpu.dma_semaphore, #tpu.memory_space<semaphore_mem>>
      %dma_start3A_65 = arith.constant 0 : i32
      %dma_start3A_66 = tpu.memref_slice %arg16[%add3A_40, %dma_start3A_65] : memref<10240x128xf32, #tpu.memory_space<vmem_shared>> -> memref<32x128xf32, #tpu.memory_space<vmem_shared>>
      %dma_start3A_67 = arith.constant 0 : i32
      %dma_start3A_68 = tpu.memref_slice %arg16[%add3A_40, %dma_start3A_67] : memref<10240x128xf32, #tpu.memory_space<vmem_shared>> -> memref<32x128xf32, #tpu.memory_space<vmem_shared>>
      tpu.enqueue_dma source(%arg15 : memref<32x128xf32, #tpu.memory_space<vmem>>) target(%dma_start3A_68 : memref<32x128xf32, #tpu.memory_space<vmem_shared>>) target_semaphore(%run_scoped3A : memref<!tpu.dma_semaphore, #tpu.memory_space<semaphore_mem>>)
      %dma_wait3A_69 = arith.constant 0 : i32
      %dma_wait3A_70 = tpu.memref_slice %arg16[%add3A_40, %dma_wait3A_69] : memref<10240x128xf32, #tpu.memory_space<vmem_shared>> -> memref<32x128xf32, #tpu.memory_space<vmem_shared>>
      %dma_wait3A_71 = arith.constant 0 : i32
      %dma_wait3A_72 = tpu.memref_slice %arg16[%add3A_40, %dma_wait3A_71] : memref<10240x128xf32, #tpu.memory_space<vmem_shared>> -> memref<32x128xf32, #tpu.memory_space<vmem_shared>>
      tpu.wait_dma2 semaphore(%run_scoped3A : memref<!tpu.dma_semaphore, #tpu.memory_space<semaphore_mem>>) src(%arg15 : memref<32x128xf32, #tpu.memory_space<vmem>>) dst(%dma_wait3A_72 : memref<32x128xf32, #tpu.memory_space<vmem_shared>>)
      tpu.yield
    }) : () -> ()
    %add3A_41 = arith.constant 512 : i32
    %add3A_42 = arith.addi %mul3A_2, %add3A_41 : i32
    "tpu.region"() ({
      %run_scoped3A = tpu.sem_alloc : memref<!tpu.dma_semaphore, #tpu.memory_space<semaphore_mem>>
      %dma_start3A_65 = arith.constant 0 : i32
      %dma_start3A_66 = tpu.memref_slice %arg16[%add3A_42, %dma_start3A_65] : memref<10240x128xf32, #tpu.memory_space<vmem_shared>> -> memref<32x128xf32, #tpu.memory_space<vmem_shared>>
      %dma_start3A_67 = arith.constant 0 : i32
      %dma_start3A_68 = tpu.memref_slice %arg16[%add3A_42, %dma_start3A_67] : memref<10240x128xf32, #tpu.memory_space<vmem_shared>> -> memref<32x128xf32, #tpu.memory_space<vmem_shared>>
      tpu.enqueue_dma source(%arg15 : memref<32x128xf32, #tpu.memory_space<vmem>>) target(%dma_start3A_68 : memref<32x128xf32, #tpu.memory_space<vmem_shared>>) target_semaphore(%run_scoped3A : memref<!tpu.dma_semaphore, #tpu.memory_space<semaphore_mem>>)
      %dma_wait3A_69 = arith.constant 0 : i32
      %dma_wait3A_70 = tpu.memref_slice %arg16[%add3A_42, %dma_wait3A_69] : memref<10240x128xf32, #tpu.memory_space<vmem_shared>> -> memref<32x128xf32, #tpu.memory_space<vmem_shared>>
      %dma_wait3A_71 = arith.constant 0 : i32
      %dma_wait3A_72 = tpu.memref_slice %arg16[%add3A_42, %dma_wait3A_71] : memref<10240x128xf32, #tpu.memory_space<vmem_shared>> -> memref<32x128xf32, #tpu.memory_space<vmem_shared>>
      tpu.wait_dma2 semaphore(%run_scoped3A : memref<!tpu.dma_semaphore, #tpu.memory_space<semaphore_mem>>) src(%arg15 : memref<32x128xf32, #tpu.memory_space<vmem>>) dst(%dma_wait3A_72 : memref<32x128xf32, #tpu.memory_space<vmem_shared>>)
      tpu.yield
    }) : () -> ()
    %add3A_43 = arith.constant 544 : i32
    %add3A_44 = arith.addi %mul3A_2, %add3A_43 : i32
    "tpu.region"() ({
      %run_scoped3A = tpu.sem_alloc : memref<!tpu.dma_semaphore, #tpu.memory_space<semaphore_mem>>
      %dma_start3A_65 = arith.constant 0 : i32
      %dma_start3A_66 = tpu.memref_slice %arg16[%add3A_44, %dma_start3A_65] : memref<10240x128xf32, #tpu.memory_space<vmem_shared>> -> memref<32x128xf32, #tpu.memory_space<vmem_shared>>
      %dma_start3A_67 = arith.constant 0 : i32
      %dma_start3A_68 = tpu.memref_slice %arg16[%add3A_44, %dma_start3A_67] : memref<10240x128xf32, #tpu.memory_space<vmem_shared>> -> memref<32x128xf32, #tpu.memory_space<vmem_shared>>
      tpu.enqueue_dma source(%arg15 : memref<32x128xf32, #tpu.memory_space<vmem>>) target(%dma_start3A_68 : memref<32x128xf32, #tpu.memory_space<vmem_shared>>) target_semaphore(%run_scoped3A : memref<!tpu.dma_semaphore, #tpu.memory_space<semaphore_mem>>)
      %dma_wait3A_69 = arith.constant 0 : i32
      %dma_wait3A_70 = tpu.memref_slice %arg16[%add3A_44, %dma_wait3A_69] : memref<10240x128xf32, #tpu.memory_space<vmem_shared>> -> memref<32x128xf32, #tpu.memory_space<vmem_shared>>
      %dma_wait3A_71 = arith.constant 0 : i32
      %dma_wait3A_72 = tpu.memref_slice %arg16[%add3A_44, %dma_wait3A_71] : memref<10240x128xf32, #tpu.memory_space<vmem_shared>> -> memref<32x128xf32, #tpu.memory_space<vmem_shared>>
      tpu.wait_dma2 semaphore(%run_scoped3A : memref<!tpu.dma_semaphore, #tpu.memory_space<semaphore_mem>>) src(%arg15 : memref<32x128xf32, #tpu.memory_space<vmem>>) dst(%dma_wait3A_72 : memref<32x128xf32, #tpu.memory_space<vmem_shared>>)
      tpu.yield
    }) : () -> ()
    %add3A_45 = arith.constant 576 : i32
    %add3A_46 = arith.addi %mul3A_2, %add3A_45 : i32
    "tpu.region"() ({
      %run_scoped3A = tpu.sem_alloc : memref<!tpu.dma_semaphore, #tpu.memory_space<semaphore_mem>>
      %dma_start3A_65 = arith.constant 0 : i32
      %dma_start3A_66 = tpu.memref_slice %arg16[%add3A_46, %dma_start3A_65] : memref<10240x128xf32, #tpu.memory_space<vmem_shared>> -> memref<32x128xf32, #tpu.memory_space<vmem_shared>>
      %dma_start3A_67 = arith.constant 0 : i32
      %dma_start3A_68 = tpu.memref_slice %arg16[%add3A_46, %dma_start3A_67] : memref<10240x128xf32, #tpu.memory_space<vmem_shared>> -> memref<32x128xf32, #tpu.memory_space<vmem_shared>>
      tpu.enqueue_dma source(%arg15 : memref<32x128xf32, #tpu.memory_space<vmem>>) target(%dma_start3A_68 : memref<32x128xf32, #tpu.memory_space<vmem_shared>>) target_semaphore(%run_scoped3A : memref<!tpu.dma_semaphore, #tpu.memory_space<semaphore_mem>>)
      %dma_wait3A_69 = arith.constant 0 : i32
      %dma_wait3A_70 = tpu.memref_slice %arg16[%add3A_46, %dma_wait3A_69] : memref<10240x128xf32, #tpu.memory_space<vmem_shared>> -> memref<32x128xf32, #tpu.memory_space<vmem_shared>>
      %dma_wait3A_71 = arith.constant 0 : i32
      %dma_wait3A_72 = tpu.memref_slice %arg16[%add3A_46, %dma_wait3A_71] : memref<10240x128xf32, #tpu.memory_space<vmem_shared>> -> memref<32x128xf32, #tpu.memory_space<vmem_shared>>
      tpu.wait_dma2 semaphore(%run_scoped3A : memref<!tpu.dma_semaphore, #tpu.memory_space<semaphore_mem>>) src(%arg15 : memref<32x128xf32, #tpu.memory_space<vmem>>) dst(%dma_wait3A_72 : memref<32x128xf32, #tpu.memory_space<vmem_shared>>)
      tpu.yield
    }) : () -> ()
    %add3A_47 = arith.constant 608 : i32
    %add3A_48 = arith.addi %mul3A_2, %add3A_47 : i32
    "tpu.region"() ({
      %run_scoped3A = tpu.sem_alloc : memref<!tpu.dma_semaphore, #tpu.memory_space<semaphore_mem>>
      %dma_start3A_65 = arith.constant 0 : i32
      %dma_start3A_66 = tpu.memref_slice %arg16[%add3A_48, %dma_start3A_65] : memref<10240x128xf32, #tpu.memory_space<vmem_shared>> -> memref<32x128xf32, #tpu.memory_space<vmem_shared>>
      %dma_start3A_67 = arith.constant 0 : i32
      %dma_start3A_68 = tpu.memref_slice %arg16[%add3A_48, %dma_start3A_67] : memref<10240x128xf32, #tpu.memory_space<vmem_shared>> -> memref<32x128xf32, #tpu.memory_space<vmem_shared>>
      tpu.enqueue_dma source(%arg15 : memref<32x128xf32, #tpu.memory_space<vmem>>) target(%dma_start3A_68 : memref<32x128xf32, #tpu.memory_space<vmem_shared>>) target_semaphore(%run_scoped3A : memref<!tpu.dma_semaphore, #tpu.memory_space<semaphore_mem>>)
      %dma_wait3A_69 = arith.constant 0 : i32
      %dma_wait3A_70 = tpu.memref_slice %arg16[%add3A_48, %dma_wait3A_69] : memref<10240x128xf32, #tpu.memory_space<vmem_shared>> -> memref<32x128xf32, #tpu.memory_space<vmem_shared>>
      %dma_wait3A_71 = arith.constant 0 : i32
      %dma_wait3A_72 = tpu.memref_slice %arg16[%add3A_48, %dma_wait3A_71] : memref<10240x128xf32, #tpu.memory_space<vmem_shared>> -> memref<32x128xf32, #tpu.memory_space<vmem_shared>>
      tpu.wait_dma2 semaphore(%run_scoped3A : memref<!tpu.dma_semaphore, #tpu.memory_space<semaphore_mem>>) src(%arg15 : memref<32x128xf32, #tpu.memory_space<vmem>>) dst(%dma_wait3A_72 : memref<32x128xf32, #tpu.memory_space<vmem_shared>>)
      tpu.yield
    }) : () -> ()
    %barrier3A = arith.constant 0 : index
    tpu.barrier barrier_id(%barrier3A)
    %mul3A_49 = arith.constant 10000 : i32
    %mul3A_50 = arith.muli %add3A, %mul3A_49 : i32
    %scan3A_51 = arith.constant 0 : i32
    %scan3A_52 = arith.constant 0 : i32
    %scan3A_53 = arith.constant 39 : i32
    %scan3A_54 = arith.addi %scan3A_52, %scan3A_53 : i32
    %scan3A_55 = arith.constant 1 : i32
    %scan3A_56 = scf.for %scan3A_65 = %scan3A_52 to %scan3A_54 step %scan3A_55 iter_args(%scan3A_66 = %scan3A_51) -> (i32)  : i32 {
      %mul3A_67 = arith.constant 2 : i32
      %mul3A_68 = arith.muli %mul3A_67, %scan3A_65 : i32
      %mul3A_69 = arith.constant 128 : i32
      %mul3A_70 = arith.muli %mul3A_68, %mul3A_69 : i32
      %add3A_71 = arith.addi %mul3A_50, %mul3A_70 : i32
      %add3A_72 = arith.constant 128 : i32
      %add3A_73 = arith.addi %add3A_71, %add3A_72 : i32
      "tpu.region"() ({
        %run_scoped3A = tpu.sem_alloc : memref<!tpu.dma_semaphore, #tpu.memory_space<semaphore_mem>>
        %dma_start3A_87 = tpu.memref_slice %arg3[%add3A_71] : memref<320000xi32, #tpu.memory_space<hbm>> -> memref<128xi32, #tpu.memory_space<hbm>>
        %dma_start3A_88 = tpu.memref_slice %arg3[%add3A_71] : memref<320000xi32, #tpu.memory_space<hbm>> -> memref<128xi32, #tpu.memory_space<hbm>>
        tpu.enqueue_dma source(%dma_start3A_88 : memref<128xi32, #tpu.memory_space<hbm>>) target(%arg6 : memref<128xi32, #tpu.memory_space<vmem>>) target_semaphore(%run_scoped3A : memref<!tpu.dma_semaphore, #tpu.memory_space<semaphore_mem>>)
        %dma_wait3A_89 = tpu.memref_slice %arg3[%add3A_71] : memref<320000xi32, #tpu.memory_space<hbm>> -> memref<128xi32, #tpu.memory_space<hbm>>
        %dma_wait3A_90 = tpu.memref_slice %arg3[%add3A_71] : memref<320000xi32, #tpu.memory_space<hbm>> -> memref<128xi32, #tpu.memory_space<hbm>>
        tpu.wait_dma2 semaphore(%run_scoped3A : memref<!tpu.dma_semaphore, #tpu.memory_space<semaphore_mem>>) src(%dma_wait3A_90 : memref<128xi32, #tpu.memory_space<hbm>>) dst(%arg6 : memref<128xi32, #tpu.memory_space<vmem>>)
        tpu.yield
      }) : () -> ()
      %dma_start3A_74 = arith.constant 0 : i32
      %dma_start3A_75 = arith.constant 0 : i32
      %dma_start3A_76 = tpu.memref_slice %arg2[%dma_start3A_74, %dma_start3A_75] : memref<10000x128xf32, #tpu.memory_space<hbm>> -> memref<10000x128xf32, #tpu.memory_space<hbm>>
      tpu.enqueue_indirect_dma source(%dma_start3A_76 : memref<10000x128xf32, #tpu.memory_space<hbm>>) target(%arg8 : memref<128x128xf32, #tpu.memory_space<vmem>>) offsets(%arg6 : memref<128xi32, #tpu.memory_space<vmem>>) semaphore(%arg17 : memref<!tpu.dma_semaphore, #tpu.memory_space<semaphore_mem>>)
      "tpu.region"() ({
        %run_scoped3A = tpu.sem_alloc : memref<!tpu.dma_semaphore, #tpu.memory_space<semaphore_mem>>
        %dma_start3A_87 = tpu.memref_slice %arg4[%add3A_71] : memref<320000xi32, #tpu.memory_space<hbm>> -> memref<128xi32, #tpu.memory_space<hbm>>
        %dma_start3A_88 = tpu.memref_slice %arg4[%add3A_71] : memref<320000xi32, #tpu.memory_space<hbm>> -> memref<128xi32, #tpu.memory_space<hbm>>
        tpu.enqueue_dma source(%dma_start3A_88 : memref<128xi32, #tpu.memory_space<hbm>>) target(%arg7 : memref<128xi32, #tpu.memory_space<vmem>>) target_semaphore(%run_scoped3A : memref<!tpu.dma_semaphore, #tpu.memory_space<semaphore_mem>>)
        %dma_wait3A_89 = tpu.memref_slice %arg4[%add3A_71] : memref<320000xi32, #tpu.memory_space<hbm>> -> memref<128xi32, #tpu.memory_space<hbm>>
        %dma_wait3A_90 = tpu.memref_slice %arg4[%add3A_71] : memref<320000xi32, #tpu.memory_space<hbm>> -> memref<128xi32, #tpu.memory_space<hbm>>
        tpu.wait_dma2 semaphore(%run_scoped3A : memref<!tpu.dma_semaphore, #tpu.memory_space<semaphore_mem>>) src(%dma_wait3A_90 : memref<128xi32, #tpu.memory_space<hbm>>) dst(%arg7 : memref<128xi32, #tpu.memory_space<vmem>>)
        tpu.yield
      }) : () -> ()
      "tpu.region"() ({
        %run_scoped3A = tpu.sem_alloc : memref<!tpu.dma_semaphore, #tpu.memory_space<semaphore_mem>>
        %dma_start3A_87 = tpu.memref_slice %arg3[%add3A_73] : memref<320000xi32, #tpu.memory_space<hbm>> -> memref<128xi32, #tpu.memory_space<hbm>>
        %dma_start3A_88 = tpu.memref_slice %arg3[%add3A_73] : memref<320000xi32, #tpu.memory_space<hbm>> -> memref<128xi32, #tpu.memory_space<hbm>>
        tpu.enqueue_dma source(%dma_start3A_88 : memref<128xi32, #tpu.memory_space<hbm>>) target(%arg9 : memref<128xi32, #tpu.memory_space<vmem>>) target_semaphore(%run_scoped3A : memref<!tpu.dma_semaphore, #tpu.memory_space<semaphore_mem>>)
        %dma_wait3A_89 = tpu.memref_slice %arg3[%add3A_73] : memref<320000xi32, #tpu.memory_space<hbm>> -> memref<128xi32, #tpu.memory_space<hbm>>
        %dma_wait3A_90 = tpu.memref_slice %arg3[%add3A_73] : memref<320000xi32, #tpu.memory_space<hbm>> -> memref<128xi32, #tpu.memory_space<hbm>>
        tpu.wait_dma2 semaphore(%run_scoped3A : memref<!tpu.dma_semaphore, #tpu.memory_space<semaphore_mem>>) src(%dma_wait3A_90 : memref<128xi32, #tpu.memory_space<hbm>>) dst(%arg9 : memref<128xi32, #tpu.memory_space<vmem>>)
        tpu.yield
      }) : () -> ()
      %dma_start3A_77 = arith.constant 0 : i32
      %dma_start3A_78 = arith.constant 0 : i32
      %dma_start3A_79 = tpu.memref_slice %arg2[%dma_start3A_77, %dma_start3A_78] : memref<10000x128xf32, #tpu.memory_space<hbm>> -> memref<10000x128xf32, #tpu.memory_space<hbm>>
      tpu.enqueue_indirect_dma source(%dma_start3A_79 : memref<10000x128xf32, #tpu.memory_space<hbm>>) target(%arg11 : memref<128x128xf32, #tpu.memory_space<vmem>>) offsets(%arg9 : memref<128xi32, #tpu.memory_space<vmem>>) semaphore(%arg18 : memref<!tpu.dma_semaphore, #tpu.memory_space<semaphore_mem>>)
      "tpu.region"() ({
        %run_scoped3A = tpu.sem_alloc : memref<!tpu.dma_semaphore, #tpu.memory_space<semaphore_mem>>
        %dma_start3A_87 = tpu.memref_slice %arg4[%add3A_73] : memref<320000xi32, #tpu.memory_space<hbm>> -> memref<128xi32, #tpu.memory_space<hbm>>
        %dma_start3A_88 = tpu.memref_slice %arg4[%add3A_73] : memref<320000xi32, #tpu.memory_space<hbm>> -> memref<128xi32, #tpu.memory_space<hbm>>
        tpu.enqueue_dma source(%dma_start3A_88 : memref<128xi32, #tpu.memory_space<hbm>>) target(%arg10 : memref<128xi32, #tpu.memory_space<vmem>>) target_semaphore(%run_scoped3A : memref<!tpu.dma_semaphore, #tpu.memory_space<semaphore_mem>>)
        %dma_wait3A_89 = tpu.memref_slice %arg4[%add3A_73] : memref<320000xi32, #tpu.memory_space<hbm>> -> memref<128xi32, #tpu.memory_space<hbm>>
        %dma_wait3A_90 = tpu.memref_slice %arg4[%add3A_73] : memref<320000xi32, #tpu.memory_space<hbm>> -> memref<128xi32, #tpu.memory_space<hbm>>
        tpu.wait_dma2 semaphore(%run_scoped3A : memref<!tpu.dma_semaphore, #tpu.memory_space<semaphore_mem>>) src(%dma_wait3A_90 : memref<128xi32, #tpu.memory_space<hbm>>) dst(%arg10 : memref<128xi32, #tpu.memory_space<vmem>>)
        tpu.yield
      }) : () -> ()
      %dma_wait3A_80 = arith.constant 0 : i32
      %dma_wait3A_81 = arith.constant 0 : i32
      %dma_wait3A_82 = tpu.memref_slice %arg2[%dma_wait3A_80, %dma_wait3A_81] : memref<10000x128xf32, #tpu.memory_space<hbm>> -> memref<10000x128xf32, #tpu.memory_space<hbm>>
      tpu.wait_indirect_dma semaphore(%arg17 : memref<!tpu.dma_semaphore, #tpu.memory_space<semaphore_mem>>) src(%dma_wait3A_82 : memref<10000x128xf32, #tpu.memory_space<hbm>>) dst(%arg8 : memref<128x128xf32, #tpu.memory_space<vmem>>)
      "tpu.region"() ({
        %run_scoped3A = tpu.sem_alloc : memref<!tpu.dma_semaphore, #tpu.memory_space<semaphore_mem>>
        %dma_start3A_87 = arith.constant 0 : i32
        %dma_start3A_88 = arith.constant 0 : i32
        %dma_start3A_89 = tpu.memref_slice %arg16[%dma_start3A_87, %dma_start3A_88] : memref<10240x128xf32, #tpu.memory_space<vmem_shared>> -> memref<10240x128xf32, #tpu.memory_space<vmem_shared>>
        tpu.enqueue_indirect_dma source(%arg8 : memref<128x128xf32, #tpu.memory_space<vmem>>) target(%dma_start3A_89 : memref<10240x128xf32, #tpu.memory_space<vmem_shared>>) offsets(%arg7 : memref<128xi32, #tpu.memory_space<vmem>>) semaphore(%run_scoped3A : memref<!tpu.dma_semaphore, #tpu.memory_space<semaphore_mem>>) {add = true}
        %dma_wait3A_90 = arith.constant 0 : i32
        %dma_wait3A_91 = arith.constant 0 : i32
        %dma_wait3A_92 = tpu.memref_slice %arg16[%dma_wait3A_90, %dma_wait3A_91] : memref<10240x128xf32, #tpu.memory_space<vmem_shared>> -> memref<10240x128xf32, #tpu.memory_space<vmem_shared>>
        tpu.wait_indirect_dma semaphore(%run_scoped3A : memref<!tpu.dma_semaphore, #tpu.memory_space<semaphore_mem>>) src(%arg8 : memref<128x128xf32, #tpu.memory_space<vmem>>) dst(%dma_wait3A_92 : memref<10240x128xf32, #tpu.memory_space<vmem_shared>>)
        tpu.yield
      }) : () -> ()
      %dma_wait3A_83 = arith.constant 0 : i32
      %dma_wait3A_84 = arith.constant 0 : i32
      %dma_wait3A_85 = tpu.memref_slice %arg2[%dma_wait3A_83, %dma_wait3A_84] : memref<10000x128xf32, #tpu.memory_space<hbm>> -> memref<10000x128xf32, #tpu.memory_space<hbm>>
      tpu.wait_indirect_dma semaphore(%arg18 : memref<!tpu.dma_semaphore, #tpu.memory_space<semaphore_mem>>) src(%dma_wait3A_85 : memref<10000x128xf32, #tpu.memory_space<hbm>>) dst(%arg11 : memref<128x128xf32, #tpu.memory_space<vmem>>)
      "tpu.region"() ({
        %run_scoped3A = tpu.sem_alloc : memref<!tpu.dma_semaphore, #tpu.memory_space<semaphore_mem>>
        %dma_start3A_87 = arith.constant 0 : i32
        %dma_start3A_88 = arith.constant 0 : i32
        %dma_start3A_89 = tpu.memref_slice %arg16[%dma_start3A_87, %dma_start3A_88] : memref<10240x128xf32, #tpu.memory_space<vmem_shared>> -> memref<10240x128xf32, #tpu.memory_space<vmem_shared>>
        tpu.enqueue_indirect_dma source(%arg11 : memref<128x128xf32, #tpu.memory_space<vmem>>) target(%dma_start3A_89 : memref<10240x128xf32, #tpu.memory_space<vmem_shared>>) offsets(%arg10 : memref<128xi32, #tpu.memory_space<vmem>>) semaphore(%run_scoped3A : memref<!tpu.dma_semaphore, #tpu.memory_space<semaphore_mem>>) {add = true}
        %dma_wait3A_90 = arith.constant 0 : i32
        %dma_wait3A_91 = arith.constant 0 : i32
        %dma_wait3A_92 = tpu.memref_slice %arg16[%dma_wait3A_90, %dma_wait3A_91] : memref<10240x128xf32, #tpu.memory_space<vmem_shared>> -> memref<10240x128xf32, #tpu.memory_space<vmem_shared>>
        tpu.wait_indirect_dma semaphore(%run_scoped3A : memref<!tpu.dma_semaphore, #tpu.memory_space<semaphore_mem>>) src(%arg11 : memref<128x128xf32, #tpu.memory_space<vmem>>) dst(%dma_wait3A_92 : memref<10240x128xf32, #tpu.memory_space<vmem_shared>>)
        tpu.yield
      }) : () -> ()
      %scan3A_86 = arith.constant 0 : i32
      scf.yield %scan3A_86 : i32
    }
    %scan3A_57 = arith.constant 39 : i32
    %add3A_58 = arith.constant 9984 : i32
    %add3A_59 = arith.addi %mul3A_50, %add3A_58 : i32
    "tpu.region"() ({
      %run_scoped3A = tpu.sem_alloc : memref<!tpu.dma_semaphore, #tpu.memory_space<semaphore_mem>>
      %dma_start3A_65 = tpu.memref_slice %arg3[%add3A_59] : memref<320000xi32, #tpu.memory_space<hbm>> -> memref<16xi32, #tpu.memory_space<hbm>>
      %dma_start3A_66 = tpu.memref_slice %arg3[%add3A_59] : memref<320000xi32, #tpu.memory_space<hbm>> -> memref<16xi32, #tpu.memory_space<hbm>>
      tpu.enqueue_dma source(%dma_start3A_66 : memref<16xi32, #tpu.memory_space<hbm>>) target(%arg12 : memref<16xi32, #tpu.memory_space<vmem>>) target_semaphore(%run_scoped3A : memref<!tpu.dma_semaphore, #tpu.memory_space<semaphore_mem>>)
      %dma_wait3A_67 = tpu.memref_slice %arg3[%add3A_59] : memref<320000xi32, #tpu.memory_space<hbm>> -> memref<16xi32, #tpu.memory_space<hbm>>
      %dma_wait3A_68 = tpu.memref_slice %arg3[%add3A_59] : memref<320000xi32, #tpu.memory_space<hbm>> -> memref<16xi32, #tpu.memory_space<hbm>>
      tpu.wait_dma2 semaphore(%run_scoped3A : memref<!tpu.dma_semaphore, #tpu.memory_space<semaphore_mem>>) src(%dma_wait3A_68 : memref<16xi32, #tpu.memory_space<hbm>>) dst(%arg12 : memref<16xi32, #tpu.memory_space<vmem>>)
      tpu.yield
    }) : () -> ()
    "tpu.region"() ({
      %run_scoped3A = tpu.sem_alloc : memref<!tpu.dma_semaphore, #tpu.memory_space<semaphore_mem>>
      %dma_start3A_65 = tpu.memref_slice %arg4[%add3A_59] : memref<320000xi32, #tpu.memory_space<hbm>> -> memref<16xi32, #tpu.memory_space<hbm>>
      %dma_start3A_66 = tpu.memref_slice %arg4[%add3A_59] : memref<320000xi32, #tpu.memory_space<hbm>> -> memref<16xi32, #tpu.memory_space<hbm>>
      tpu.enqueue_dma source(%dma_start3A_66 : memref<16xi32, #tpu.memory_space<hbm>>) target(%arg13 : memref<16xi32, #tpu.memory_space<vmem>>) target_semaphore(%run_scoped3A : memref<!tpu.dma_semaphore, #tpu.memory_space<semaphore_mem>>)
      %dma_wait3A_67 = tpu.memref_slice %arg4[%add3A_59] : memref<320000xi32, #tpu.memory_space<hbm>> -> memref<16xi32, #tpu.memory_space<hbm>>
      %dma_wait3A_68 = tpu.memref_slice %arg4[%add3A_59] : memref<320000xi32, #tpu.memory_space<hbm>> -> memref<16xi32, #tpu.memory_space<hbm>>
      tpu.wait_dma2 semaphore(%run_scoped3A : memref<!tpu.dma_semaphore, #tpu.memory_space<semaphore_mem>>) src(%dma_wait3A_68 : memref<16xi32, #tpu.memory_space<hbm>>) dst(%arg13 : memref<16xi32, #tpu.memory_space<vmem>>)
      tpu.yield
    }) : () -> ()
    %dma_start3A = arith.constant 0 : i32
    %dma_start3A_60 = arith.constant 0 : i32
    %dma_start3A_61 = tpu.memref_slice %arg2[%dma_start3A, %dma_start3A_60] : memref<10000x128xf32, #tpu.memory_space<hbm>> -> memref<10000x128xf32, #tpu.memory_space<hbm>>
    tpu.enqueue_indirect_dma source(%dma_start3A_61 : memref<10000x128xf32, #tpu.memory_space<hbm>>) target(%arg14 : memref<16x128xf32, #tpu.memory_space<vmem>>) offsets(%arg12 : memref<16xi32, #tpu.memory_space<vmem>>) semaphore(%arg17 : memref<!tpu.dma_semaphore, #tpu.memory_space<semaphore_mem>>)
    %dma_wait3A = arith.constant 0 : i32
    %dma_wait3A_62 = arith.constant 0 : i32
    %dma_wait3A_63 = tpu.memref_slice %arg2[%dma_wait3A, %dma_wait3A_62] : memref<10000x128xf32, #tpu.memory_space<hbm>> -> memref<10000x128xf32, #tpu.memory_space<hbm>>
    tpu.wait_indirect_dma semaphore(%arg17 : memref<!tpu.dma_semaphore, #tpu.memory_space<semaphore_mem>>) src(%dma_wait3A_63 : memref<10000x128xf32, #tpu.memory_space<hbm>>) dst(%arg14 : memref<16x128xf32, #tpu.memory_space<vmem>>)
    "tpu.region"() ({
      %run_scoped3A = tpu.sem_alloc : memref<!tpu.dma_semaphore, #tpu.memory_space<semaphore_mem>>
      %dma_start3A_65 = arith.constant 0 : i32
      %dma_start3A_66 = arith.constant 0 : i32
      %dma_start3A_67 = tpu.memref_slice %arg16[%dma_start3A_65, %dma_start3A_66] : memref<10240x128xf32, #tpu.memory_space<vmem_shared>> -> memref<10240x128xf32, #tpu.memory_space<vmem_shared>>
      tpu.enqueue_indirect_dma source(%arg14 : memref<16x128xf32, #tpu.memory_space<vmem>>) target(%dma_start3A_67 : memref<10240x128xf32, #tpu.memory_space<vmem_shared>>) offsets(%arg13 : memref<16xi32, #tpu.memory_space<vmem>>) semaphore(%run_scoped3A : memref<!tpu.dma_semaphore, #tpu.memory_space<semaphore_mem>>) {add = true}
      %dma_wait3A_68 = arith.constant 0 : i32
      %dma_wait3A_69 = arith.constant 0 : i32
      %dma_wait3A_70 = tpu.memref_slice %arg16[%dma_wait3A_68, %dma_wait3A_69] : memref<10240x128xf32, #tpu.memory_space<vmem_shared>> -> memref<10240x128xf32, #tpu.memory_space<vmem_shared>>
      tpu.wait_indirect_dma semaphore(%run_scoped3A : memref<!tpu.dma_semaphore, #tpu.memory_space<semaphore_mem>>) src(%arg14 : memref<16x128xf32, #tpu.memory_space<vmem>>) dst(%dma_wait3A_70 : memref<10240x128xf32, #tpu.memory_space<vmem_shared>>)
      tpu.yield
    }) : () -> ()
    %barrier3A_64 = arith.constant 0 : index
    tpu.barrier barrier_id(%barrier3A_64)
    "tpu.region"() ({
      %run_scoped3A = tpu.sem_alloc : memref<!tpu.dma_semaphore, #tpu.memory_space<semaphore_mem>>
      %dma_start3A_65 = arith.constant 0 : i32
      %dma_start3A_66 = tpu.memref_slice %arg5[%arg0, %mul3A_2, %dma_start3A_65] : memref<2x10240x128xf32, #tpu.memory_space<hbm>> -> memref<1x640x128xf32, #tpu.memory_space<hbm>>
      %dma_start3A_67 = tpu.memref_squeeze %dma_start3A_66 : memref<1x640x128xf32, #tpu.memory_space<hbm>> -> memref<640x128xf32, #tpu.memory_space<hbm>>
      %dma_start3A_68 = arith.constant 0 : i32
      %dma_start3A_69 = tpu.memref_slice %arg16[%mul3A_2, %dma_start3A_68] : memref<10240x128xf32, #tpu.memory_space<vmem_shared>> -> memref<640x128xf32, #tpu.memory_space<vmem_shared>>
      tpu.enqueue_dma source(%dma_start3A_69 : memref<640x128xf32, #tpu.memory_space<vmem_shared>>) target(%dma_start3A_67 : memref<640x128xf32, #tpu.memory_space<hbm>>) target_semaphore(%run_scoped3A : memref<!tpu.dma_semaphore, #tpu.memory_space<semaphore_mem>>)
      %dma_wait3A_70 = arith.constant 0 : i32
      %dma_wait3A_71 = tpu.memref_slice %arg5[%arg0, %mul3A_2, %dma_wait3A_70] : memref<2x10240x128xf32, #tpu.memory_space<hbm>> -> memref<1x640x128xf32, #tpu.memory_space<hbm>>
      %dma_wait3A_72 = tpu.memref_squeeze %dma_wait3A_71 : memref<1x640x128xf32, #tpu.memory_space<hbm>> -> memref<640x128xf32, #tpu.memory_space<hbm>>
      %dma_wait3A_73 = arith.constant 0 : i32
      %dma_wait3A_74 = tpu.memref_slice %arg16[%mul3A_2, %dma_wait3A_73] : memref<10240x128xf32, #tpu.memory_space<vmem_shared>> -> memref<640x128xf32, #tpu.memory_space<vmem_shared>>
      tpu.wait_dma2 semaphore(%run_scoped3A : memref<!tpu.dma_semaphore, #tpu.memory_space<semaphore_mem>>) src(%dma_wait3A_74 : memref<640x128xf32, #tpu.memory_space<vmem_shared>>) dst(%dma_wait3A_72 : memref<640x128xf32, #tpu.memory_space<hbm>>)
      tpu.yield
    }) : () -> ()
    return
  }
}

module attributes {stable_mosaic.version = 14 : i64} {
  func.func @_tc2_body(%arg0: i32, %arg1: memref<1x1000x128xf32, #tpu.memory_space<vmem>>, %arg2: memref<1x1000x128xf32, #tpu.memory_space<vmem>>, %arg3: memref<1000x16xf32, #tpu.memory_space<vmem>>, %arg4: memref<1000x128xf32, #tpu.memory_space<vmem>>, %arg5: memref<40x128xf32, #tpu.memory_space<vmem>>, %arg6: memref<1x40xf32, #tpu.memory_space<vmem>>, %arg7: memref<40x128xf32, #tpu.memory_space<vmem>>, %arg8: memref<1000x40xf32, #tpu.memory_space<vmem>>) attributes {dimension_semantics = [#tpu.dimension_semantics<arbitrary>], iteration_bounds = array<i64: 10>, scalar_prefetch = 0 : i64, scratch_operands = 0 : i64, tpu.core_type = #tpu.core_type<tc>, window_params = [{transform_indices = @transform_0, window_bounds = array<i64: 1, 1000, 128>}, {transform_indices = @transform_1, window_bounds = array<i64: 1, 1000, 128>}, {transform_indices = @transform_2, window_bounds = array<i64: 1000, 16>}, {transform_indices = @transform_3, window_bounds = array<i64: 1000, 128>}, {pipeline_mode = #tpu.pipeline_mode<synchronous>, transform_indices = @transform_4, window_bounds = array<i64: 40, 128>}, {pipeline_mode = #tpu.pipeline_mode<synchronous>, transform_indices = @transform_5, window_bounds = array<i64: 1, 40>}, {pipeline_mode = #tpu.pipeline_mode<synchronous>, transform_indices = @transform_6, window_bounds = array<i64: 40, 128>}, {transform_indices = @transform_7, window_bounds = array<i64: 1000, 40>}]} {
    %get3A = arith.constant 0 : index
    %get3A_0 = arith.constant 0 : index
    %get3A_1 = arith.constant 0 : index
    %get3A_2 = vector.load %arg1[%get3A, %get3A_0, %get3A_1] : memref<1x1000x128xf32, #tpu.memory_space<vmem>>, vector<1x1000x128xf32>
    %get3A_3 = vector.shape_cast %get3A_2 : vector<1x1000x128xf32> to vector<1000x128xf32>
    %get3A_4 = arith.constant 0 : index
    %get3A_5 = arith.constant 0 : index
    %get3A_6 = arith.constant 0 : index
    %get3A_7 = vector.load %arg2[%get3A_4, %get3A_5, %get3A_6] : memref<1x1000x128xf32, #tpu.memory_space<vmem>>, vector<1x1000x128xf32>
    %get3A_8 = vector.shape_cast %get3A_7 : vector<1x1000x128xf32> to vector<1000x128xf32>
    %add3A = arith.addf %get3A_3, %get3A_8 : vector<1000x128xf32>
    %get3A_9 = arith.constant 0 : index
    %get3A_10 = arith.constant 0 : index
    %get3A_11 = vector.load %arg3[%get3A_9, %get3A_10] : memref<1000x16xf32, #tpu.memory_space<vmem>>, vector<1000x1xf32>
    %mul3A = vector.broadcast %get3A_11 : vector<1000x1xf32> to vector<1000x128xf32>
    %mul3A_12 = arith.mulf %add3A, %mul3A : vector<1000x128xf32>
    %get3A_13 = arith.constant 0 : index
    %get3A_14 = arith.constant 0 : index
    %get3A_15 = vector.load %arg5[%get3A_13, %get3A_14] : memref<40x128xf32, #tpu.memory_space<vmem>>, vector<40x128xf32>
    %dot_general3A = arith.constant dense<0.000000e+00> : vector<1000x40xf32>
    %dot_general3A_16 = tpu.matmul %mul3A_12, %get3A_15, %dot_general3A {dimension_numbers = #tpu.dot_dimension_numbers<[1], [1], [0], [0], [0, 0, 1, 0], [], []>, transpose_lhs_hint = false} : vector<1000x128xf32>, vector<40x128xf32>, vector<1000x40xf32> -> vector<1000x40xf32>
    %get3A_17 = arith.constant 0 : index
    %get3A_18 = arith.constant 0 : index
    %get3A_19 = vector.load %arg6[%get3A_17, %get3A_18] : memref<1x40xf32, #tpu.memory_space<vmem>>, vector<1x40xf32>
    %add3A_20 = vector.broadcast %get3A_19 : vector<1x40xf32> to vector<1000x40xf32>
    %add3A_21 = arith.addf %dot_general3A_16, %add3A_20 : vector<1000x40xf32>
    %get3A_22 = arith.constant 0 : index
    %get3A_23 = arith.constant 0 : index
    %get3A_24 = vector.load %arg4[%get3A_22, %get3A_23] : memref<1000x128xf32, #tpu.memory_space<vmem>>, vector<1000x128xf32>
    %get3A_25 = arith.constant 0 : index
    %get3A_26 = arith.constant 0 : index
    %get3A_27 = vector.load %arg7[%get3A_25, %get3A_26] : memref<40x128xf32, #tpu.memory_space<vmem>>, vector<40x128xf32>
    %dot_general3A_28 = arith.constant dense<0.000000e+00> : vector<1000x40xf32>
    %dot_general3A_29 = tpu.matmul %get3A_24, %get3A_27, %dot_general3A_28 {dimension_numbers = #tpu.dot_dimension_numbers<[1], [1], [0], [0], [0, 0, 1, 0], [], []>, transpose_lhs_hint = false} : vector<1000x128xf32>, vector<40x128xf32>, vector<1000x40xf32> -> vector<1000x40xf32>
    %add3A_30 = arith.addf %add3A_21, %dot_general3A_29 : vector<1000x40xf32>
    %reduce_max3A = arith.constant dense<0xFF800000> : vector<1000xf32>
    %reduce_max3A_31 = vector.multi_reduction <maximumf>, %add3A_30, %reduce_max3A [1] : vector<1000x40xf32> to vector<1000xf32>
    %broadcast_in_dim3A = vector.shape_cast %reduce_max3A_31 : vector<1000xf32> to vector<1000x1xf32>
    %sub3A = vector.broadcast %broadcast_in_dim3A : vector<1000x1xf32> to vector<1000x40xf32>
    %sub3A_32 = arith.subf %add3A_30, %sub3A : vector<1000x40xf32>
    %exp3A = math.exp %sub3A_32 : vector<1000x40xf32>
    %sub3A_33 = vector.broadcast %broadcast_in_dim3A : vector<1000x1xf32> to vector<1000x40xf32>
    %sub3A_34 = arith.subf %add3A_30, %sub3A_33 : vector<1000x40xf32>
    %reduce_sum3A = arith.constant dense<0.000000e+00> : vector<1000xf32>
    %reduce_sum3A_35 = vector.multi_reduction <add>, %exp3A, %reduce_sum3A [1] : vector<1000x40xf32> to vector<1000xf32>
    %broadcast_in_dim3A_36 = vector.shape_cast %reduce_sum3A_35 : vector<1000xf32> to vector<1000x1xf32>
    %log3A = math.log %broadcast_in_dim3A_36 : vector<1000x1xf32>
    %sub3A_37 = vector.broadcast %log3A : vector<1000x1xf32> to vector<1000x40xf32>
    %sub3A_38 = arith.subf %sub3A_34, %sub3A_37 : vector<1000x40xf32>
    %swap3A = arith.constant 0 : index
    %swap3A_39 = arith.constant 0 : index
    %swap3A_40 = vector.load %arg8[%swap3A, %swap3A_39] : memref<1000x40xf32, #tpu.memory_space<vmem>>, vector<1000x40xf32>
    tpu.vector_store %arg8[%swap3A, %swap3A_39], %sub3A_38 {strides = array<i32>} : memref<1000x40xf32, #tpu.memory_space<vmem>>, vector<1000x40xf32>,
    return
  }
  func.func @transform_0(%arg0: i32) -> (i32, i32, i32) {
    %c0_i32 = arith.constant 0 : i32
    %c0_i32_0 = arith.constant 0 : i32
    %c0_i32_1 = arith.constant 0 : i32
    return %c0_i32, %arg0, %c0_i32_0 : i32, i32, i32
  }
  func.func @transform_1(%arg0: i32) -> (i32, i32, i32) {
    %c1_i32 = arith.constant 1 : i32
    %c0_i32 = arith.constant 0 : i32
    %c0_i32_0 = arith.constant 0 : i32
    return %c1_i32, %arg0, %c0_i32 : i32, i32, i32
  }
  func.func @transform_2(%arg0: i32) -> (i32, i32) {
    %c0_i32 = arith.constant 0 : i32
    %c0_i32_0 = arith.constant 0 : i32
    return %arg0, %c0_i32 : i32, i32
  }
  func.func @transform_3(%arg0: i32) -> (i32, i32) {
    %c0_i32 = arith.constant 0 : i32
    %c0_i32_0 = arith.constant 0 : i32
    return %arg0, %c0_i32 : i32, i32
  }
  func.func @transform_4(%arg0: i32) -> (i32, i32) {
    %c0_i32 = arith.constant 0 : i32
    %c0_i32_0 = arith.constant 0 : i32
    %c0_i32_1 = arith.constant 0 : i32
    return %c0_i32, %c0_i32_0 : i32, i32
  }
  func.func @transform_5(%arg0: i32) -> (i32, i32) {
    %c0_i32 = arith.constant 0 : i32
    %c0_i32_0 = arith.constant 0 : i32
    %c0_i32_1 = arith.constant 0 : i32
    return %c0_i32, %c0_i32_0 : i32, i32
  }
  func.func @transform_6(%arg0: i32) -> (i32, i32) {
    %c0_i32 = arith.constant 0 : i32
    %c0_i32_0 = arith.constant 0 : i32
    %c0_i32_1 = arith.constant 0 : i32
    return %c0_i32, %c0_i32_0 : i32, i32
  }
  func.func @transform_7(%arg0: i32) -> (i32, i32) {
    %c0_i32 = arith.constant 0 : i32
    %c0_i32_0 = arith.constant 0 : i32
    return %arg0, %c0_i32 : i32, i32
  }
}

module attributes {stable_mosaic.version = 14 : i64} {
  func.func @_tc1_body(%arg0: i32, %arg1: memref<1x1000x128xf32, #tpu.memory_space<vmem>>, %arg2: memref<1x1000x128xf32, #tpu.memory_space<vmem>>, %arg3: memref<1x1000x128xf32, #tpu.memory_space<vmem>>, %arg4: memref<1x1000x128xf32, #tpu.memory_space<vmem>>, %arg5: memref<1000x128xf32, #tpu.memory_space<vmem>>, %arg6: memref<128x128xf32, #tpu.memory_space<vmem>>, %arg7: memref<1x128xf32, #tpu.memory_space<vmem>>, %arg8: memref<128x128xf32, #tpu.memory_space<vmem>>, %arg9: memref<1000x128xf32, #tpu.memory_space<vmem>>, %arg10: memref<1000x16xf32, #tpu.memory_space<vmem>>) attributes {dimension_semantics = [#tpu.dimension_semantics<arbitrary>], iteration_bounds = array<i64: 10>, scalar_prefetch = 0 : i64, scratch_operands = 0 : i64, tpu.core_type = #tpu.core_type<tc>, window_params = [{transform_indices = @transform_0, window_bounds = array<i64: 1, 1000, 128>}, {transform_indices = @transform_1, window_bounds = array<i64: 1, 1000, 128>}, {transform_indices = @transform_2, window_bounds = array<i64: 1, 1000, 128>}, {transform_indices = @transform_3, window_bounds = array<i64: 1, 1000, 128>}, {transform_indices = @transform_4, window_bounds = array<i64: 1000, 128>}, {pipeline_mode = #tpu.pipeline_mode<synchronous>, transform_indices = @transform_5, window_bounds = array<i64: 128, 128>}, {pipeline_mode = #tpu.pipeline_mode<synchronous>, transform_indices = @transform_6, window_bounds = array<i64: 1, 128>}, {pipeline_mode = #tpu.pipeline_mode<synchronous>, transform_indices = @transform_7, window_bounds = array<i64: 128, 128>}, {transform_indices = @transform_8, window_bounds = array<i64: 1000, 128>}, {transform_indices = @transform_9, window_bounds = array<i64: 1000, 16>}]} {
    %get3A = arith.constant 0 : index
    %get3A_0 = arith.constant 0 : index
    %get3A_1 = arith.constant 0 : index
    %get3A_2 = vector.load %arg3[%get3A, %get3A_0, %get3A_1] : memref<1x1000x128xf32, #tpu.memory_space<vmem>>, vector<1x1000x1xf32>
    %get3A_3 = vector.shape_cast %get3A_2 : vector<1x1000x1xf32> to vector<1000x1xf32>
    %get3A_4 = arith.constant 0 : index
    %get3A_5 = arith.constant 0 : index
    %get3A_6 = arith.constant 0 : index
    %get3A_7 = vector.load %arg4[%get3A_4, %get3A_5, %get3A_6] : memref<1x1000x128xf32, #tpu.memory_space<vmem>>, vector<1x1000x1xf32>
    %get3A_8 = vector.shape_cast %get3A_7 : vector<1x1000x1xf32> to vector<1000x1xf32>
    %add3A = arith.addf %get3A_3, %get3A_8 : vector<1000x1xf32>
    %max3A = arith.constant 1.000000e+00 : f32
    %max3A_9 = vector.broadcast %max3A : f32 to vector<1000x1xf32>
    %max3A_10 = arith.maximumf %add3A, %max3A_9 : vector<1000x1xf32>
    %div3A = arith.constant 1.000000e+00 : f32
    %div3A_11 = vector.broadcast %div3A : f32 to vector<1000x1xf32>
    %div3A_12 = arith.divf %div3A_11, %max3A_10 : vector<1000x1xf32>
    %get3A_13 = arith.constant 0 : index
    %get3A_14 = arith.constant 0 : index
    %get3A_15 = arith.constant 0 : index
    %get3A_16 = vector.load %arg1[%get3A_13, %get3A_14, %get3A_15] : memref<1x1000x128xf32, #tpu.memory_space<vmem>>, vector<1x1000x128xf32>
    %get3A_17 = vector.shape_cast %get3A_16 : vector<1x1000x128xf32> to vector<1000x128xf32>
    %get3A_18 = arith.constant 0 : index
    %get3A_19 = arith.constant 0 : index
    %get3A_20 = arith.constant 0 : index
    %get3A_21 = vector.load %arg2[%get3A_18, %get3A_19, %get3A_20] : memref<1x1000x128xf32, #tpu.memory_space<vmem>>, vector<1x1000x128xf32>
    %get3A_22 = vector.shape_cast %get3A_21 : vector<1x1000x128xf32> to vector<1000x128xf32>
    %add3A_23 = arith.addf %get3A_17, %get3A_22 : vector<1000x128xf32>
    %mul3A = vector.broadcast %div3A_12 : vector<1000x1xf32> to vector<1000x128xf32>
    %mul3A_24 = arith.mulf %add3A_23, %mul3A : vector<1000x128xf32>
    %get3A_25 = arith.constant 0 : index
    %get3A_26 = arith.constant 0 : index
    %get3A_27 = vector.load %arg6[%get3A_25, %get3A_26] : memref<128x128xf32, #tpu.memory_space<vmem>>, vector<128x128xf32>
    %dot_general3A = arith.constant dense<0.000000e+00> : vector<1000x128xf32>
    %dot_general3A_28 = tpu.matmul %mul3A_24, %get3A_27, %dot_general3A {dimension_numbers = #tpu.dot_dimension_numbers<[1], [1], [0], [0], [0, 0, 1, 0], [], []>, transpose_lhs_hint = false} : vector<1000x128xf32>, vector<128x128xf32>, vector<1000x128xf32> -> vector<1000x128xf32>
    %get3A_29 = arith.constant 0 : index
    %get3A_30 = arith.constant 0 : index
    %get3A_31 = vector.load %arg7[%get3A_29, %get3A_30] : memref<1x128xf32, #tpu.memory_space<vmem>>, vector<1x128xf32>
    %add3A_32 = vector.broadcast %get3A_31 : vector<1x128xf32> to vector<1000x128xf32>
    %add3A_33 = arith.addf %dot_general3A_28, %add3A_32 : vector<1000x128xf32>
    %get3A_34 = arith.constant 0 : index
    %get3A_35 = arith.constant 0 : index
    %get3A_36 = vector.load %arg5[%get3A_34, %get3A_35] : memref<1000x128xf32, #tpu.memory_space<vmem>>, vector<1000x128xf32>
    %get3A_37 = arith.constant 0 : index
    %get3A_38 = arith.constant 0 : index
    %get3A_39 = vector.load %arg8[%get3A_37, %get3A_38] : memref<128x128xf32, #tpu.memory_space<vmem>>, vector<128x128xf32>
    %dot_general3A_40 = arith.constant dense<0.000000e+00> : vector<1000x128xf32>
    %dot_general3A_41 = tpu.matmul %get3A_36, %get3A_39, %dot_general3A_40 {dimension_numbers = #tpu.dot_dimension_numbers<[1], [1], [0], [0], [0, 0, 1, 0], [], []>, transpose_lhs_hint = false} : vector<1000x128xf32>, vector<128x128xf32>, vector<1000x128xf32> -> vector<1000x128xf32>
    %add3A_42 = arith.addf %add3A_33, %dot_general3A_41 : vector<1000x128xf32>
    %max3A_43 = arith.constant 0.000000e+00 : f32
    %max3A_44 = vector.broadcast %max3A_43 : f32 to vector<1000x128xf32>
    %max3A_45 = arith.maximumf %add3A_42, %max3A_44 : vector<1000x128xf32>
    %swap3A = arith.constant 0 : index
    %swap3A_46 = arith.constant 0 : index
    %swap3A_47 = vector.load %arg9[%swap3A, %swap3A_46] : memref<1000x128xf32, #tpu.memory_space<vmem>>, vector<1000x128xf32>
    tpu.vector_store %arg9[%swap3A, %swap3A_46], %max3A_45 {strides = array<i32>} : memref<1000x128xf32, #tpu.memory_space<vmem>>, vector<1000x128xf32>,
    %broadcast_in_dim3A = vector.shape_cast %div3A_12 : vector<1000x1xf32> to vector<1000x1xf32>
    %broadcast_in_dim3A_48 = vector.broadcast %broadcast_in_dim3A : vector<1000x1xf32> to vector<1000x16xf32>
    %swap3A_49 = arith.constant 0 : index
    %swap3A_50 = arith.constant 0 : index
    %swap3A_51 = vector.load %arg10[%swap3A_49, %swap3A_50] : memref<1000x16xf32, #tpu.memory_space<vmem>>, vector<1000x16xf32>
    tpu.vector_store %arg10[%swap3A_49, %swap3A_50], %broadcast_in_dim3A_48 {strides = array<i32>} : memref<1000x16xf32, #tpu.memory_space<vmem>>, vector<1000x16xf32>,
    return
  }
  func.func @transform_0(%arg0: i32) -> (i32, i32, i32) {
    %c0_i32 = arith.constant 0 : i32
    %c0_i32_0 = arith.constant 0 : i32
    %c0_i32_1 = arith.constant 0 : i32
    return %c0_i32, %arg0, %c0_i32_0 : i32, i32, i32
  }
  func.func @transform_1(%arg0: i32) -> (i32, i32, i32) {
    %c1_i32 = arith.constant 1 : i32
    %c0_i32 = arith.constant 0 : i32
    %c0_i32_0 = arith.constant 0 : i32
    return %c1_i32, %arg0, %c0_i32 : i32, i32, i32
  }
  func.func @transform_2(%arg0: i32) -> (i32, i32, i32) {
    %c0_i32 = arith.constant 0 : i32
    %c0_i32_0 = arith.constant 0 : i32
    %c0_i32_1 = arith.constant 0 : i32
    return %c0_i32, %arg0, %c0_i32_0 : i32, i32, i32
  }
  func.func @transform_3(%arg0: i32) -> (i32, i32, i32) {
    %c1_i32 = arith.constant 1 : i32
    %c0_i32 = arith.constant 0 : i32
    %c0_i32_0 = arith.constant 0 : i32
    return %c1_i32, %arg0, %c0_i32 : i32, i32, i32
  }
  func.func @transform_4(%arg0: i32) -> (i32, i32) {
    %c0_i32 = arith.constant 0 : i32
    %c0_i32_0 = arith.constant 0 : i32
    return %arg0, %c0_i32 : i32, i32
  }
  func.func @transform_5(%arg0: i32) -> (i32, i32) {
    %c0_i32 = arith.constant 0 : i32
    %c0_i32_0 = arith.constant 0 : i32
    %c0_i32_1 = arith.constant 0 : i32
    return %c0_i32, %c0_i32_0 : i32, i32
  }
  func.func @transform_6(%arg0: i32) -> (i32, i32) {
    %c0_i32 = arith.constant 0 : i32
    %c0_i32_0 = arith.constant 0 : i32
    %c0_i32_1 = arith.constant 0 : i32
    return %c0_i32, %c0_i32_0 : i32, i32
  }
  func.func @transform_7(%arg0: i32) -> (i32, i32) {
    %c0_i32 = arith.constant 0 : i32
    %c0_i32_0 = arith.constant 0 : i32
    %c0_i32_1 = arith.constant 0 : i32
    return %c0_i32, %c0_i32_0 : i32, i32
  }
  func.func @transform_8(%arg0: i32) -> (i32, i32) {
    %c0_i32 = arith.constant 0 : i32
    %c0_i32_0 = arith.constant 0 : i32
    return %arg0, %c0_i32 : i32, i32
  }
  func.func @transform_9(%arg0: i32) -> (i32, i32) {
    %c0_i32 = arith.constant 0 : i32
    %c0_i32_0 = arith.constant 0 : i32
    return %arg0, %c0_i32 : i32, i32
  }
}

</mosaic_0001>

<sc_bundles>
// kernel: kernel.10.cloned.1.call-start
scs
__scs_entry_jumppad:
0x0: {  	(pc) =	sbr.rel $0x88, $3  }
0x1: {  	(tag) =	ssettag $0x0;
	lr =	simm.s32 $0x1  }
0x2: {  	[smem:$0x3F99] =	sst lr;
	_ =	strace $0xD0000000  }
0x3: {  	_ = 	snop  }
0x4: {  	_ = 	snop  }
0x5: {  	_ = 	snop  }
0x6: {  	_ = 	snop  }
0x7: {  	_ = 	snop  }
__scs_overlays_trampoline_lowered:
0x8: {  	[smem:$0x3FA8] =	sst s0  }
0x9: {  	[smem:$0x3FA9] =	sst s1  }
0xa: {  	[smem:$0x3FAA] =	sst s2  }
0xb: {  	[smem:$0x3FAB] =	sst s3  }
0xc: {  	[smem:$0x3FAC] =	sst s4  }
0xd: {  	[smem:$0x3FAD] =	sst s5  }
0xe: {  	[smem:$0x3FAE] =	sst s6  }
0xf: {  	[smem:$0x3FAF] =	sst s7  }
0x10: {  	[smem:$0x3FB0] =	sst s8  }
0x11: {  	[smem:$0x3FB1] =	sst s9;
	s0 =	simm.s32 @!p0 $0x0  }
0x12: {  	s1 =	sld [smem:$0x3F97];
	s0 =	simm.s32 @p0 $0x1  }
0x13: {  	[smem:$0x3FB2] =	sst s0;
	s0 =	simm.s32 @!p1 $0x0  }
0x14: {  	s2 =	sld [smem:$0x3F96];
	s0 =	simm.s32 @p1 $0x1  }
0x15: {  	[smem:$0x3FB3] =	sst s0;
	s0 =	simm.s32 @!p2 $0x0  }
0x16: {  	s3 =	sld [smem:$0x3FDB];
	s0 =	simm.s32 @p2 $0x1  }
0x17: {  	s4 =	simm.s32 $0x1BF5;
	[smem:$0x3FB5] =	sst s0  }
0x18: {  	s0 =	sld [smem:$0x3F98];
	_ =	swait.ge [sflag:s4], $0x0  }
0x19: {  	s7 =	sld [smem:$0x3F99]  }
0x1a: {  	s8 =	sadd.s32 $0xFFFFE003, lr  }
0x1b: {  	s9 =	sadd.s32 $0xFFFFFEF7, lr;
	s5 =	simm.s32 $0xFFFFFFFF;
	p2 =	slt.u32 s8, $0xFFFFF086  }
0x1c: {  	p1 =	slt.u32 s9, $0xF7A;
	s5 =	simm.s32 @!p2 $0x0  }
0x1d: {  	s5 =	simm.s32 @p1 $0x1;
	p0 =	seq.s32 s7, s2  }
0x1e: {  	s7 =	smul.u32 @!p0 $0xF7A, s2;
	p2 =	seq.s32 @!p0 s5, $0x0  }
0x1f: {  	s9 =	smul.u32 $0xF7A, s1;
	s8 =	simm.s32 @!p0 $0x1BF5;
	p2 =	por !p2, p0  }
0x20: {  	[sflag:s8] =	ssyncset.s32 @!p0 $0xFFFFF086;
	s6 =	sadd.s32 @!p0 s3, s7;
	s7 =	simm.s32 @!p0 $0x108  }
0x21: {  	s3 =	sadd.s32 s3, s9;
	s6 =	sadd.s32 @!p0 $0x88, s6;
	s7 =	simm.s32 @p2 $0x1082  }
0x22: {  	[simem:s7], [sflag:s8] =	dma.local @!p0 [hbm:s6], $0xF7A  }
0x23: {  	s9 =	sor.u32 $0xD0000000, s2;
	s6 =	simm.s32 $0x108;
	_ =	swait.ge @!p0 [sflag:s8], $0x0  }
0x24: {  	s3 =	sadd.s32 $0x88, s3;
	s6 =	simm.s32 @!p1 $0x1082;
	[sflag:s4] =	ssyncset.s32 $0xFFFFF086  }
0x25: {  	[simem:s6], [sflag:s4] =	dma.local [hbm:s3], $0xF7A  }
0x26: {  	[smem:$0x3F99] =	sst s1;
	(tag) =	ssettag s2;
	_ =	strace s9  }
0x27: {  	s1 =	sld [smem:$0x3FA9]  }
0x28: {  	s2 =	sld [smem:$0x3FAA]  }
0x29: {  	s4 =	sld [smem:$0x3FAC]  }
0x2a: {  	p0 =	seq.s32 s5, $0x0;
	s5 =	sld [smem:$0x3FAD]  }
0x2b: {  	s6 =	sld [smem:$0x3FAE]  }
0x2c: {  	s7 =	sld [smem:$0x3FAF]  }
0x2d: {  	s3 =	simm.s32 $0x108;
	s8 =	sld [smem:$0x3FB0]  }
0x2e: {  	s3 =	simm.s32 @!p0 $0x1082;
	s9 =	sld [smem:$0x3FB1]  }
0x2f: {  	lr =	sadd.s32 s0, s3;
	s0 =	sld [smem:$0x3FA8]  }
0x30: {  	s3 =	sld [smem:$0x3FAB]  }
0x31: {  	[smem:$0x3FB4] =	sst s10  }
0x32: {  	s10 =	sld [smem:$0x3FB2];
	_ =	sdelay $0x3  }
0x33: {  	p0 =	seq.s32 s10, $0x1;
	s10 =	sld [smem:$0x3FB4];
	_ =	sdelay $0x3  }
0x34: {  	[smem:$0x3FB4] =	sst s10  }
0x35: {  	s10 =	sld [smem:$0x3FB3];
	_ =	sdelay $0x3  }
0x36: {  	p1 =	seq.s32 s10, $0x1;
	s10 =	sld [smem:$0x3FB4];
	_ =	sdelay $0x3  }
0x37: {  	[smem:$0x3FB4] =	sst s10  }
0x38: {  	s10 =	sld [smem:$0x3FB5]  }
0x39: {  	_ = 	snop;
	(pc) =	sbr.ind lr, $3  }
0x3a: {  	_ = 	snop  }
0x3b: {  	_ = 	snop  }
0x3c: {  	p2 =	seq.s32 s10, $0x1;
	s10 =	sld [smem:$0x3FB4]  }
0x3d: {  	_ =	shalt  }
0x3e: {  	_ =	shalt  }
0x3f: {  	_ =	shalt  }
0x40: {  	_ =	shalt  }
0x41: {  	_ =	shalt  }
0x42: {  	_ =	shalt  }
0x43: {  	_ =	shalt  }
0x44: {  	_ =	shalt  }
0x45: {  	_ =	shalt  }
0x46: {  	_ =	shalt  }
0x47: {  	_ =	shalt  }
0x48: {  	_ =	shalt  }
0x49: {  	_ =	shalt  }
0x4a: {  	_ =	shalt  }
0x4b: {  	_ =	shalt  }
0x4c: {  	_ =	shalt  }
0x4d: {  	_ =	shalt  }
0x4e: {  	_ =	shalt  }
0x4f: {  	_ =	shalt  }
0x50: {  	_ =	shalt  }
0x51: {  	_ =	shalt  }
0x52: {  	_ =	shalt  }
0x53: {  	_ =	shalt  }
0x54: {  	_ =	shalt  }
0x55: {  	_ =	shalt  }
0x56: {  	_ =	shalt  }
0x57: {  	_ =	shalt  }
0x58: {  	_ =	shalt  }
0x59: {  	_ =	shalt  }
0x5a: {  	_ =	shalt  }
0x5b: {  	_ =	shalt  }
0x5c: {  	_ =	shalt  }
0x5d: {  	_ =	shalt  }
0x5e: {  	_ =	shalt  }
0x5f: {  	_ =	shalt  }
0x60: {  	_ =	shalt  }
0x61: {  	_ =	shalt  }
0x62: {  	_ =	shalt  }
0x63: {  	_ =	shalt  }
0x64: {  	_ =	shalt  }
0x65: {  	_ =	shalt  }
0x66: {  	_ =	shalt  }
0x67: {  	_ =	shalt  }
0x68: {  	_ =	shalt  }
0x69: {  	_ =	shalt  }
0x6a: {  	_ =	shalt  }
0x6b: {  	_ =	shalt  }
0x6c: {  	_ =	shalt  }
0x6d: {  	_ =	shalt  }
0x6e: {  	_ =	shalt  }
0x6f: {  	_ =	shalt  }
0x70: {  	_ =	shalt  }
0x71: {  	_ =	shalt  }
0x72: {  	_ =	shalt  }
0x73: {  	_ =	shalt  }
0x74: {  	_ =	shalt  }
0x75: {  	_ =	shalt  }
0x76: {  	_ =	shalt  }
0x77: {  	_ =	shalt  }
0x78: {  	_ =	shalt  }
0x79: {  	_ =	shalt  }
0x7a: {  	_ =	shalt  }
0x7b: {  	_ =	shalt  }
0x7c: {  	_ =	shalt  }
0x7d: {  	_ =	shalt  }
0x7e: {  	_ =	shalt  }
0x7f: {  	_ =	shalt  }
0x80: {  	_ =	shalt  }
0x81: {  	_ =	shalt  }
0x82: {  	_ =	shalt  }
0x83: {  	_ =	shalt  }
0x84: {  	_ =	shalt  }
0x85: {  	_ =	shalt  }
0x86: {  	_ =	shalt  }
0x87: {  	_ =	shalt  }
.Lfunc_end0:
.L_simem_size_0:
called_computation.1_lowered:
.L_overlay_start_0:
0x88: {  	s2 =	sld [smem:$0x3FD9]  }
0x89: {  	s3 =	sld [smem:$0x3FFE];
	_ =	sdelay $0x1  }
0x8a: {  	s1 =	srdreg.scid  }
0x8b: {  	s0 =	sand.u32 $0x1, s1  }
0x8c: {  	s17 =	sshll.u32 s0, $0xA;
	s2 =	sadd.s32 s3, s2  }
0x8d: {  	s2 =	sadd.s32 s2, s17  }
0x8e: {  	[smem:$0x3FC0] =	sst s2  }
0x8f: {  	_ = 	snop  }
0x90: {  	s2 =	sld [smem:$0x3FD0];
	(tm) =	ssettm $0x1  }
0x91: {  	s18 =	sld [smem:$0x3FFB];
	_ =	sdelay $0x3  }
0x92: {  	_ =	strace s18  }
0x93: {  	s3 =	sld [smem:$0x3FFC];
	_ =	sdelay $0x3  }
0x94: {  	_ =	strace s3  }
0x95: {  	s3 =	sld [smem:$0x3FFD];
	_ =	sdelay $0x3  }
0x96: {  	_ =	strace s3  }
0x97: {  	_ =	strace $0x8FFFFFFF  }
0x98: {  	s19 =	sld [smem:$0x3FDB];
	_ =	sdelay $0x1  }
0x99: {  	s4 =	simm.s32 $_scs_section_size  }
0x9a: {  	s5 =	simm.s32 $_size__tile_overlayer_lowered;
	s6 =	simm.s32 $_tile_overlayer_lowered  }
0x9b: {  	s22 =	simm.s32 $0x1BFF;
	s21 =	sshll.u32 s6, $0x1;
	s3 =	sadd.s32 s4, s19  }
0x9c: {  	s7 =	simm.s32 $0x0;
	s20 =	sshll.u32 s5, $0x1;
	s5 =	sadd.s32 s21, s3  }
0x9d: {  	[timem:s7], [sflag:s22] =	dma.local [hbm:s5], s20  }
0x9e: {  	_ =	swait.ge [sflag:s22], s20  }
0x9f: {  	s4 =	ssub.s32 $0x0, s20;
	[sflag:s22] =	ssyncset.done $0x0  }
0xa0: {  	[sflag:s22] =	ssyncadd.s32 s4;
	_ =	sdelay $0x1  }
0xa1: {  	s23 =	simm.s32 $0x1B8B  }
0xa2: {  	_ =	swait.ge [sflag:s23], $0x1  }
0xa3: {  	[sflag:s23] =	ssyncset.done $0x0  }
0xa4: {  	s25 =	simm.s32 $0x1B8E;
	s24 =	sld [smem:$0x3FFE];
	[sflag:s23] =	ssyncadd.s32 $0xFFFFFFFF  }
0xa5: {  	s26 =	simm.s32 $execute0_lowered;
	[smem:$0x3FD2] =	sst s25  }
0xa6: {  	s5 =	sshll.u32 s26, $0x1;
	_ =	strace $0x80000046;
	[dreg:$0x1] =	wrdreg $0xFFFFFFFF  }
0xa7: {  	s28 =	simm.s32 $_size_execute0_lowered;
	s3 =	sadd.s32 s3, s5;
	[dreg:$0x0] =	wrdreg $0x0  }
0xa8: {  	s5 =	sshll.u32 s28, $0x1;
	[dreg:$0x2] =	wrdreg s3  }
0xa9: {  	[dreg:$0x3] =	wrdreg s5  }
0xaa: {  	[dreg:$0x4] =	wrdreg $0xC0  }
0xab: {  	_ =	task [dreg:s7], $0x5FFFF  }
0xac: {  	[dreg:$0x1] =	wrdreg $0xFFFFFFFF  }
0xad: {  	[dreg:$0x0] =	wrdreg $0x60  }
0xae: {  	[dreg:$0x2] =	wrdreg s24  }
0xaf: {  	[dreg:$0x3] =	wrdreg s2  }
0xb0: {  	[dreg:$0x4] =	wrdreg $0x9B000  }
0xb1: {  	[dreg:$0x5] =	wrdreg $0xA  }
0xb2: {  	_ =	task.clear_ibuf [dreg:s7], $0x6FFFF;
	_ =	strace $0x90000046  }
0xb3: {  	s29 =	simm.s32 $0xA;
	_ =	strace $0x80000048  }
0xb4: {  	_ =	swait.ge [sflag:s29], $0x1  }
0xb5: {  	[sflag:s29] =	ssyncadd.s32 $0xFFFFFFFF  }
0xb6: {  	_ =	strace $0x90000048  }
0xb7: {  	_ =	sfence  }
0xb8: {  	s30 =	sld [smem:$0x0];
	_ =	sdelay $0x2  }
0xb9: {  	s31 =	sshll.u32 s1, $0xD;
	s1 =	sshrl.u32 s1, $0x2  }
0xba: {  	s3 =	sand.u32 $0x4000, s31;
	s1 =	sadd.s32 s1, s30  }
0xbb: {  	s0 =	sor.u32 s3, s0;
	s1 =	sshll.u32 s1, $0x11  }
0xbc: {  	s0 =	sor.u32 s1, s0  }
0xbd: {  	s0 =	sadd.s32 $0x8F2B, s0  }
0xbe: {  	[sflag:s0] =	ssyncadd.remote.s32 $0x1  }
0xbf: {  	_ =	sfence.sel $0xFFFF  }
0xc0: {  	[dreg:$0x0] =	wrdreg $0xFFFFFFFF;
	(pc) =	sbr.abs _section_cstart, $3  }
0xc1: {  	[dreg:$0x1] =	wrdreg $0xFFFFFFFF  }
0xc2: {  	_ =	task.clear_ibuf [dreg:s7], $0x2FFFF;
	_ =	strace $0x9FFFFFFF  }
0xc3: {  	(tm) =	ssettm $0x7FFFFFFF  }
tec
execute0_lowered:
.L_overlay_start_1:
0x0: {  	(tag) =	ssettag $0x1  }
0x1: {  	s0 =	rddreg [dreg:$0x0]  }
0x2: {  	s2 =	rddreg [dreg:$0x1]  }
0x3: {  	s1 =	rddreg [dreg:$0x2];
	s11 =	stileid.u32  }
0x4: {  	s3 =	srdreg.scid;
	s7 =	smul.u32 $0x14000, s11  }
0x5: {  	s6 =	sand.u32 $0x1, s3;
	s3 =	simm.s32 $0x0;
	s24 =	smul.u32 $0x50000, s11  }
0x6: {  	s4 =	sadd.s32 $0xC200, s0;
	s8 =	sadd.s32 $0x2400, s0;
	s16 =	smul.u32 $0x4E20, s11  }
0x7: {  	s10 =	sshll.u32 s11, $0x1;
	s11 =	simm.s32 $0x4200;
	s5 =	smul.u32 $0x140000, s6  }
0x8: {  	[smem:$0x7FF] =	sst s3;
	s9 =	ssub.s32 $0x2, s6;
	s26 =	sor.u32 s6, s10  }
0x9: {  	s6 =	smul.u32 $0x2710, s6;
	s25 =	sshrl.u32 s9, $0x1;
	s5 =	sadd.s32 s7, s5  }
0xa: {  	s7 =	sshrl.u32 s24, $0x2;
	s9 =	ssub.s32 s9, s25;
	s5 =	sshrl.u32 s5, $0x3  }
0xb: {  	s25 =	smax.u32 s9, $0x1;
	s0 =	sadd.s32 s5, s0;
	s5 =	sadd.s32 s7, s1  }
0xc: {  	_ =	strace $0x80000047;
	[dreg:$0x13] =	wrdreg s25;
	s28 =	sadd.s32 $0x1000, s5  }
0xd: {  	s10 =	simm.s32 $0x4100;
	s29 =	sadd.s32 $0x2000, s5;
	[dreg:$0x4] =	wrdreg s28  }
0xe: {  	s6 =	sadd.s32 s6, s16;
	s12 =	sadd.s32 $0x3000, s5;
	[dreg:$0x5] =	wrdreg s29  }
0xf: {  	s16 =	simm.s32 $0x8280;
	s13 =	sadd.s32 $0x4000, s5;
	[dreg:$0x6] =	wrdreg s12  }
0x10: {  	s23 =	sshrl.u32 s6, $0x3;
	s14 =	sadd.s32 $0x5000, s5;
	[dreg:$0x7] =	wrdreg s13  }
0x11: {  	s6 =	sadd.s32 $0x80, s6;
	s15 =	sadd.s32 $0x6000, s5;
	[dreg:$0x8] =	wrdreg s14  }
0x12: {  	s9 =	simm.s32 $0x100;
	s17 =	sadd.s32 $0x7000, s5;
	[dreg:$0x9] =	wrdreg s15  }
0x13: {  	s7 =	smul.u32 $0x2710, s26;
	s18 =	sadd.s32 $0x8000, s5;
	[dreg:$0xa] =	wrdreg s17  }
0x14: {  	s6 =	sshrl.u32 s6, $0x3;
	s19 =	sadd.s32 $0x9000, s5;
	[dreg:$0xb] =	wrdreg s18  }
0x15: {  	s20 =	sadd.s32 $0xA000, s5;
	s21 =	sadd.s32 $0xB000, s5;
	[dreg:$0xc] =	wrdreg s19  }
0x16: {  	s24 =	sadd.s32 $0xC000, s5;
	s0 =	sadd.s32 $0x33400, s0;
	[dreg:$0xd] =	wrdreg s20  }
0x17: {  	s26 =	sadd.s32 $0xD000, s5;
	s30 =	sadd.s32 $0x10000, s5;
	[dreg:$0xe] =	wrdreg s21  }
0x18: {  	s31 =	sadd.s32 $0x11000, s5;
	s7 =	sshrl.u32 s7, $0x3;
	[dreg:$0x11] =	wrdreg s24  }
0x19: {  	s19 =	sadd.s32 s23, s2;
	s20 =	sadd.s32 s23, s8;
	[dreg:$0x12] =	wrdreg s0  }
0x1a: {  	s21 =	sadd.s32 s6, s2;
	[dreg:$0x14] =	wrdreg s26;
	s28 =	sadd.s32 $0xE000, s5  }
0x1b: {  	s29 =	sadd.s32 $0xF000, s5;
	s0 =	sadd.s32 $0x12000, s5;
	s12 =	simm.s32 $0x4180  }
0x1c: {  	s13 =	simm.s32 $0x1;
	s14 =	simm.s32 $0x2;
	s15 =	simm.s32 $0x8200  }
0x1d: {  	s17 =	simm.s32 $0x10;
	s7 =	sadd.s32 $0x4E0, s7;
	[dreg:$0x15] =	wrdreg s28  }
0x1e: {  	s18 =	simm.s32 $0x8300;
	[dreg:$0x16] =	wrdreg s29;
	s22 =	sadd.s32 s8, s7  }
0x1f: {  	s23 =	simm.s32 $0x0;
	s7 =	sadd.s32 s2, s7;
	[dreg:$0xf] =	wrdreg s22  }
0x20: {  	s2 =	sadd.s32 $0x13000, s5;
	[dreg:$0x10] =	wrdreg s7;
	s22 =	sadd.s32 s6, s8  }
0x21: {  	v0 =	vimm.f32 $0.0e+00;
	s6 =	simm.s32 $0x8B00;
	s7 =	simm.s32 $0x3;
	s8 =	simm.s32 $0x80  }
.LBB2_1:
0x22: {  	s24 =	simm.s32 $0x0;
	s25 =	simm.s32 $0x200  }
.LBB2_2:
0x23: {  	p0 =	sne.s32 s25, $0x3E00;
	[tilespmem:s24+$0x8B70] =	vst v0  }
0x24: {  	[tilespmem:s24+$0x8B00] =	vst v0  }
0x25: {  	[tilespmem:s24+$0x8B10] =	vst v0  }
.Ltmp0:
0x26: {  	[tilespmem:s24+$0x8B20] =	vst v0;
	(pc) =	sbr.rel @p0 .LBB2_2-.Ltmp0, $4  }
0x27: {  	[tilespmem:s24+$0x8B30] =	vst v0  }
0x28: {  	[tilespmem:s24+$0x8B40] =	vst v0  }
0x29: {  	[tilespmem:s24+$0x8B50] =	vst v0  }
0x2a: {  	[tilespmem:s24+$0x8B60] =	vst v0;
	s24 =	sshra.s32 s25, $0x2;
	s25 =	sadd.s32 $0x200, s25  }
0x2b: {  	[tilespmem:s24+$0x8B70] =	vst v0  }
0x2c: {  	[tilespmem:s24+$0x8B00] =	vst v0  }
0x2d: {  	[tilespmem:s24+$0x8B10] =	vst v0  }
0x2e: {  	[tilespmem:s24+$0x8B20] =	vst v0  }
0x2f: {  	[tilespmem:s24+$0x8B30] =	vst v0  }
0x30: {  	[tilespmem:s24+$0x8B40] =	vst v0  }
0x31: {  	[tilespmem:s24+$0x8B50] =	vst v0  }
0x32: {  	[tilespmem:s24+$0x8B60] =	vst v0  }
0x33: {  	[spmem:s5] =	stream.linear.scatter [tilespmem:s6], [sflag:$0x3], $0x1000, $0x38;
	[tilespmem:$0x1DB00] =	vst v63  }
0x34: {  	_ =	swait.ge [sflag:s7], $0x1000  }
0x35: {  	[sflag:s7] =	ssyncset.done $0x0  }
0x36: {  	s26 =	rddreg [dreg:$0x4];
	[sflag:s7] =	ssyncadd.s32 $0xFFFFF000  }
0x37: {  	[spmem:s26] =	stream.linear.scatter [tilespmem:s6], [sflag:$0x3], $0x1000, $0x38;
	[tilespmem:$0x1DB00] =	vst v63  }
0x38: {  	_ =	swait.ge [sflag:s7], $0x1000  }
0x39: {  	[sflag:s7] =	ssyncset.done $0x0  }
0x3a: {  	s28 =	rddreg [dreg:$0x5];
	[sflag:s7] =	ssyncadd.s32 $0xFFFFF000  }
0x3b: {  	[spmem:s28] =	stream.linear.scatter [tilespmem:s6], [sflag:$0x3], $0x1000, $0x38;
	[tilespmem:$0x1DB00] =	vst v63  }
0x3c: {  	_ =	swait.ge [sflag:s7], $0x1000  }
0x3d: {  	[sflag:s7] =	ssyncset.done $0x0  }
0x3e: {  	s29 =	rddreg [dreg:$0x6];
	[sflag:s7] =	ssyncadd.s32 $0xFFFFF000  }
0x3f: {  	[spmem:s29] =	stream.linear.scatter [tilespmem:s6], [sflag:$0x3], $0x1000, $0x38;
	[tilespmem:$0x1DB00] =	vst v63  }
0x40: {  	_ =	swait.ge [sflag:s7], $0x1000  }
0x41: {  	[sflag:s7] =	ssyncset.done $0x0  }
0x42: {  	s25 =	rddreg [dreg:$0x7];
	[sflag:s7] =	ssyncadd.s32 $0xFFFFF000  }
0x43: {  	[spmem:s25] =	stream.linear.scatter [tilespmem:s6], [sflag:$0x3], $0x1000, $0x38;
	[tilespmem:$0x1DB00] =	vst v63  }
0x44: {  	_ =	swait.ge [sflag:s7], $0x1000  }
0x45: {  	[sflag:s7] =	ssyncset.done $0x0  }
0x46: {  	s26 =	rddreg [dreg:$0x8];
	[sflag:s7] =	ssyncadd.s32 $0xFFFFF000  }
0x47: {  	[spmem:s26] =	stream.linear.scatter [tilespmem:s6], [sflag:$0x3], $0x1000, $0x38;
	[tilespmem:$0x1DB00] =	vst v63  }
0x48: {  	_ =	swait.ge [sflag:s7], $0x1000  }
0x49: {  	[sflag:s7] =	ssyncset.done $0x0  }
0x4a: {  	s28 =	rddreg [dreg:$0x9];
	[sflag:s7] =	ssyncadd.s32 $0xFFFFF000  }
0x4b: {  	[spmem:s28] =	stream.linear.scatter [tilespmem:s6], [sflag:$0x3], $0x1000, $0x38;
	[tilespmem:$0x1DB00] =	vst v63  }
0x4c: {  	_ =	swait.ge [sflag:s7], $0x1000  }
0x4d: {  	[sflag:s7] =	ssyncset.done $0x0  }
0x4e: {  	s29 =	rddreg [dreg:$0xa];
	[sflag:s7] =	ssyncadd.s32 $0xFFFFF000  }
0x4f: {  	[spmem:s29] =	stream.linear.scatter [tilespmem:s6], [sflag:$0x3], $0x1000, $0x38;
	[tilespmem:$0x1DB00] =	vst v63  }
0x50: {  	_ =	swait.ge [sflag:s7], $0x1000  }
0x51: {  	[sflag:s7] =	ssyncset.done $0x0  }
0x52: {  	s25 =	rddreg [dreg:$0xb];
	[sflag:s7] =	ssyncadd.s32 $0xFFFFF000  }
0x53: {  	[spmem:s25] =	stream.linear.scatter [tilespmem:s6], [sflag:$0x3], $0x1000, $0x38;
	[tilespmem:$0x1DB00] =	vst v63  }
0x54: {  	_ =	swait.ge [sflag:s7], $0x1000  }
0x55: {  	[sflag:s7] =	ssyncset.done $0x0  }
0x56: {  	s26 =	rddreg [dreg:$0xc];
	[sflag:s7] =	ssyncadd.s32 $0xFFFFF000  }
0x57: {  	[spmem:s26] =	stream.linear.scatter [tilespmem:s6], [sflag:$0x3], $0x1000, $0x38;
	[tilespmem:$0x1DB00] =	vst v63  }
0x58: {  	_ =	swait.ge [sflag:s7], $0x1000  }
0x59: {  	[sflag:s7] =	ssyncset.done $0x0  }
0x5a: {  	s28 =	rddreg [dreg:$0xd];
	[sflag:s7] =	ssyncadd.s32 $0xFFFFF000  }
0x5b: {  	[spmem:s28] =	stream.linear.scatter [tilespmem:s6], [sflag:$0x3], $0x1000, $0x38;
	[tilespmem:$0x1DB00] =	vst v63  }
0x5c: {  	_ =	swait.ge [sflag:s7], $0x1000  }
0x5d: {  	[sflag:s7] =	ssyncset.done $0x0  }
0x5e: {  	s29 =	rddreg [dreg:$0xe];
	[sflag:s7] =	ssyncadd.s32 $0xFFFFF000  }
0x5f: {  	[spmem:s29] =	stream.linear.scatter [tilespmem:s6], [sflag:$0x3], $0x1000, $0x38;
	[tilespmem:$0x1DB00] =	vst v63  }
0x60: {  	_ =	swait.ge [sflag:s7], $0x1000  }
0x61: {  	[sflag:s7] =	ssyncset.done $0x0  }
0x62: {  	s25 =	rddreg [dreg:$0x11];
	[sflag:s7] =	ssyncadd.s32 $0xFFFFF000  }
0x63: {  	[spmem:s25] =	stream.linear.scatter [tilespmem:s6], [sflag:$0x3], $0x1000, $0x38;
	[tilespmem:$0x1DB00] =	vst v63  }
0x64: {  	_ =	swait.ge [sflag:s7], $0x1000  }
0x65: {  	[sflag:s7] =	ssyncset.done $0x0  }
0x66: {  	s26 =	rddreg [dreg:$0x14];
	[sflag:s7] =	ssyncadd.s32 $0xFFFFF000  }
0x67: {  	[spmem:s26] =	stream.linear.scatter [tilespmem:s6], [sflag:$0x3], $0x1000, $0x38;
	[tilespmem:$0x1DB00] =	vst v63  }
0x68: {  	_ =	swait.ge [sflag:s7], $0x1000  }
0x69: {  	[sflag:s7] =	ssyncset.done $0x0  }
0x6a: {  	s28 =	rddreg [dreg:$0x15];
	[sflag:s7] =	ssyncadd.s32 $0xFFFFF000  }
0x6b: {  	[spmem:s28] =	stream.linear.scatter [tilespmem:s6], [sflag:$0x3], $0x1000, $0x38;
	[tilespmem:$0x1DB00] =	vst v63  }
0x6c: {  	_ =	swait.ge [sflag:s7], $0x1000  }
0x6d: {  	[sflag:s7] =	ssyncset.done $0x0  }
0x6e: {  	s29 =	rddreg [dreg:$0x16];
	[sflag:s7] =	ssyncadd.s32 $0xFFFFF000  }
0x6f: {  	[spmem:s29] =	stream.linear.scatter [tilespmem:s6], [sflag:$0x3], $0x1000, $0x38;
	[tilespmem:$0x1DB00] =	vst v63  }
0x70: {  	_ =	swait.ge [sflag:s7], $0x1000  }
0x71: {  	[sflag:s7] =	ssyncset.done $0x0  }
0x72: {  	[sflag:s7] =	ssyncadd.s32 $0xFFFFF000  }
0x73: {  	[spmem:s30] =	stream.linear.scatter [tilespmem:s6], [sflag:$0x3], $0x1000, $0x38;
	[tilespmem:$0x1DB00] =	vst v63  }
0x74: {  	_ =	swait.ge [sflag:s7], $0x1000  }
0x75: {  	[sflag:s7] =	ssyncset.done $0x0  }
0x76: {  	[sflag:s7] =	ssyncadd.s32 $0xFFFFF000  }
0x77: {  	[spmem:s31] =	stream.linear.scatter [tilespmem:s6], [sflag:$0x3], $0x1000, $0x38;
	[tilespmem:$0x1DB00] =	vst v63  }
0x78: {  	_ =	swait.ge [sflag:s7], $0x1000  }
0x79: {  	[sflag:s7] =	ssyncset.done $0x0  }
0x7a: {  	[sflag:s7] =	ssyncadd.s32 $0xFFFFF000  }
0x7b: {  	[spmem:s0] =	stream.linear.scatter [tilespmem:s6], [sflag:$0x3], $0x1000, $0x38;
	[tilespmem:$0x1DB00] =	vst v63  }
0x7c: {  	_ =	swait.ge [sflag:s7], $0x1000  }
0x7d: {  	[sflag:s7] =	ssyncset.done $0x0  }
0x7e: {  	[sflag:s7] =	ssyncadd.s32 $0xFFFFF000  }
0x7f: {  	[spmem:s2] =	stream.linear.scatter [tilespmem:s6], [sflag:$0x3], $0x1000, $0x38;
	[tilespmem:$0x1DB00] =	vst v63  }
0x80: {  	_ =	swait.ge [sflag:s7], $0x1000  }
0x81: {  	[sflag:s7] =	ssyncset.done $0x0  }
0x82: {  	[sflag:s7] =	ssyncadd.s32 $0xFFFFF000  }
0x83: {  	s25 =	sadd.s32 $0x0, s20;
	[bflag:$0x0] =	sbarrier.arrive $0xFFFF  }
0x84: {  	[tilespmem:s3], [sflag:$0x3] =	stream.linear.gather [hbm4b:s25+s3], $0x80, $0x38;
	[tilespmem:$0x1DB00] =	vst v63  }
0x85: {  	_ =	swait.ge [sflag:s7], $0x80  }
0x86: {  	[sflag:s7] =	ssyncset.done $0x0  }
0x87: {  	[sflag:s7] =	ssyncadd.s32 $0xFFFFFF80  }
0x88: {  	[tilespmem:s9], [sflag:$0x1] =	stream.indirect.gather [hbm4b:s4+s8], $0x80, s3, s8, $0xb8;
	[tilespmem:$0x1DB00] =	vst v63  }
0x89: {  	s26 =	sadd.s32 $0x0, s19  }
0x8a: {  	[tilespmem:s8], [sflag:$0x3] =	stream.linear.gather [hbm4b:s26+s3], $0x80, $0x38;
	[tilespmem:$0x1DB00] =	vst v63  }
0x8b: {  	_ =	swait.ge [sflag:s7], $0x80  }
0x8c: {  	[sflag:s7] =	ssyncset.done $0x0  }
0x8d: {  	s28 =	sadd.s32 $0x0, s22;
	[sflag:s7] =	ssyncadd.s32 $0xFFFFFF80  }
0x8e: {  	[tilespmem:s10], [sflag:$0x3] =	stream.linear.gather [hbm4b:s28+s3], $0x80, $0x38;
	[tilespmem:$0x1DB00] =	vst v63  }
0x8f: {  	_ =	swait.ge [sflag:s7], $0x80  }
0x90: {  	[sflag:s7] =	ssyncset.done $0x0  }
0x91: {  	[sflag:s7] =	ssyncadd.s32 $0xFFFFFF80  }
0x92: {  	[tilespmem:s11], [sflag:$0x2] =	stream.indirect.gather [hbm4b:s4+s8], $0x80, s10, s8, $0xb8;
	[tilespmem:$0x1DB00] =	vst v63  }
0x93: {  	s29 =	sadd.s32 $0x0, s21  }
0x94: {  	[tilespmem:s12], [sflag:$0x3] =	stream.linear.gather [hbm4b:s29+s3], $0x80, $0x38;
	[tilespmem:$0x1DB00] =	vst v63  }
0x95: {  	_ =	swait.ge [sflag:s7], $0x80  }
0x96: {  	[sflag:s7] =	ssyncset.done $0x0  }
0x97: {  	[sflag:s7] =	ssyncadd.s32 $0xFFFFFF80  }
0x98: {  	_ =	swait.ge [sflag:s13], $0x4000  }
0x99: {  	[sflag:s13] =	ssyncset.done $0x0  }
0x9a: {  	[sflag:s13] =	ssyncadd.s32 $0xFFFFC000  }
0x9b: {  	[spmem:s1] =	stream.indirect.scatter.add.f32 [tilespmem:s9], [sflag:$0x3], $0x80, s8, s8, $0xb8;
	[tilespmem:$0x1DB00] =	vst v63  }
0x9c: {  	_ =	swait.ge [sflag:s7], $0x4000  }
0x9d: {  	[sflag:s7] =	ssyncset.done $0x0  }
0x9e: {  	[sflag:s7] =	ssyncadd.s32 $0xFFFFC000  }
0x9f: {  	_ =	swait.ge [sflag:s14], $0x4000  }
0xa0: {  	[sflag:s14] =	ssyncset.done $0x0  }
0xa1: {  	[sflag:s14] =	ssyncadd.s32 $0xFFFFC000  }
0xa2: {  	[spmem:s1] =	stream.indirect.scatter.add.f32 [tilespmem:s11], [sflag:$0x3], $0x80, s12, s8, $0xb8;
	[tilespmem:$0x1DB00] =	vst v63  }
0xa3: {  	_ =	swait.ge [sflag:s7], $0x4000  }
0xa4: {  	s24 =	simm.s32 $0x20;
	s25 =	simm.s32 $0x40;
	[sflag:s7] =	ssyncset.done $0x0  }
.LBB2_4:
0xa5: {  	s28 =	sadd.s32 s24, s20  }
0xa6: {  	[sflag:s7] =	ssyncadd.s32 $0xFFFFC000;
	s29 =	smov.u32 s25;
	s26 =	sadd.s32 $0x20, s25  }
0xa7: {  	[tilespmem:s3], [sflag:$0x3] =	stream.linear.gather [hbm4b:s28+s3], $0x80, $0x38;
	[tilespmem:$0x1DB00] =	vst v63  }
0xa8: {  	p0 =	sne.s32 s25, $0x4C0;
	_ =	swait.ge [sflag:s7], $0x80  }
0xa9: {  	[sflag:s7] =	ssyncset.done $0x0  }
0xaa: {  	[sflag:s7] =	ssyncadd.s32 $0xFFFFFF80  }
0xab: {  	[tilespmem:s9], [sflag:$0x1] =	stream.indirect.gather [hbm4b:s4+s8], $0x80, s3, s8, $0xb8;
	[tilespmem:$0x1DB00] =	vst v63  }
0xac: {  	s25 =	sadd.s32 s24, s19  }
0xad: {  	[tilespmem:s8], [sflag:$0x3] =	stream.linear.gather [hbm4b:s25+s3], $0x80, $0x38;
	[tilespmem:$0x1DB00] =	vst v63  }
0xae: {  	_ =	swait.ge [sflag:s7], $0x80  }
0xaf: {  	[sflag:s7] =	ssyncset.done $0x0  }
0xb0: {  	s25 =	sadd.s32 s24, s22;
	[sflag:s7] =	ssyncadd.s32 $0xFFFFFF80  }
0xb1: {  	[tilespmem:s10], [sflag:$0x3] =	stream.linear.gather [hbm4b:s25+s3], $0x80, $0x38;
	[tilespmem:$0x1DB00] =	vst v63  }
0xb2: {  	_ =	swait.ge [sflag:s7], $0x80  }
0xb3: {  	[sflag:s7] =	ssyncset.done $0x0  }
0xb4: {  	[sflag:s7] =	ssyncadd.s32 $0xFFFFFF80  }
0xb5: {  	[tilespmem:s11], [sflag:$0x2] =	stream.indirect.gather [hbm4b:s4+s8], $0x80, s10, s8, $0xb8;
	[tilespmem:$0x1DB00] =	vst v63  }
0xb6: {  	s25 =	sadd.s32 s24, s21;
	s24 =	smov.u32 s29  }
0xb7: {  	[tilespmem:s12], [sflag:$0x3] =	stream.linear.gather [hbm4b:s25+s3], $0x80, $0x38;
	[tilespmem:$0x1DB00] =	vst v63  }
0xb8: {  	_ =	swait.ge [sflag:s7], $0x80  }
0xb9: {  	[sflag:s7] =	ssyncset.done $0x0  }
0xba: {  	[sflag:s7] =	ssyncadd.s32 $0xFFFFFF80  }
0xbb: {  	_ =	swait.ge [sflag:s13], $0x4000  }
0xbc: {  	[sflag:s13] =	ssyncset.done $0x0  }
0xbd: {  	[sflag:s13] =	ssyncadd.s32 $0xFFFFC000  }
0xbe: {  	[spmem:s1] =	stream.indirect.scatter.add.f32 [tilespmem:s9], [sflag:$0x3], $0x80, s8, s8, $0xb8;
	[tilespmem:$0x1DB00] =	vst v63  }
0xbf: {  	_ =	swait.ge [sflag:s7], $0x4000  }
0xc0: {  	[sflag:s7] =	ssyncset.done $0x0  }
0xc1: {  	[sflag:s7] =	ssyncadd.s32 $0xFFFFC000  }
0xc2: {  	_ =	swait.ge [sflag:s14], $0x4000  }
.Ltmp1:
0xc3: {  	[sflag:s14] =	ssyncset.done $0x0;
	(pc) =	sbr.rel @p0 .LBB2_4-.Ltmp1, $4  }
0xc4: {  	[sflag:s14] =	ssyncadd.s32 $0xFFFFC000  }
0xc5: {  	[spmem:s1] =	stream.indirect.scatter.add.f32 [tilespmem:s11], [sflag:$0x3], $0x80, s12, s8, $0xb8;
	[tilespmem:$0x1DB00] =	vst v63  }
0xc6: {  	_ =	swait.ge [sflag:s7], $0x4000  }
0xc7: {  	s25 =	smov.u32 s26;
	[sflag:s7] =	ssyncset.done $0x0  }
0xc8: {  	s25 =	sadd.s32 s24, s20;
	[sflag:s7] =	ssyncadd.s32 $0xFFFFC000  }
0xc9: {  	[tilespmem:s3], [sflag:$0x3] =	stream.linear.gather [hbm4b:s25+s3], $0x80, $0x38;
	[tilespmem:$0x1DB00] =	vst v63  }
0xca: {  	_ =	swait.ge [sflag:s7], $0x80  }
0xcb: {  	[sflag:s7] =	ssyncset.done $0x0  }
0xcc: {  	[sflag:s7] =	ssyncadd.s32 $0xFFFFFF80  }
0xcd: {  	[tilespmem:s9], [sflag:$0x1] =	stream.indirect.gather [hbm4b:s4+s8], $0x80, s3, s8, $0xb8;
	[tilespmem:$0x1DB00] =	vst v63  }
0xce: {  	s29 =	sadd.s32 s24, s19  }
0xcf: {  	[tilespmem:s8], [sflag:$0x3] =	stream.linear.gather [hbm4b:s29+s3], $0x80, $0x38;
	[tilespmem:$0x1DB00] =	vst v63  }
0xd0: {  	_ =	swait.ge [sflag:s7], $0x80  }
0xd1: {  	[sflag:s7] =	ssyncset.done $0x0  }
0xd2: {  	s26 =	sadd.s32 s24, s22;
	[sflag:s7] =	ssyncadd.s32 $0xFFFFFF80  }
0xd3: {  	[tilespmem:s10], [sflag:$0x3] =	stream.linear.gather [hbm4b:s26+s3], $0x80, $0x38;
	[tilespmem:$0x1DB00] =	vst v63  }
0xd4: {  	_ =	swait.ge [sflag:s7], $0x80  }
0xd5: {  	[sflag:s7] =	ssyncset.done $0x0  }
0xd6: {  	[sflag:s7] =	ssyncadd.s32 $0xFFFFFF80  }
0xd7: {  	[tilespmem:s11], [sflag:$0x2] =	stream.indirect.gather [hbm4b:s4+s8], $0x80, s10, s8, $0xb8;
	[tilespmem:$0x1DB00] =	vst v63  }
0xd8: {  	s28 =	sadd.s32 s24, s21  }
0xd9: {  	[tilespmem:s12], [sflag:$0x3] =	stream.linear.gather [hbm4b:s28+s3], $0x80, $0x38;
	[tilespmem:$0x1DB00] =	vst v63  }
0xda: {  	_ =	swait.ge [sflag:s7], $0x80  }
0xdb: {  	[sflag:s7] =	ssyncset.done $0x0  }
0xdc: {  	[sflag:s7] =	ssyncadd.s32 $0xFFFFFF80  }
0xdd: {  	_ =	swait.ge [sflag:s13], $0x4000  }
0xde: {  	[sflag:s13] =	ssyncset.done $0x0  }
0xdf: {  	[sflag:s13] =	ssyncadd.s32 $0xFFFFC000  }
0xe0: {  	[spmem:s1] =	stream.indirect.scatter.add.f32 [tilespmem:s9], [sflag:$0x3], $0x80, s8, s8, $0xb8;
	[tilespmem:$0x1DB00] =	vst v63  }
0xe1: {  	_ =	swait.ge [sflag:s7], $0x4000  }
0xe2: {  	[sflag:s7] =	ssyncset.done $0x0  }
0xe3: {  	[sflag:s7] =	ssyncadd.s32 $0xFFFFC000  }
0xe4: {  	_ =	swait.ge [sflag:s14], $0x4000  }
0xe5: {  	[sflag:s14] =	ssyncset.done $0x0  }
0xe6: {  	[sflag:s14] =	ssyncadd.s32 $0xFFFFC000  }
0xe7: {  	[spmem:s1] =	stream.indirect.scatter.add.f32 [tilespmem:s11], [sflag:$0x3], $0x80, s12, s8, $0xb8;
	[tilespmem:$0x1DB00] =	vst v63  }
0xe8: {  	_ =	swait.ge [sflag:s7], $0x4000  }
0xe9: {  	[sflag:s7] =	ssyncset.done $0x0  }
0xea: {  	s29 =	rddreg [dreg:$0xf];
	[sflag:s7] =	ssyncadd.s32 $0xFFFFC000  }
0xeb: {  	[tilespmem:s15], [sflag:$0x3] =	stream.linear.gather [hbm4b:s29+s3], $0x10, $0x38;
	[tilespmem:$0x1DB00] =	vst v63  }
0xec: {  	_ =	swait.ge [sflag:s7], $0x10  }
0xed: {  	[sflag:s7] =	ssyncset.done $0x0  }
0xee: {  	s25 =	rddreg [dreg:$0x10];
	[sflag:s7] =	ssyncadd.s32 $0xFFFFFFF0  }
0xef: {  	[tilespmem:s16], [sflag:$0x3] =	stream.linear.gather [hbm4b:s25+s3], $0x10, $0x38;
	[tilespmem:$0x1DB00] =	vst v63  }
0xf0: {  	_ =	swait.ge [sflag:s7], $0x10  }
0xf1: {  	[sflag:s7] =	ssyncset.done $0x0  }
0xf2: {  	[sflag:s7] =	ssyncadd.s32 $0xFFFFFFF0  }
0xf3: {  	[tilespmem:s18], [sflag:$0x1] =	stream.indirect.gather [hbm4b:s4+s17], $0x80, s15, s17, $0xb8;
	[tilespmem:$0x1DB00] =	vst v63  }
0xf4: {  	_ =	swait.ge [sflag:s13], $0x800  }
0xf5: {  	[sflag:s13] =	ssyncset.done $0x0  }
0xf6: {  	[sflag:s13] =	ssyncadd.s32 $0xFFFFF800  }
0xf7: {  	[spmem:s1] =	stream.indirect.scatter.add.f32 [tilespmem:s18], [sflag:$0x3], $0x80, s16, s17, $0xb8;
	[tilespmem:$0x1DB00] =	vst v63  }
0xf8: {  	_ =	swait.ge [sflag:s7], $0x800  }
0xf9: {  	[sflag:s7] =	ssyncset.done $0x0  }
0xfa: {  	s26 =	stileid.u32;
	[sflag:s7] =	ssyncadd.s32 $0xFFFFF800  }
0xfb: {  	s24 =	sshll.u32 s26, $0x6;
	[bflag:$0x0] =	sbarrier.arrive $0xFFFF  }
0xfc: {  	s24 =	sor.u32 $0x1C03, s24;
	s28 =	sshrl.u32 s5, $0x3;
	s26 =	rddreg [dreg:$0x12]  }
0xfd: {  	[hbm:s26], [sflag:s24] =	dma.local [spmem:s28], $0x2800  }
0xfe: {  	_ =	swait.ge [sflag:s7], $0x2800  }
0xff: {  	s23 =	sadd.s32 $0x1, s23;
	s29 =	rddreg [dreg:$0x13]  }
0x100: {  	p0 =	sne.s32 s23, s29  }
.Ltmp2:
0x101: {  	_ = 	snop;
	(pc) =	sbr.rel @p0 .LBB2_1-.Ltmp2, $3  }
0x102: {  	_ =	sdelay $0x1  }
0x103: {  	[sflag:s7] =	ssyncset.done $0x0  }
0x104: {  	[sflag:s7] =	ssyncadd.s32 $0xFFFFD800  }
0x105: {  	_ =	sfence.sel $0x180000  }
0x106: {  	[bflag:$0x0] =	sbarrier.arrive $0xFFFF  }
0x107: {  	_ =	strace $0x90000047  }
0x108: {  	s0 =	stileid.u32;
	[bflag:$0x2] =	sbarrier.arrive $0xFFFF  }
0x109: {  	p0 =	sne.s32 s0, $0x0;
	s0 =	rddreg [dreg:$0x3]  }
0x10a: {  	s0 =	sadd.s32 @!p0 $0x100000, s0  }
0x10b: {  	[sflag:s0] =	ssyncadd.tile.s32 @!p0 $0x1;
	_ =	shalt  }
.Lfunc_end2:
_tile_overlayer_lowered:
.L_overlay_start_2:
0x10c: {  	(tag) =	ssettag $0x2  }
0x10d: {  	s0 =	rddreg [dreg:$0x0];
	s2 =	stileid.u32  }
0x10e: {  	s1 =	rddreg [dreg:$0x1];
	p0 =	sne.s32 s2, $0x0  }
0x10f: {  	s3 =	rddreg [dreg:$0x2];
	[bflag:$0x3] =	sbarrier.arrive $0xFFFF;
	s2 =	simm.s32 @!p0 $0x1C03  }
0x110: {  	[timem:s3], [sflag:s2] =	dma.local @!p0 [hbm:s0], s1  }
0x111: {  	s0 =	simm.s32 @!p0 $0x3  }
0x112: {  	_ =	swait.ge @!p0 [sflag:s0], s1  }
0x113: {  	s1 =	ssub.s32 @!p0 $0x0, s1;
	[sflag:s0] =	ssyncset.done @!p0 $0x0  }
0x114: {  	[sflag:s0] =	ssyncadd.s32 @!p0 s1  }
0x115: {  	[bflag:$0x3] =	sbarrier.arrive $0xFFFF  }
0x116: {  	_ =	shalt  }

// kernel: kernel.13.cloned.1.call-start
scs
__scs_entry_jumppad:
0x0: {  	(pc) =	sbr.rel $0x88, $3  }
0x1: {  	(tag) =	ssettag $0x0;
	lr =	simm.s32 $0x1  }
0x2: {  	[smem:$0x3F99] =	sst lr;
	_ =	strace $0xD0000000  }
0x3: {  	_ = 	snop  }
0x4: {  	_ = 	snop  }
0x5: {  	_ = 	snop  }
0x6: {  	_ = 	snop  }
0x7: {  	_ = 	snop  }
__scs_overlays_trampoline_lowered:
0x8: {  	[smem:$0x3FA8] =	sst s0  }
0x9: {  	[smem:$0x3FA9] =	sst s1  }
0xa: {  	[smem:$0x3FAA] =	sst s2  }
0xb: {  	[smem:$0x3FAB] =	sst s3  }
0xc: {  	[smem:$0x3FAC] =	sst s4  }
0xd: {  	[smem:$0x3FAD] =	sst s5  }
0xe: {  	[smem:$0x3FAE] =	sst s6  }
0xf: {  	[smem:$0x3FAF] =	sst s7  }
0x10: {  	[smem:$0x3FB0] =	sst s8  }
0x11: {  	[smem:$0x3FB1] =	sst s9;
	s0 =	simm.s32 @!p0 $0x0  }
0x12: {  	s1 =	sld [smem:$0x3F97];
	s0 =	simm.s32 @p0 $0x1  }
0x13: {  	[smem:$0x3FB2] =	sst s0;
	s0 =	simm.s32 @!p1 $0x0  }
0x14: {  	s2 =	sld [smem:$0x3F96];
	s0 =	simm.s32 @p1 $0x1  }
0x15: {  	[smem:$0x3FB3] =	sst s0;
	s0 =	simm.s32 @!p2 $0x0  }
0x16: {  	s3 =	sld [smem:$0x3FDB];
	s0 =	simm.s32 @p2 $0x1  }
0x17: {  	s4 =	simm.s32 $0x1BF5;
	[smem:$0x3FB5] =	sst s0  }
0x18: {  	s0 =	sld [smem:$0x3F98];
	_ =	swait.ge [sflag:s4], $0x0  }
0x19: {  	s7 =	sld [smem:$0x3F99]  }
0x1a: {  	s8 =	sadd.s32 $0xFFFFE003, lr  }
0x1b: {  	s9 =	sadd.s32 $0xFFFFFEF7, lr;
	s5 =	simm.s32 $0xFFFFFFFF;
	p2 =	slt.u32 s8, $0xFFFFF086  }
0x1c: {  	p1 =	slt.u32 s9, $0xF7A;
	s5 =	simm.s32 @!p2 $0x0  }
0x1d: {  	s5 =	simm.s32 @p1 $0x1;
	p0 =	seq.s32 s7, s2  }
0x1e: {  	s7 =	smul.u32 @!p0 $0xF7A, s2;
	p2 =	seq.s32 @!p0 s5, $0x0  }
0x1f: {  	s9 =	smul.u32 $0xF7A, s1;
	s8 =	simm.s32 @!p0 $0x1BF5;
	p2 =	por !p2, p0  }
0x20: {  	[sflag:s8] =	ssyncset.s32 @!p0 $0xFFFFF086;
	s6 =	sadd.s32 @!p0 s3, s7;
	s7 =	simm.s32 @!p0 $0x108  }
0x21: {  	s3 =	sadd.s32 s3, s9;
	s6 =	sadd.s32 @!p0 $0x88, s6;
	s7 =	simm.s32 @p2 $0x1082  }
0x22: {  	[simem:s7], [sflag:s8] =	dma.local @!p0 [hbm:s6], $0xF7A  }
0x23: {  	s9 =	sor.u32 $0xD0000000, s2;
	s6 =	simm.s32 $0x108;
	_ =	swait.ge @!p0 [sflag:s8], $0x0  }
0x24: {  	s3 =	sadd.s32 $0x88, s3;
	s6 =	simm.s32 @!p1 $0x1082;
	[sflag:s4] =	ssyncset.s32 $0xFFFFF086  }
0x25: {  	[simem:s6], [sflag:s4] =	dma.local [hbm:s3], $0xF7A  }
0x26: {  	[smem:$0x3F99] =	sst s1;
	(tag) =	ssettag s2;
	_ =	strace s9  }
0x27: {  	s1 =	sld [smem:$0x3FA9]  }
0x28: {  	s2 =	sld [smem:$0x3FAA]  }
0x29: {  	s4 =	sld [smem:$0x3FAC]  }
0x2a: {  	p0 =	seq.s32 s5, $0x0;
	s5 =	sld [smem:$0x3FAD]  }
0x2b: {  	s6 =	sld [smem:$0x3FAE]  }
0x2c: {  	s7 =	sld [smem:$0x3FAF]  }
0x2d: {  	s3 =	simm.s32 $0x108;
	s8 =	sld [smem:$0x3FB0]  }
0x2e: {  	s3 =	simm.s32 @!p0 $0x1082;
	s9 =	sld [smem:$0x3FB1]  }
0x2f: {  	lr =	sadd.s32 s0, s3;
	s0 =	sld [smem:$0x3FA8]  }
0x30: {  	s3 =	sld [smem:$0x3FAB]  }
0x31: {  	[smem:$0x3FB4] =	sst s10  }
0x32: {  	s10 =	sld [smem:$0x3FB2];
	_ =	sdelay $0x3  }
0x33: {  	p0 =	seq.s32 s10, $0x1;
	s10 =	sld [smem:$0x3FB4];
	_ =	sdelay $0x3  }
0x34: {  	[smem:$0x3FB4] =	sst s10  }
0x35: {  	s10 =	sld [smem:$0x3FB3];
	_ =	sdelay $0x3  }
0x36: {  	p1 =	seq.s32 s10, $0x1;
	s10 =	sld [smem:$0x3FB4];
	_ =	sdelay $0x3  }
0x37: {  	[smem:$0x3FB4] =	sst s10  }
0x38: {  	s10 =	sld [smem:$0x3FB5]  }
0x39: {  	_ = 	snop;
	(pc) =	sbr.ind lr, $3  }
0x3a: {  	_ = 	snop  }
0x3b: {  	_ = 	snop  }
0x3c: {  	p2 =	seq.s32 s10, $0x1;
	s10 =	sld [smem:$0x3FB4]  }
0x3d: {  	_ =	shalt  }
0x3e: {  	_ =	shalt  }
0x3f: {  	_ =	shalt  }
0x40: {  	_ =	shalt  }
0x41: {  	_ =	shalt  }
0x42: {  	_ =	shalt  }
0x43: {  	_ =	shalt  }
0x44: {  	_ =	shalt  }
0x45: {  	_ =	shalt  }
0x46: {  	_ =	shalt  }
0x47: {  	_ =	shalt  }
0x48: {  	_ =	shalt  }
0x49: {  	_ =	shalt  }
0x4a: {  	_ =	shalt  }
0x4b: {  	_ =	shalt  }
0x4c: {  	_ =	shalt  }
0x4d: {  	_ =	shalt  }
0x4e: {  	_ =	shalt  }
0x4f: {  	_ =	shalt  }
0x50: {  	_ =	shalt  }
0x51: {  	_ =	shalt  }
0x52: {  	_ =	shalt  }
0x53: {  	_ =	shalt  }
0x54: {  	_ =	shalt  }
0x55: {  	_ =	shalt  }
0x56: {  	_ =	shalt  }
0x57: {  	_ =	shalt  }
0x58: {  	_ =	shalt  }
0x59: {  	_ =	shalt  }
0x5a: {  	_ =	shalt  }
0x5b: {  	_ =	shalt  }
0x5c: {  	_ =	shalt  }
0x5d: {  	_ =	shalt  }
0x5e: {  	_ =	shalt  }
0x5f: {  	_ =	shalt  }
0x60: {  	_ =	shalt  }
0x61: {  	_ =	shalt  }
0x62: {  	_ =	shalt  }
0x63: {  	_ =	shalt  }
0x64: {  	_ =	shalt  }
0x65: {  	_ =	shalt  }
0x66: {  	_ =	shalt  }
0x67: {  	_ =	shalt  }
0x68: {  	_ =	shalt  }
0x69: {  	_ =	shalt  }
0x6a: {  	_ =	shalt  }
0x6b: {  	_ =	shalt  }
0x6c: {  	_ =	shalt  }
0x6d: {  	_ =	shalt  }
0x6e: {  	_ =	shalt  }
0x6f: {  	_ =	shalt  }
0x70: {  	_ =	shalt  }
0x71: {  	_ =	shalt  }
0x72: {  	_ =	shalt  }
0x73: {  	_ =	shalt  }
0x74: {  	_ =	shalt  }
0x75: {  	_ =	shalt  }
0x76: {  	_ =	shalt  }
0x77: {  	_ =	shalt  }
0x78: {  	_ =	shalt  }
0x79: {  	_ =	shalt  }
0x7a: {  	_ =	shalt  }
0x7b: {  	_ =	shalt  }
0x7c: {  	_ =	shalt  }
0x7d: {  	_ =	shalt  }
0x7e: {  	_ =	shalt  }
0x7f: {  	_ =	shalt  }
0x80: {  	_ =	shalt  }
0x81: {  	_ =	shalt  }
0x82: {  	_ =	shalt  }
0x83: {  	_ =	shalt  }
0x84: {  	_ =	shalt  }
0x85: {  	_ =	shalt  }
0x86: {  	_ =	shalt  }
0x87: {  	_ =	shalt  }
.Lfunc_end0:
.L_simem_size_0:
called_computation.2_lowered:
.L_overlay_start_0:
0x88: {  	s2 =	sld [smem:$0x3FD9]  }
0x89: {  	s3 =	sld [smem:$0x3FFE];
	_ =	sdelay $0x1  }
0x8a: {  	s1 =	srdreg.scid  }
0x8b: {  	s0 =	sand.u32 $0x1, s1  }
0x8c: {  	s17 =	sshll.u32 s0, $0xA;
	s2 =	sadd.s32 s3, s2  }
0x8d: {  	s2 =	sadd.s32 s2, s17  }
0x8e: {  	[smem:$0x3FC0] =	sst s2  }
0x8f: {  	_ = 	snop  }
0x90: {  	s2 =	sld [smem:$0x3FD0];
	(tm) =	ssettm $0x1  }
0x91: {  	s18 =	sld [smem:$0x3FFB];
	_ =	sdelay $0x3  }
0x92: {  	_ =	strace s18  }
0x93: {  	s3 =	sld [smem:$0x3FFC];
	_ =	sdelay $0x3  }
0x94: {  	_ =	strace s3  }
0x95: {  	s3 =	sld [smem:$0x3FFD];
	_ =	sdelay $0x3  }
0x96: {  	_ =	strace s3  }
0x97: {  	_ =	strace $0x8FFFFFFF  }
0x98: {  	s19 =	sld [smem:$0x3FDB];
	_ =	sdelay $0x1  }
0x99: {  	s4 =	simm.s32 $_scs_section_size  }
0x9a: {  	s5 =	simm.s32 $_size__tile_overlayer_lowered;
	s6 =	simm.s32 $_tile_overlayer_lowered  }
0x9b: {  	s22 =	simm.s32 $0x1BFF;
	s21 =	sshll.u32 s6, $0x1;
	s3 =	sadd.s32 s4, s19  }
0x9c: {  	s7 =	simm.s32 $0x0;
	s20 =	sshll.u32 s5, $0x1;
	s5 =	sadd.s32 s21, s3  }
0x9d: {  	[timem:s7], [sflag:s22] =	dma.local [hbm:s5], s20  }
0x9e: {  	_ =	swait.ge [sflag:s22], s20  }
0x9f: {  	s4 =	ssub.s32 $0x0, s20;
	[sflag:s22] =	ssyncset.done $0x0  }
0xa0: {  	[sflag:s22] =	ssyncadd.s32 s4;
	_ =	sdelay $0x1  }
0xa1: {  	s23 =	simm.s32 $0x1B8B  }
0xa2: {  	_ =	swait.ge [sflag:s23], $0x1  }
0xa3: {  	[sflag:s23] =	ssyncset.done $0x0  }
0xa4: {  	s25 =	simm.s32 $0x1B8E;
	s24 =	sld [smem:$0x3FFE];
	[sflag:s23] =	ssyncadd.s32 $0xFFFFFFFF  }
0xa5: {  	s26 =	simm.s32 $execute0_lowered;
	[smem:$0x3FD2] =	sst s25  }
0xa6: {  	s5 =	sshll.u32 s26, $0x1;
	_ =	strace $0x8000004C;
	[dreg:$0x1] =	wrdreg $0xFFFFFFFF  }
0xa7: {  	s28 =	simm.s32 $_size_execute0_lowered;
	s3 =	sadd.s32 s3, s5;
	[dreg:$0x0] =	wrdreg $0x0  }
0xa8: {  	s5 =	sshll.u32 s28, $0x1;
	[dreg:$0x2] =	wrdreg s3  }
0xa9: {  	[dreg:$0x3] =	wrdreg s5  }
0xaa: {  	[dreg:$0x4] =	wrdreg $0xC0  }
0xab: {  	_ =	task [dreg:s7], $0x5FFFF  }
0xac: {  	[dreg:$0x1] =	wrdreg $0xFFFFFFFF  }
0xad: {  	[dreg:$0x0] =	wrdreg $0x60  }
0xae: {  	[dreg:$0x2] =	wrdreg s24  }
0xaf: {  	[dreg:$0x3] =	wrdreg s2  }
0xb0: {  	[dreg:$0x4] =	wrdreg $0x9B000  }
0xb1: {  	[dreg:$0x5] =	wrdreg $0x9  }
0xb2: {  	_ =	task.clear_ibuf [dreg:s7], $0x6FFFF;
	_ =	strace $0x9000004C  }
0xb3: {  	s29 =	simm.s32 $0x9;
	_ =	strace $0x8000004E  }
0xb4: {  	_ =	swait.ge [sflag:s29], $0x1  }
0xb5: {  	[sflag:s29] =	ssyncadd.s32 $0xFFFFFFFF  }
0xb6: {  	_ =	strace $0x9000004E  }
0xb7: {  	_ =	sfence  }
0xb8: {  	s30 =	sld [smem:$0x0];
	_ =	sdelay $0x2  }
0xb9: {  	s31 =	sshll.u32 s1, $0xD;
	s1 =	sshrl.u32 s1, $0x2  }
0xba: {  	s3 =	sand.u32 $0x4000, s31;
	s1 =	sadd.s32 s1, s30  }
0xbb: {  	s0 =	sor.u32 s3, s0;
	s1 =	sshll.u32 s1, $0x11  }
0xbc: {  	s0 =	sor.u32 s1, s0  }
0xbd: {  	s0 =	sadd.s32 $0x8F2B, s0  }
0xbe: {  	[sflag:s0] =	ssyncadd.remote.s32 $0x1  }
0xbf: {  	_ =	sfence.sel $0xFFFF  }
0xc0: {  	[dreg:$0x0] =	wrdreg $0xFFFFFFFF;
	(pc) =	sbr.abs _section_cstart, $3  }
0xc1: {  	[dreg:$0x1] =	wrdreg $0xFFFFFFFF  }
0xc2: {  	_ =	task.clear_ibuf [dreg:s7], $0x2FFFF;
	_ =	strace $0x9FFFFFFF  }
0xc3: {  	(tm) =	ssettm $0x7FFFFFFF  }
tec
execute0_lowered:
.L_overlay_start_1:
0x0: {  	(tag) =	ssettag $0x1  }
0x1: {  	s0 =	rddreg [dreg:$0x0]  }
0x2: {  	s2 =	rddreg [dreg:$0x1]  }
0x3: {  	s1 =	rddreg [dreg:$0x2];
	s11 =	stileid.u32  }
0x4: {  	s3 =	srdreg.scid;
	s7 =	smul.u32 $0x14000, s11  }
0x5: {  	s6 =	sand.u32 $0x1, s3;
	s3 =	simm.s32 $0x0;
	s24 =	smul.u32 $0x50000, s11  }
0x6: {  	s4 =	sadd.s32 $0xC200, s0;
	s8 =	sadd.s32 $0x2400, s0;
	s16 =	smul.u32 $0x4E20, s11  }
0x7: {  	s10 =	sshll.u32 s11, $0x1;
	s11 =	simm.s32 $0x4200;
	s5 =	smul.u32 $0x140000, s6  }
0x8: {  	[smem:$0x7FF] =	sst s3;
	s9 =	ssub.s32 $0x2, s6;
	s26 =	sor.u32 s6, s10  }
0x9: {  	s6 =	smul.u32 $0x2710, s6;
	s25 =	sshrl.u32 s9, $0x1;
	s5 =	sadd.s32 s7, s5  }
0xa: {  	s7 =	sshrl.u32 s24, $0x2;
	s9 =	ssub.s32 s9, s25;
	s5 =	sshrl.u32 s5, $0x3  }
0xb: {  	s25 =	smax.u32 s9, $0x1;
	s0 =	sadd.s32 s5, s0;
	s5 =	sadd.s32 s7, s1  }
0xc: {  	_ =	strace $0x8000004D;
	[dreg:$0x13] =	wrdreg s25;
	s28 =	sadd.s32 $0x1000, s5  }
0xd: {  	s10 =	simm.s32 $0x4100;
	s29 =	sadd.s32 $0x2000, s5;
	[dreg:$0x4] =	wrdreg s28  }
0xe: {  	s6 =	sadd.s32 s6, s16;
	s12 =	sadd.s32 $0x3000, s5;
	[dreg:$0x5] =	wrdreg s29  }
0xf: {  	s16 =	simm.s32 $0x8280;
	s13 =	sadd.s32 $0x4000, s5;
	[dreg:$0x6] =	wrdreg s12  }
0x10: {  	s23 =	sshrl.u32 s6, $0x3;
	s14 =	sadd.s32 $0x5000, s5;
	[dreg:$0x7] =	wrdreg s13  }
0x11: {  	s6 =	sadd.s32 $0x80, s6;
	s15 =	sadd.s32 $0x6000, s5;
	[dreg:$0x8] =	wrdreg s14  }
0x12: {  	s9 =	simm.s32 $0x100;
	s17 =	sadd.s32 $0x7000, s5;
	[dreg:$0x9] =	wrdreg s15  }
0x13: {  	s7 =	smul.u32 $0x2710, s26;
	s18 =	sadd.s32 $0x8000, s5;
	[dreg:$0xa] =	wrdreg s17  }
0x14: {  	s6 =	sshrl.u32 s6, $0x3;
	s19 =	sadd.s32 $0x9000, s5;
	[dreg:$0xb] =	wrdreg s18  }
0x15: {  	s20 =	sadd.s32 $0xA000, s5;
	s21 =	sadd.s32 $0xB000, s5;
	[dreg:$0xc] =	wrdreg s19  }
0x16: {  	s24 =	sadd.s32 $0xC000, s5;
	s0 =	sadd.s32 $0x33400, s0;
	[dreg:$0xd] =	wrdreg s20  }
0x17: {  	s26 =	sadd.s32 $0xD000, s5;
	s30 =	sadd.s32 $0x10000, s5;
	[dreg:$0xe] =	wrdreg s21  }
0x18: {  	s31 =	sadd.s32 $0x11000, s5;
	s7 =	sshrl.u32 s7, $0x3;
	[dreg:$0x11] =	wrdreg s24  }
0x19: {  	s19 =	sadd.s32 s23, s2;
	s20 =	sadd.s32 s23, s8;
	[dreg:$0x12] =	wrdreg s0  }
0x1a: {  	s21 =	sadd.s32 s6, s2;
	[dreg:$0x14] =	wrdreg s26;
	s28 =	sadd.s32 $0xE000, s5  }
0x1b: {  	s29 =	sadd.s32 $0xF000, s5;
	s0 =	sadd.s32 $0x12000, s5;
	s12 =	simm.s32 $0x4180  }
0x1c: {  	s13 =	simm.s32 $0x1;
	s14 =	simm.s32 $0x2;
	s15 =	simm.s32 $0x8200  }
0x1d: {  	s17 =	simm.s32 $0x10;
	s7 =	sadd.s32 $0x4E0, s7;
	[dreg:$0x15] =	wrdreg s28  }
0x1e: {  	s18 =	simm.s32 $0x8300;
	[dreg:$0x16] =	wrdreg s29;
	s22 =	sadd.s32 s8, s7  }
0x1f: {  	s23 =	simm.s32 $0x0;
	s7 =	sadd.s32 s2, s7;
	[dreg:$0xf] =	wrdreg s22  }
0x20: {  	s2 =	sadd.s32 $0x13000, s5;
	[dreg:$0x10] =	wrdreg s7;
	s22 =	sadd.s32 s6, s8  }
0x21: {  	v0 =	vimm.f32 $0.0e+00;
	s6 =	simm.s32 $0x8B00;
	s7 =	simm.s32 $0x3;
	s8 =	simm.s32 $0x80  }
.LBB2_1:
0x22: {  	s24 =	simm.s32 $0x0;
	s25 =	simm.s32 $0x200  }
.LBB2_2:
0x23: {  	p0 =	sne.s32 s25, $0x3E00;
	[tilespmem:s24+$0x8B70] =	vst v0  }
0x24: {  	[tilespmem:s24+$0x8B00] =	vst v0  }
0x25: {  	[tilespmem:s24+$0x8B10] =	vst v0  }
.Ltmp0:
0x26: {  	[tilespmem:s24+$0x8B20] =	vst v0;
	(pc) =	sbr.rel @p0 .LBB2_2-.Ltmp0, $4  }
0x27: {  	[tilespmem:s24+$0x8B30] =	vst v0  }
0x28: {  	[tilespmem:s24+$0x8B40] =	vst v0  }
0x29: {  	[tilespmem:s24+$0x8B50] =	vst v0  }
0x2a: {  	[tilespmem:s24+$0x8B60] =	vst v0;
	s24 =	sshra.s32 s25, $0x2;
	s25 =	sadd.s32 $0x200, s25  }
0x2b: {  	[tilespmem:s24+$0x8B70] =	vst v0  }
0x2c: {  	[tilespmem:s24+$0x8B00] =	vst v0  }
0x2d: {  	[tilespmem:s24+$0x8B10] =	vst v0  }
0x2e: {  	[tilespmem:s24+$0x8B20] =	vst v0  }
0x2f: {  	[tilespmem:s24+$0x8B30] =	vst v0  }
0x30: {  	[tilespmem:s24+$0x8B40] =	vst v0  }
0x31: {  	[tilespmem:s24+$0x8B50] =	vst v0  }
0x32: {  	[tilespmem:s24+$0x8B60] =	vst v0  }
0x33: {  	[spmem:s5] =	stream.linear.scatter [tilespmem:s6], [sflag:$0x3], $0x1000, $0x38;
	[tilespmem:$0x1DB00] =	vst v63  }
0x34: {  	_ =	swait.ge [sflag:s7], $0x1000  }
0x35: {  	[sflag:s7] =	ssyncset.done $0x0  }
0x36: {  	s26 =	rddreg [dreg:$0x4];
	[sflag:s7] =	ssyncadd.s32 $0xFFFFF000  }
0x37: {  	[spmem:s26] =	stream.linear.scatter [tilespmem:s6], [sflag:$0x3], $0x1000, $0x38;
	[tilespmem:$0x1DB00] =	vst v63  }
0x38: {  	_ =	swait.ge [sflag:s7], $0x1000  }
0x39: {  	[sflag:s7] =	ssyncset.done $0x0  }
0x3a: {  	s28 =	rddreg [dreg:$0x5];
	[sflag:s7] =	ssyncadd.s32 $0xFFFFF000  }
0x3b: {  	[spmem:s28] =	stream.linear.scatter [tilespmem:s6], [sflag:$0x3], $0x1000, $0x38;
	[tilespmem:$0x1DB00] =	vst v63  }
0x3c: {  	_ =	swait.ge [sflag:s7], $0x1000  }
0x3d: {  	[sflag:s7] =	ssyncset.done $0x0  }
0x3e: {  	s29 =	rddreg [dreg:$0x6];
	[sflag:s7] =	ssyncadd.s32 $0xFFFFF000  }
0x3f: {  	[spmem:s29] =	stream.linear.scatter [tilespmem:s6], [sflag:$0x3], $0x1000, $0x38;
	[tilespmem:$0x1DB00] =	vst v63  }
0x40: {  	_ =	swait.ge [sflag:s7], $0x1000  }
0x41: {  	[sflag:s7] =	ssyncset.done $0x0  }
0x42: {  	s25 =	rddreg [dreg:$0x7];
	[sflag:s7] =	ssyncadd.s32 $0xFFFFF000  }
0x43: {  	[spmem:s25] =	stream.linear.scatter [tilespmem:s6], [sflag:$0x3], $0x1000, $0x38;
	[tilespmem:$0x1DB00] =	vst v63  }
0x44: {  	_ =	swait.ge [sflag:s7], $0x1000  }
0x45: {  	[sflag:s7] =	ssyncset.done $0x0  }
0x46: {  	s26 =	rddreg [dreg:$0x8];
	[sflag:s7] =	ssyncadd.s32 $0xFFFFF000  }
0x47: {  	[spmem:s26] =	stream.linear.scatter [tilespmem:s6], [sflag:$0x3], $0x1000, $0x38;
	[tilespmem:$0x1DB00] =	vst v63  }
0x48: {  	_ =	swait.ge [sflag:s7], $0x1000  }
0x49: {  	[sflag:s7] =	ssyncset.done $0x0  }
0x4a: {  	s28 =	rddreg [dreg:$0x9];
	[sflag:s7] =	ssyncadd.s32 $0xFFFFF000  }
0x4b: {  	[spmem:s28] =	stream.linear.scatter [tilespmem:s6], [sflag:$0x3], $0x1000, $0x38;
	[tilespmem:$0x1DB00] =	vst v63  }
0x4c: {  	_ =	swait.ge [sflag:s7], $0x1000  }
0x4d: {  	[sflag:s7] =	ssyncset.done $0x0  }
0x4e: {  	s29 =	rddreg [dreg:$0xa];
	[sflag:s7] =	ssyncadd.s32 $0xFFFFF000  }
0x4f: {  	[spmem:s29] =	stream.linear.scatter [tilespmem:s6], [sflag:$0x3], $0x1000, $0x38;
	[tilespmem:$0x1DB00] =	vst v63  }
0x50: {  	_ =	swait.ge [sflag:s7], $0x1000  }
0x51: {  	[sflag:s7] =	ssyncset.done $0x0  }
0x52: {  	s25 =	rddreg [dreg:$0xb];
	[sflag:s7] =	ssyncadd.s32 $0xFFFFF000  }
0x53: {  	[spmem:s25] =	stream.linear.scatter [tilespmem:s6], [sflag:$0x3], $0x1000, $0x38;
	[tilespmem:$0x1DB00] =	vst v63  }
0x54: {  	_ =	swait.ge [sflag:s7], $0x1000  }
0x55: {  	[sflag:s7] =	ssyncset.done $0x0  }
0x56: {  	s26 =	rddreg [dreg:$0xc];
	[sflag:s7] =	ssyncadd.s32 $0xFFFFF000  }
0x57: {  	[spmem:s26] =	stream.linear.scatter [tilespmem:s6], [sflag:$0x3], $0x1000, $0x38;
	[tilespmem:$0x1DB00] =	vst v63  }
0x58: {  	_ =	swait.ge [sflag:s7], $0x1000  }
0x59: {  	[sflag:s7] =	ssyncset.done $0x0  }
0x5a: {  	s28 =	rddreg [dreg:$0xd];
	[sflag:s7] =	ssyncadd.s32 $0xFFFFF000  }
0x5b: {  	[spmem:s28] =	stream.linear.scatter [tilespmem:s6], [sflag:$0x3], $0x1000, $0x38;
	[tilespmem:$0x1DB00] =	vst v63  }
0x5c: {  	_ =	swait.ge [sflag:s7], $0x1000  }
0x5d: {  	[sflag:s7] =	ssyncset.done $0x0  }
0x5e: {  	s29 =	rddreg [dreg:$0xe];
	[sflag:s7] =	ssyncadd.s32 $0xFFFFF000  }
0x5f: {  	[spmem:s29] =	stream.linear.scatter [tilespmem:s6], [sflag:$0x3], $0x1000, $0x38;
	[tilespmem:$0x1DB00] =	vst v63  }
0x60: {  	_ =	swait.ge [sflag:s7], $0x1000  }
0x61: {  	[sflag:s7] =	ssyncset.done $0x0  }
0x62: {  	s25 =	rddreg [dreg:$0x11];
	[sflag:s7] =	ssyncadd.s32 $0xFFFFF000  }
0x63: {  	[spmem:s25] =	stream.linear.scatter [tilespmem:s6], [sflag:$0x3], $0x1000, $0x38;
	[tilespmem:$0x1DB00] =	vst v63  }
0x64: {  	_ =	swait.ge [sflag:s7], $0x1000  }
0x65: {  	[sflag:s7] =	ssyncset.done $0x0  }
0x66: {  	s26 =	rddreg [dreg:$0x14];
	[sflag:s7] =	ssyncadd.s32 $0xFFFFF000  }
0x67: {  	[spmem:s26] =	stream.linear.scatter [tilespmem:s6], [sflag:$0x3], $0x1000, $0x38;
	[tilespmem:$0x1DB00] =	vst v63  }
0x68: {  	_ =	swait.ge [sflag:s7], $0x1000  }
0x69: {  	[sflag:s7] =	ssyncset.done $0x0  }
0x6a: {  	s28 =	rddreg [dreg:$0x15];
	[sflag:s7] =	ssyncadd.s32 $0xFFFFF000  }
0x6b: {  	[spmem:s28] =	stream.linear.scatter [tilespmem:s6], [sflag:$0x3], $0x1000, $0x38;
	[tilespmem:$0x1DB00] =	vst v63  }
0x6c: {  	_ =	swait.ge [sflag:s7], $0x1000  }
0x6d: {  	[sflag:s7] =	ssyncset.done $0x0  }
0x6e: {  	s29 =	rddreg [dreg:$0x16];
	[sflag:s7] =	ssyncadd.s32 $0xFFFFF000  }
0x6f: {  	[spmem:s29] =	stream.linear.scatter [tilespmem:s6], [sflag:$0x3], $0x1000, $0x38;
	[tilespmem:$0x1DB00] =	vst v63  }
0x70: {  	_ =	swait.ge [sflag:s7], $0x1000  }
0x71: {  	[sflag:s7] =	ssyncset.done $0x0  }
0x72: {  	[sflag:s7] =	ssyncadd.s32 $0xFFFFF000  }
0x73: {  	[spmem:s30] =	stream.linear.scatter [tilespmem:s6], [sflag:$0x3], $0x1000, $0x38;
	[tilespmem:$0x1DB00] =	vst v63  }
0x74: {  	_ =	swait.ge [sflag:s7], $0x1000  }
0x75: {  	[sflag:s7] =	ssyncset.done $0x0  }
0x76: {  	[sflag:s7] =	ssyncadd.s32 $0xFFFFF000  }
0x77: {  	[spmem:s31] =	stream.linear.scatter [tilespmem:s6], [sflag:$0x3], $0x1000, $0x38;
	[tilespmem:$0x1DB00] =	vst v63  }
0x78: {  	_ =	swait.ge [sflag:s7], $0x1000  }
0x79: {  	[sflag:s7] =	ssyncset.done $0x0  }
0x7a: {  	[sflag:s7] =	ssyncadd.s32 $0xFFFFF000  }
0x7b: {  	[spmem:s0] =	stream.linear.scatter [tilespmem:s6], [sflag:$0x3], $0x1000, $0x38;
	[tilespmem:$0x1DB00] =	vst v63  }
0x7c: {  	_ =	swait.ge [sflag:s7], $0x1000  }
0x7d: {  	[sflag:s7] =	ssyncset.done $0x0  }
0x7e: {  	[sflag:s7] =	ssyncadd.s32 $0xFFFFF000  }
0x7f: {  	[spmem:s2] =	stream.linear.scatter [tilespmem:s6], [sflag:$0x3], $0x1000, $0x38;
	[tilespmem:$0x1DB00] =	vst v63  }
0x80: {  	_ =	swait.ge [sflag:s7], $0x1000  }
0x81: {  	[sflag:s7] =	ssyncset.done $0x0  }
0x82: {  	[sflag:s7] =	ssyncadd.s32 $0xFFFFF000  }
0x83: {  	s25 =	sadd.s32 $0x0, s20;
	[bflag:$0x0] =	sbarrier.arrive $0xFFFF  }
0x84: {  	[tilespmem:s3], [sflag:$0x3] =	stream.linear.gather [hbm4b:s25+s3], $0x80, $0x38;
	[tilespmem:$0x1DB00] =	vst v63  }
0x85: {  	_ =	swait.ge [sflag:s7], $0x80  }
0x86: {  	[sflag:s7] =	ssyncset.done $0x0  }
0x87: {  	[sflag:s7] =	ssyncadd.s32 $0xFFFFFF80  }
0x88: {  	[tilespmem:s9], [sflag:$0x1] =	stream.indirect.gather [hbm4b:s4+s8], $0x80, s3, s8, $0xb8;
	[tilespmem:$0x1DB00] =	vst v63  }
0x89: {  	s26 =	sadd.s32 $0x0, s19  }
0x8a: {  	[tilespmem:s8], [sflag:$0x3] =	stream.linear.gather [hbm4b:s26+s3], $0x80, $0x38;
	[tilespmem:$0x1DB00] =	vst v63  }
0x8b: {  	_ =	swait.ge [sflag:s7], $0x80  }
0x8c: {  	[sflag:s7] =	ssyncset.done $0x0  }
0x8d: {  	s28 =	sadd.s32 $0x0, s22;
	[sflag:s7] =	ssyncadd.s32 $0xFFFFFF80  }
0x8e: {  	[tilespmem:s10], [sflag:$0x3] =	stream.linear.gather [hbm4b:s28+s3], $0x80, $0x38;
	[tilespmem:$0x1DB00] =	vst v63  }
0x8f: {  	_ =	swait.ge [sflag:s7], $0x80  }
0x90: {  	[sflag:s7] =	ssyncset.done $0x0  }
0x91: {  	[sflag:s7] =	ssyncadd.s32 $0xFFFFFF80  }
0x92: {  	[tilespmem:s11], [sflag:$0x2] =	stream.indirect.gather [hbm4b:s4+s8], $0x80, s10, s8, $0xb8;
	[tilespmem:$0x1DB00] =	vst v63  }
0x93: {  	s29 =	sadd.s32 $0x0, s21  }
0x94: {  	[tilespmem:s12], [sflag:$0x3] =	stream.linear.gather [hbm4b:s29+s3], $0x80, $0x38;
	[tilespmem:$0x1DB00] =	vst v63  }
0x95: {  	_ =	swait.ge [sflag:s7], $0x80  }
0x96: {  	[sflag:s7] =	ssyncset.done $0x0  }
0x97: {  	[sflag:s7] =	ssyncadd.s32 $0xFFFFFF80  }
0x98: {  	_ =	swait.ge [sflag:s13], $0x4000  }
0x99: {  	[sflag:s13] =	ssyncset.done $0x0  }
0x9a: {  	[sflag:s13] =	ssyncadd.s32 $0xFFFFC000  }
0x9b: {  	[spmem:s1] =	stream.indirect.scatter.add.f32 [tilespmem:s9], [sflag:$0x3], $0x80, s8, s8, $0xb8;
	[tilespmem:$0x1DB00] =	vst v63  }
0x9c: {  	_ =	swait.ge [sflag:s7], $0x4000  }
0x9d: {  	[sflag:s7] =	ssyncset.done $0x0  }
0x9e: {  	[sflag:s7] =	ssyncadd.s32 $0xFFFFC000  }
0x9f: {  	_ =	swait.ge [sflag:s14], $0x4000  }
0xa0: {  	[sflag:s14] =	ssyncset.done $0x0  }
0xa1: {  	[sflag:s14] =	ssyncadd.s32 $0xFFFFC000  }
0xa2: {  	[spmem:s1] =	stream.indirect.scatter.add.f32 [tilespmem:s11], [sflag:$0x3], $0x80, s12, s8, $0xb8;
	[tilespmem:$0x1DB00] =	vst v63  }
0xa3: {  	_ =	swait.ge [sflag:s7], $0x4000  }
0xa4: {  	s24 =	simm.s32 $0x20;
	s25 =	simm.s32 $0x40;
	[sflag:s7] =	ssyncset.done $0x0  }
.LBB2_4:
0xa5: {  	s28 =	sadd.s32 s24, s20  }
0xa6: {  	[sflag:s7] =	ssyncadd.s32 $0xFFFFC000;
	s29 =	smov.u32 s25;
	s26 =	sadd.s32 $0x20, s25  }
0xa7: {  	[tilespmem:s3], [sflag:$0x3] =	stream.linear.gather [hbm4b:s28+s3], $0x80, $0x38;
	[tilespmem:$0x1DB00] =	vst v63  }
0xa8: {  	p0 =	sne.s32 s25, $0x4C0;
	_ =	swait.ge [sflag:s7], $0x80  }
0xa9: {  	[sflag:s7] =	ssyncset.done $0x0  }
0xaa: {  	[sflag:s7] =	ssyncadd.s32 $0xFFFFFF80  }
0xab: {  	[tilespmem:s9], [sflag:$0x1] =	stream.indirect.gather [hbm4b:s4+s8], $0x80, s3, s8, $0xb8;
	[tilespmem:$0x1DB00] =	vst v63  }
0xac: {  	s25 =	sadd.s32 s24, s19  }
0xad: {  	[tilespmem:s8], [sflag:$0x3] =	stream.linear.gather [hbm4b:s25+s3], $0x80, $0x38;
	[tilespmem:$0x1DB00] =	vst v63  }
0xae: {  	_ =	swait.ge [sflag:s7], $0x80  }
0xaf: {  	[sflag:s7] =	ssyncset.done $0x0  }
0xb0: {  	s25 =	sadd.s32 s24, s22;
	[sflag:s7] =	ssyncadd.s32 $0xFFFFFF80  }
0xb1: {  	[tilespmem:s10], [sflag:$0x3] =	stream.linear.gather [hbm4b:s25+s3], $0x80, $0x38;
	[tilespmem:$0x1DB00] =	vst v63  }
0xb2: {  	_ =	swait.ge [sflag:s7], $0x80  }
0xb3: {  	[sflag:s7] =	ssyncset.done $0x0  }
0xb4: {  	[sflag:s7] =	ssyncadd.s32 $0xFFFFFF80  }
0xb5: {  	[tilespmem:s11], [sflag:$0x2] =	stream.indirect.gather [hbm4b:s4+s8], $0x80, s10, s8, $0xb8;
	[tilespmem:$0x1DB00] =	vst v63  }
0xb6: {  	s25 =	sadd.s32 s24, s21;
	s24 =	smov.u32 s29  }
0xb7: {  	[tilespmem:s12], [sflag:$0x3] =	stream.linear.gather [hbm4b:s25+s3], $0x80, $0x38;
	[tilespmem:$0x1DB00] =	vst v63  }
0xb8: {  	_ =	swait.ge [sflag:s7], $0x80  }
0xb9: {  	[sflag:s7] =	ssyncset.done $0x0  }
0xba: {  	[sflag:s7] =	ssyncadd.s32 $0xFFFFFF80  }
0xbb: {  	_ =	swait.ge [sflag:s13], $0x4000  }
0xbc: {  	[sflag:s13] =	ssyncset.done $0x0  }
0xbd: {  	[sflag:s13] =	ssyncadd.s32 $0xFFFFC000  }
0xbe: {  	[spmem:s1] =	stream.indirect.scatter.add.f32 [tilespmem:s9], [sflag:$0x3], $0x80, s8, s8, $0xb8;
	[tilespmem:$0x1DB00] =	vst v63  }
0xbf: {  	_ =	swait.ge [sflag:s7], $0x4000  }
0xc0: {  	[sflag:s7] =	ssyncset.done $0x0  }
0xc1: {  	[sflag:s7] =	ssyncadd.s32 $0xFFFFC000  }
0xc2: {  	_ =	swait.ge [sflag:s14], $0x4000  }
.Ltmp1:
0xc3: {  	[sflag:s14] =	ssyncset.done $0x0;
	(pc) =	sbr.rel @p0 .LBB2_4-.Ltmp1, $4  }
0xc4: {  	[sflag:s14] =	ssyncadd.s32 $0xFFFFC000  }
0xc5: {  	[spmem:s1] =	stream.indirect.scatter.add.f32 [tilespmem:s11], [sflag:$0x3], $0x80, s12, s8, $0xb8;
	[tilespmem:$0x1DB00] =	vst v63  }
0xc6: {  	_ =	swait.ge [sflag:s7], $0x4000  }
0xc7: {  	s25 =	smov.u32 s26;
	[sflag:s7] =	ssyncset.done $0x0  }
0xc8: {  	s25 =	sadd.s32 s24, s20;
	[sflag:s7] =	ssyncadd.s32 $0xFFFFC000  }
0xc9: {  	[tilespmem:s3], [sflag:$0x3] =	stream.linear.gather [hbm4b:s25+s3], $0x80, $0x38;
	[tilespmem:$0x1DB00] =	vst v63  }
0xca: {  	_ =	swait.ge [sflag:s7], $0x80  }
0xcb: {  	[sflag:s7] =	ssyncset.done $0x0  }
0xcc: {  	[sflag:s7] =	ssyncadd.s32 $0xFFFFFF80  }
0xcd: {  	[tilespmem:s9], [sflag:$0x1] =	stream.indirect.gather [hbm4b:s4+s8], $0x80, s3, s8, $0xb8;
	[tilespmem:$0x1DB00] =	vst v63  }
0xce: {  	s29 =	sadd.s32 s24, s19  }
0xcf: {  	[tilespmem:s8], [sflag:$0x3] =	stream.linear.gather [hbm4b:s29+s3], $0x80, $0x38;
	[tilespmem:$0x1DB00] =	vst v63  }
0xd0: {  	_ =	swait.ge [sflag:s7], $0x80  }
0xd1: {  	[sflag:s7] =	ssyncset.done $0x0  }
0xd2: {  	s26 =	sadd.s32 s24, s22;
	[sflag:s7] =	ssyncadd.s32 $0xFFFFFF80  }
0xd3: {  	[tilespmem:s10], [sflag:$0x3] =	stream.linear.gather [hbm4b:s26+s3], $0x80, $0x38;
	[tilespmem:$0x1DB00] =	vst v63  }
0xd4: {  	_ =	swait.ge [sflag:s7], $0x80  }
0xd5: {  	[sflag:s7] =	ssyncset.done $0x0  }
0xd6: {  	[sflag:s7] =	ssyncadd.s32 $0xFFFFFF80  }
0xd7: {  	[tilespmem:s11], [sflag:$0x2] =	stream.indirect.gather [hbm4b:s4+s8], $0x80, s10, s8, $0xb8;
	[tilespmem:$0x1DB00] =	vst v63  }
0xd8: {  	s28 =	sadd.s32 s24, s21  }
0xd9: {  	[tilespmem:s12], [sflag:$0x3] =	stream.linear.gather [hbm4b:s28+s3], $0x80, $0x38;
	[tilespmem:$0x1DB00] =	vst v63  }
0xda: {  	_ =	swait.ge [sflag:s7], $0x80  }
0xdb: {  	[sflag:s7] =	ssyncset.done $0x0  }
0xdc: {  	[sflag:s7] =	ssyncadd.s32 $0xFFFFFF80  }
0xdd: {  	_ =	swait.ge [sflag:s13], $0x4000  }
0xde: {  	[sflag:s13] =	ssyncset.done $0x0  }
0xdf: {  	[sflag:s13] =	ssyncadd.s32 $0xFFFFC000  }
0xe0: {  	[spmem:s1] =	stream.indirect.scatter.add.f32 [tilespmem:s9], [sflag:$0x3], $0x80, s8, s8, $0xb8;
	[tilespmem:$0x1DB00] =	vst v63  }
0xe1: {  	_ =	swait.ge [sflag:s7], $0x4000  }
0xe2: {  	[sflag:s7] =	ssyncset.done $0x0  }
0xe3: {  	[sflag:s7] =	ssyncadd.s32 $0xFFFFC000  }
0xe4: {  	_ =	swait.ge [sflag:s14], $0x4000  }
0xe5: {  	[sflag:s14] =	ssyncset.done $0x0  }
0xe6: {  	[sflag:s14] =	ssyncadd.s32 $0xFFFFC000  }
0xe7: {  	[spmem:s1] =	stream.indirect.scatter.add.f32 [tilespmem:s11], [sflag:$0x3], $0x80, s12, s8, $0xb8;
	[tilespmem:$0x1DB00] =	vst v63  }
0xe8: {  	_ =	swait.ge [sflag:s7], $0x4000  }
0xe9: {  	[sflag:s7] =	ssyncset.done $0x0  }
0xea: {  	s29 =	rddreg [dreg:$0xf];
	[sflag:s7] =	ssyncadd.s32 $0xFFFFC000  }
0xeb: {  	[tilespmem:s15], [sflag:$0x3] =	stream.linear.gather [hbm4b:s29+s3], $0x10, $0x38;
	[tilespmem:$0x1DB00] =	vst v63  }
0xec: {  	_ =	swait.ge [sflag:s7], $0x10  }
0xed: {  	[sflag:s7] =	ssyncset.done $0x0  }
0xee: {  	s25 =	rddreg [dreg:$0x10];
	[sflag:s7] =	ssyncadd.s32 $0xFFFFFFF0  }
0xef: {  	[tilespmem:s16], [sflag:$0x3] =	stream.linear.gather [hbm4b:s25+s3], $0x10, $0x38;
	[tilespmem:$0x1DB00] =	vst v63  }
0xf0: {  	_ =	swait.ge [sflag:s7], $0x10  }
0xf1: {  	[sflag:s7] =	ssyncset.done $0x0  }
0xf2: {  	[sflag:s7] =	ssyncadd.s32 $0xFFFFFFF0  }
0xf3: {  	[tilespmem:s18], [sflag:$0x1] =	stream.indirect.gather [hbm4b:s4+s17], $0x80, s15, s17, $0xb8;
	[tilespmem:$0x1DB00] =	vst v63  }
0xf4: {  	_ =	swait.ge [sflag:s13], $0x800  }
0xf5: {  	[sflag:s13] =	ssyncset.done $0x0  }
0xf6: {  	[sflag:s13] =	ssyncadd.s32 $0xFFFFF800  }
0xf7: {  	[spmem:s1] =	stream.indirect.scatter.add.f32 [tilespmem:s18], [sflag:$0x3], $0x80, s16, s17, $0xb8;
	[tilespmem:$0x1DB00] =	vst v63  }
0xf8: {  	_ =	swait.ge [sflag:s7], $0x800  }
0xf9: {  	[sflag:s7] =	ssyncset.done $0x0  }
0xfa: {  	s26 =	stileid.u32;
	[sflag:s7] =	ssyncadd.s32 $0xFFFFF800  }
0xfb: {  	s24 =	sshll.u32 s26, $0x6;
	[bflag:$0x0] =	sbarrier.arrive $0xFFFF  }
0xfc: {  	s24 =	sor.u32 $0x1C03, s24;
	s28 =	sshrl.u32 s5, $0x3;
	s26 =	rddreg [dreg:$0x12]  }
0xfd: {  	[hbm:s26], [sflag:s24] =	dma.local [spmem:s28], $0x2800  }
0xfe: {  	_ =	swait.ge [sflag:s7], $0x2800  }
0xff: {  	s23 =	sadd.s32 $0x1, s23;
	s29 =	rddreg [dreg:$0x13]  }
0x100: {  	p0 =	sne.s32 s23, s29  }
.Ltmp2:
0x101: {  	_ = 	snop;
	(pc) =	sbr.rel @p0 .LBB2_1-.Ltmp2, $3  }
0x102: {  	_ =	sdelay $0x1  }
0x103: {  	[sflag:s7] =	ssyncset.done $0x0  }
0x104: {  	[sflag:s7] =	ssyncadd.s32 $0xFFFFD800  }
0x105: {  	_ =	sfence.sel $0x180000  }
0x106: {  	[bflag:$0x0] =	sbarrier.arrive $0xFFFF  }
0x107: {  	_ =	strace $0x9000004D  }
0x108: {  	s0 =	stileid.u32;
	[bflag:$0x2] =	sbarrier.arrive $0xFFFF  }
0x109: {  	p0 =	sne.s32 s0, $0x0;
	s0 =	rddreg [dreg:$0x3]  }
0x10a: {  	s0 =	sadd.s32 @!p0 $0x100000, s0  }
0x10b: {  	[sflag:s0] =	ssyncadd.tile.s32 @!p0 $0x1;
	_ =	shalt  }
.Lfunc_end2:
_tile_overlayer_lowered:
.L_overlay_start_2:
0x10c: {  	(tag) =	ssettag $0x2  }
0x10d: {  	s0 =	rddreg [dreg:$0x0];
	s2 =	stileid.u32  }
0x10e: {  	s1 =	rddreg [dreg:$0x1];
	p0 =	sne.s32 s2, $0x0  }
0x10f: {  	s3 =	rddreg [dreg:$0x2];
	[bflag:$0x3] =	sbarrier.arrive $0xFFFF;
	s2 =	simm.s32 @!p0 $0x1C03  }
0x110: {  	[timem:s3], [sflag:s2] =	dma.local @!p0 [hbm:s0], s1  }
0x111: {  	s0 =	simm.s32 @!p0 $0x3  }
0x112: {  	_ =	swait.ge @!p0 [sflag:s0], s1  }
0x113: {  	s1 =	ssub.s32 @!p0 $0x0, s1;
	[sflag:s0] =	ssyncset.done @!p0 $0x0  }
0x114: {  	[sflag:s0] =	ssyncadd.s32 @!p0 s1  }
0x115: {  	[bflag:$0x3] =	sbarrier.arrive $0xFFFF  }
0x116: {  	_ =	shalt  }

// kernel: kernel.7.cloned.1.call-start
scs
__scs_entry_jumppad:
0x0: {  	(pc) =	sbr.rel $0x88, $3  }
0x1: {  	(tag) =	ssettag $0x0;
	lr =	simm.s32 $0x1  }
0x2: {  	[smem:$0x3F99] =	sst lr;
	_ =	strace $0xD0000000  }
0x3: {  	_ = 	snop  }
0x4: {  	_ = 	snop  }
0x5: {  	_ = 	snop  }
0x6: {  	_ = 	snop  }
0x7: {  	_ = 	snop  }
__scs_overlays_trampoline_lowered:
0x8: {  	[smem:$0x3FA8] =	sst s0  }
0x9: {  	[smem:$0x3FA9] =	sst s1  }
0xa: {  	[smem:$0x3FAA] =	sst s2  }
0xb: {  	[smem:$0x3FAB] =	sst s3  }
0xc: {  	[smem:$0x3FAC] =	sst s4  }
0xd: {  	[smem:$0x3FAD] =	sst s5  }
0xe: {  	[smem:$0x3FAE] =	sst s6  }
0xf: {  	[smem:$0x3FAF] =	sst s7  }
0x10: {  	[smem:$0x3FB0] =	sst s8  }
0x11: {  	[smem:$0x3FB1] =	sst s9;
	s0 =	simm.s32 @!p0 $0x0  }
0x12: {  	s1 =	sld [smem:$0x3F97];
	s0 =	simm.s32 @p0 $0x1  }
0x13: {  	[smem:$0x3FB2] =	sst s0;
	s0 =	simm.s32 @!p1 $0x0  }
0x14: {  	s2 =	sld [smem:$0x3F96];
	s0 =	simm.s32 @p1 $0x1  }
0x15: {  	[smem:$0x3FB3] =	sst s0;
	s0 =	simm.s32 @!p2 $0x0  }
0x16: {  	s3 =	sld [smem:$0x3FDB];
	s0 =	simm.s32 @p2 $0x1  }
0x17: {  	s4 =	simm.s32 $0x1BF5;
	[smem:$0x3FB5] =	sst s0  }
0x18: {  	s0 =	sld [smem:$0x3F98];
	_ =	swait.ge [sflag:s4], $0x0  }
0x19: {  	s7 =	sld [smem:$0x3F99]  }
0x1a: {  	s8 =	sadd.s32 $0xFFFFE003, lr  }
0x1b: {  	s9 =	sadd.s32 $0xFFFFFEF7, lr;
	s5 =	simm.s32 $0xFFFFFFFF;
	p2 =	slt.u32 s8, $0xFFFFF086  }
0x1c: {  	p1 =	slt.u32 s9, $0xF7A;
	s5 =	simm.s32 @!p2 $0x0  }
0x1d: {  	s5 =	simm.s32 @p1 $0x1;
	p0 =	seq.s32 s7, s2  }
0x1e: {  	s7 =	smul.u32 @!p0 $0xF7A, s2;
	p2 =	seq.s32 @!p0 s5, $0x0  }
0x1f: {  	s9 =	smul.u32 $0xF7A, s1;
	s8 =	simm.s32 @!p0 $0x1BF5;
	p2 =	por !p2, p0  }
0x20: {  	[sflag:s8] =	ssyncset.s32 @!p0 $0xFFFFF086;
	s6 =	sadd.s32 @!p0 s3, s7;
	s7 =	simm.s32 @!p0 $0x108  }
0x21: {  	s3 =	sadd.s32 s3, s9;
	s6 =	sadd.s32 @!p0 $0x88, s6;
	s7 =	simm.s32 @p2 $0x1082  }
0x22: {  	[simem:s7], [sflag:s8] =	dma.local @!p0 [hbm:s6], $0xF7A  }
0x23: {  	s9 =	sor.u32 $0xD0000000, s2;
	s6 =	simm.s32 $0x108;
	_ =	swait.ge @!p0 [sflag:s8], $0x0  }
0x24: {  	s3 =	sadd.s32 $0x88, s3;
	s6 =	simm.s32 @!p1 $0x1082;
	[sflag:s4] =	ssyncset.s32 $0xFFFFF086  }
0x25: {  	[simem:s6], [sflag:s4] =	dma.local [hbm:s3], $0xF7A  }
0x26: {  	[smem:$0x3F99] =	sst s1;
	(tag) =	ssettag s2;
	_ =	strace s9  }
0x27: {  	s1 =	sld [smem:$0x3FA9]  }
0x28: {  	s2 =	sld [smem:$0x3FAA]  }
0x29: {  	s4 =	sld [smem:$0x3FAC]  }
0x2a: {  	p0 =	seq.s32 s5, $0x0;
	s5 =	sld [smem:$0x3FAD]  }
0x2b: {  	s6 =	sld [smem:$0x3FAE]  }
0x2c: {  	s7 =	sld [smem:$0x3FAF]  }
0x2d: {  	s3 =	simm.s32 $0x108;
	s8 =	sld [smem:$0x3FB0]  }
0x2e: {  	s3 =	simm.s32 @!p0 $0x1082;
	s9 =	sld [smem:$0x3FB1]  }
0x2f: {  	lr =	sadd.s32 s0, s3;
	s0 =	sld [smem:$0x3FA8]  }
0x30: {  	s3 =	sld [smem:$0x3FAB]  }
0x31: {  	[smem:$0x3FB4] =	sst s10  }
0x32: {  	s10 =	sld [smem:$0x3FB2];
	_ =	sdelay $0x3  }
0x33: {  	p0 =	seq.s32 s10, $0x1;
	s10 =	sld [smem:$0x3FB4];
	_ =	sdelay $0x3  }
0x34: {  	[smem:$0x3FB4] =	sst s10  }
0x35: {  	s10 =	sld [smem:$0x3FB3];
	_ =	sdelay $0x3  }
0x36: {  	p1 =	seq.s32 s10, $0x1;
	s10 =	sld [smem:$0x3FB4];
	_ =	sdelay $0x3  }
0x37: {  	[smem:$0x3FB4] =	sst s10  }
0x38: {  	s10 =	sld [smem:$0x3FB5]  }
0x39: {  	_ = 	snop;
	(pc) =	sbr.ind lr, $3  }
0x3a: {  	_ = 	snop  }
0x3b: {  	_ = 	snop  }
0x3c: {  	p2 =	seq.s32 s10, $0x1;
	s10 =	sld [smem:$0x3FB4]  }
0x3d: {  	_ =	shalt  }
0x3e: {  	_ =	shalt  }
0x3f: {  	_ =	shalt  }
0x40: {  	_ =	shalt  }
0x41: {  	_ =	shalt  }
0x42: {  	_ =	shalt  }
0x43: {  	_ =	shalt  }
0x44: {  	_ =	shalt  }
0x45: {  	_ =	shalt  }
0x46: {  	_ =	shalt  }
0x47: {  	_ =	shalt  }
0x48: {  	_ =	shalt  }
0x49: {  	_ =	shalt  }
0x4a: {  	_ =	shalt  }
0x4b: {  	_ =	shalt  }
0x4c: {  	_ =	shalt  }
0x4d: {  	_ =	shalt  }
0x4e: {  	_ =	shalt  }
0x4f: {  	_ =	shalt  }
0x50: {  	_ =	shalt  }
0x51: {  	_ =	shalt  }
0x52: {  	_ =	shalt  }
0x53: {  	_ =	shalt  }
0x54: {  	_ =	shalt  }
0x55: {  	_ =	shalt  }
0x56: {  	_ =	shalt  }
0x57: {  	_ =	shalt  }
0x58: {  	_ =	shalt  }
0x59: {  	_ =	shalt  }
0x5a: {  	_ =	shalt  }
0x5b: {  	_ =	shalt  }
0x5c: {  	_ =	shalt  }
0x5d: {  	_ =	shalt  }
0x5e: {  	_ =	shalt  }
0x5f: {  	_ =	shalt  }
0x60: {  	_ =	shalt  }
0x61: {  	_ =	shalt  }
0x62: {  	_ =	shalt  }
0x63: {  	_ =	shalt  }
0x64: {  	_ =	shalt  }
0x65: {  	_ =	shalt  }
0x66: {  	_ =	shalt  }
0x67: {  	_ =	shalt  }
0x68: {  	_ =	shalt  }
0x69: {  	_ =	shalt  }
0x6a: {  	_ =	shalt  }
0x6b: {  	_ =	shalt  }
0x6c: {  	_ =	shalt  }
0x6d: {  	_ =	shalt  }
0x6e: {  	_ =	shalt  }
0x6f: {  	_ =	shalt  }
0x70: {  	_ =	shalt  }
0x71: {  	_ =	shalt  }
0x72: {  	_ =	shalt  }
0x73: {  	_ =	shalt  }
0x74: {  	_ =	shalt  }
0x75: {  	_ =	shalt  }
0x76: {  	_ =	shalt  }
0x77: {  	_ =	shalt  }
0x78: {  	_ =	shalt  }
0x79: {  	_ =	shalt  }
0x7a: {  	_ =	shalt  }
0x7b: {  	_ =	shalt  }
0x7c: {  	_ =	shalt  }
0x7d: {  	_ =	shalt  }
0x7e: {  	_ =	shalt  }
0x7f: {  	_ =	shalt  }
0x80: {  	_ =	shalt  }
0x81: {  	_ =	shalt  }
0x82: {  	_ =	shalt  }
0x83: {  	_ =	shalt  }
0x84: {  	_ =	shalt  }
0x85: {  	_ =	shalt  }
0x86: {  	_ =	shalt  }
0x87: {  	_ =	shalt  }
.Lfunc_end0:
.L_simem_size_0:
called_computation_lowered:
.L_overlay_start_0:
0x88: {  	s2 =	sld [smem:$0x3FD9]  }
0x89: {  	s3 =	sld [smem:$0x3FFE];
	_ =	sdelay $0x1  }
0x8a: {  	s1 =	srdreg.scid  }
0x8b: {  	s0 =	sand.u32 $0x1, s1  }
0x8c: {  	s17 =	sshll.u32 s0, $0xA;
	s2 =	sadd.s32 s3, s2  }
0x8d: {  	s2 =	sadd.s32 s2, s17  }
0x8e: {  	[smem:$0x3FC0] =	sst s2  }
0x8f: {  	_ = 	snop  }
0x90: {  	s4 =	sld [smem:$0x3FC9]  }
0x91: {  	s18 =	sld [smem:$0x3FD0];
	(tm) =	ssettm $0x1  }
0x92: {  	s19 =	sld [smem:$0x3FFB];
	_ =	sdelay $0x3  }
0x93: {  	_ =	strace s19  }
0x94: {  	s2 =	sld [smem:$0x3FFC];
	_ =	sdelay $0x3  }
0x95: {  	_ =	strace s2  }
0x96: {  	s2 =	sld [smem:$0x3FFD];
	_ =	sdelay $0x3  }
0x97: {  	_ =	strace s2  }
0x98: {  	_ =	strace $0x8FFFFFFF  }
0x99: {  	s20 =	sld [smem:$0x3FDB];
	_ =	sdelay $0x1  }
0x9a: {  	s5 =	simm.s32 $_scs_section_size  }
0x9b: {  	s6 =	simm.s32 $_size__tile_overlayer_lowered;
	s7 =	simm.s32 $_tile_overlayer_lowered  }
0x9c: {  	s8 =	simm.s32 $0x1BFF;
	s21 =	sshll.u32 s7, $0x1;
	s5 =	sadd.s32 s5, s20  }
0x9d: {  	s22 =	simm.s32 $0x0;
	s6 =	sshll.u32 s6, $0x1;
	s7 =	sadd.s32 s21, s5  }
0x9e: {  	[timem:s22], [sflag:s8] =	dma.local [hbm:s7], s6  }
0x9f: {  	_ =	swait.ge [sflag:s8], s6  }
0xa0: {  	s6 =	ssub.s32 $0x0, s6;
	[sflag:s8] =	ssyncset.done $0x0  }
0xa1: {  	[sflag:s8] =	ssyncadd.s32 s6;
	_ =	sdelay $0x1  }
0xa2: {  	s23 =	simm.s32 $0x1B8B  }
0xa3: {  	_ =	swait.ge [sflag:s23], $0x1  }
0xa4: {  	[sflag:s23] =	ssyncset.done $0x0  }
0xa5: {  	[sflag:s23] =	ssyncadd.s32 $0xFFFFFFFF  }
0xa6: {  	s6 =	sld [smem:$0x0]  }
0xa7: {  	s7 =	sand.u32 $0xFFFFFFFE, s1  }
0xa8: {  	p0 =	sne.s32 s1, s7  }
0xa9: {  	s7 =	sshll.u32 @p0 s7, $0xE  }
0xaa: {  	s7 =	sadd.s32 @p0 $0x11B8D, s7;
	s8 =	sshll.u32 @p0 s6, $0x11  }
0xab: {  	s7 =	sor.u32 @p0 s8, s7  }
0xac: {  	[sflag:s7] =	ssyncadd.remote.s32 @p0 $0x1;
	_ =	sdelay $0x1  }
0xad: {  	s7 =	simm.s32 @p0 $0x1B8D  }
0xae: {  	_ =	swait.eq @p0 [sflag:s7], $0x1  }
0xaf: {  	[sflag:s7] =	ssyncadd.s32 @p0 $0xFFFFFFFF  }
0xb0: {  	s8 =	sshll.u32 @!p0 s1, $0xE  }
0xb1: {  	s8 =	sor.u32 @!p0 $0x4000, s8;
	s7 =	simm.s32 @!p0 $0x1B8D  }
0xb2: {  	s6 =	sshll.u32 @!p0 s6, $0x11;
	s8 =	sadd.s32 @!p0 $0x11B8D, s8;
	_ =	swait.eq @!p0 [sflag:s7], $0x1  }
0xb3: {  	s6 =	sor.u32 @!p0 s6, s8;
	[sflag:s7] =	ssyncadd.s32 @!p0 $0xFFFFFFFF  }
0xb4: {  	s25 =	simm.s32 $0x1B8E;
	s24 =	sld [smem:$0x3FFE];
	[sflag:s6] =	ssyncadd.remote.s32 @!p0 $0x1  }
0xb5: {  	s26 =	simm.s32 $execute0_lowered;
	[smem:$0x3FD2] =	sst s25  }
0xb6: {  	s7 =	sshll.u32 s26, $0x1;
	_ =	strace $0x80000049;
	[dreg:$0x1] =	wrdreg $0xFFFFFFFF  }
0xb7: {  	s28 =	simm.s32 $_size_execute0_lowered;
	s5 =	sadd.s32 s5, s7;
	[dreg:$0x0] =	wrdreg $0x0  }
0xb8: {  	s7 =	sshll.u32 s28, $0x1;
	[dreg:$0x2] =	wrdreg s5  }
0xb9: {  	[dreg:$0x3] =	wrdreg s7  }
0xba: {  	[dreg:$0x4] =	wrdreg $0xC0  }
0xbb: {  	_ =	task [dreg:s22], $0x5FFFF  }
0xbc: {  	[dreg:$0x1] =	wrdreg $0xFFFFFFFF  }
0xbd: {  	[dreg:$0x0] =	wrdreg $0x60  }
0xbe: {  	[dreg:$0x2] =	wrdreg s4  }
0xbf: {  	[dreg:$0x3] =	wrdreg s24  }
0xc0: {  	[dreg:$0x4] =	wrdreg s18  }
0xc1: {  	[dreg:$0x5] =	wrdreg $0x9B000  }
0xc2: {  	[dreg:$0x6] =	wrdreg $0x9  }
0xc3: {  	_ =	task.clear_ibuf [dreg:s22], $0x7FFFF;
	_ =	strace $0x90000049  }
0xc4: {  	s29 =	simm.s32 $0x9;
	_ =	strace $0x8000004B  }
0xc5: {  	_ =	swait.ge [sflag:s29], $0x1  }
0xc6: {  	[sflag:s29] =	ssyncadd.s32 $0xFFFFFFFF  }
0xc7: {  	_ =	strace $0x9000004B  }
0xc8: {  	_ =	sfence  }
0xc9: {  	s30 =	sld [smem:$0x0];
	_ =	sdelay $0x2  }
0xca: {  	s31 =	sshll.u32 s1, $0xD;
	s1 =	sshrl.u32 s1, $0x2  }
0xcb: {  	s4 =	sand.u32 $0x4000, s31;
	s1 =	sadd.s32 s1, s30  }
0xcc: {  	s0 =	sor.u32 s4, s0;
	s1 =	sshll.u32 s1, $0x11  }
0xcd: {  	s0 =	sor.u32 s1, s0  }
0xce: {  	s0 =	sadd.s32 $0x8F2B, s0  }
0xcf: {  	[sflag:s0] =	ssyncadd.remote.s32 $0x1  }
0xd0: {  	_ =	sfence.sel $0xFFFF  }
0xd1: {  	[dreg:$0x0] =	wrdreg $0xFFFFFFFF;
	(pc) =	sbr.abs _section_cstart, $3  }
0xd2: {  	[dreg:$0x1] =	wrdreg $0xFFFFFFFF  }
0xd3: {  	_ =	task.clear_ibuf [dreg:s22], $0x2FFFF;
	_ =	strace $0x9FFFFFFF  }
0xd4: {  	(tm) =	ssettm $0x7FFFFFFF  }
0xd5: {  	_ =	shalt  }
tec
execute0_lowered:
.L_overlay_start_1:
0x0: {  	(tag) =	ssettag $0x1  }
0x1: {  	s0 =	rddreg [dreg:$0x0]  }
0x2: {  	s1 =	rddreg [dreg:$0x1]  }
0x3: {  	s2 =	rddreg [dreg:$0x2];
	s11 =	stileid.u32  }
0x4: {  	s4 =	srdreg.scid;
	s7 =	smul.u32 $0x14000, s11  }
0x5: {  	s3 =	rddreg [dreg:$0x3];
	s6 =	sand.u32 $0x1, s4;
	s24 =	smul.u32 $0x50000, s11  }
0x6: {  	s4 =	simm.s32 $0x0;
	s8 =	sadd.s32 $0x2400, s1;
	s16 =	smul.u32 $0x4E20, s11  }
0x7: {  	s10 =	sshll.u32 s11, $0x1;
	s11 =	simm.s32 $0x4200;
	s5 =	smul.u32 $0x140000, s6  }
0x8: {  	[smem:$0x7FF] =	sst s4;
	s9 =	ssub.s32 $0x2, s6;
	s26 =	sor.u32 s6, s10  }
0x9: {  	s6 =	smul.u32 $0x2710, s6;
	s25 =	sshrl.u32 s9, $0x1;
	s5 =	sadd.s32 s7, s5  }
0xa: {  	s7 =	sshrl.u32 s24, $0x2;
	s9 =	ssub.s32 s9, s25;
	s5 =	sshrl.u32 s5, $0x3  }
0xb: {  	s25 =	smax.u32 s9, $0x1;
	s1 =	sadd.s32 s5, s1;
	s5 =	sadd.s32 s7, s3  }
0xc: {  	_ =	strace $0x8000004A;
	[dreg:$0x14] =	wrdreg s25;
	s28 =	sadd.s32 $0x1000, s5  }
0xd: {  	s10 =	simm.s32 $0x4100;
	s29 =	sadd.s32 $0x2000, s5;
	[dreg:$0x5] =	wrdreg s28  }
0xe: {  	s6 =	sadd.s32 s6, s16;
	s12 =	sadd.s32 $0x3000, s5;
	[dreg:$0x6] =	wrdreg s29  }
0xf: {  	s16 =	simm.s32 $0x8280;
	s13 =	sadd.s32 $0x4000, s5;
	[dreg:$0x7] =	wrdreg s12  }
0x10: {  	s23 =	sshrl.u32 s6, $0x3;
	s14 =	sadd.s32 $0x5000, s5;
	[dreg:$0x8] =	wrdreg s13  }
0x11: {  	s6 =	sadd.s32 $0x80, s6;
	s15 =	sadd.s32 $0x6000, s5;
	[dreg:$0x9] =	wrdreg s14  }
0x12: {  	s9 =	simm.s32 $0x100;
	s17 =	sadd.s32 $0x7000, s5;
	[dreg:$0xa] =	wrdreg s15  }
0x13: {  	s7 =	smul.u32 $0x2710, s26;
	s18 =	sadd.s32 $0x8000, s5;
	[dreg:$0xb] =	wrdreg s17  }
0x14: {  	s6 =	sshrl.u32 s6, $0x3;
	s19 =	sadd.s32 $0x9000, s5;
	[dreg:$0xc] =	wrdreg s18  }
0x15: {  	s20 =	sadd.s32 $0xA000, s5;
	s21 =	sadd.s32 $0xB000, s5;
	[dreg:$0xd] =	wrdreg s19  }
0x16: {  	s24 =	sadd.s32 $0xC000, s5;
	s1 =	sadd.s32 $0x83400, s1;
	[dreg:$0xe] =	wrdreg s20  }
0x17: {  	s26 =	sadd.s32 $0xD000, s5;
	s30 =	sadd.s32 $0x10000, s5;
	[dreg:$0xf] =	wrdreg s21  }
0x18: {  	s31 =	sadd.s32 $0x11000, s5;
	s7 =	sshrl.u32 s7, $0x3;
	[dreg:$0x12] =	wrdreg s24  }
0x19: {  	s19 =	sadd.s32 s23, s2;
	s20 =	sadd.s32 s23, s8;
	[dreg:$0x13] =	wrdreg s1  }
0x1a: {  	s21 =	sadd.s32 s6, s2;
	[dreg:$0x15] =	wrdreg s26;
	s28 =	sadd.s32 $0xE000, s5  }
0x1b: {  	s29 =	sadd.s32 $0xF000, s5;
	s1 =	sadd.s32 $0x12000, s5;
	s12 =	simm.s32 $0x4180  }
0x1c: {  	s13 =	simm.s32 $0x1;
	s14 =	simm.s32 $0x2;
	s15 =	simm.s32 $0x8200  }
0x1d: {  	s17 =	simm.s32 $0x10;
	s7 =	sadd.s32 $0x4E0, s7;
	[dreg:$0x16] =	wrdreg s28  }
0x1e: {  	s18 =	simm.s32 $0x8300;
	[dreg:$0x17] =	wrdreg s29;
	s22 =	sadd.s32 s8, s7  }
0x1f: {  	s23 =	simm.s32 $0x0;
	s7 =	sadd.s32 s2, s7;
	[dreg:$0x10] =	wrdreg s22  }
0x20: {  	s2 =	sadd.s32 $0x13000, s5;
	[dreg:$0x11] =	wrdreg s7;
	s22 =	sadd.s32 s6, s8  }
0x21: {  	v0 =	vimm.f32 $0.0e+00;
	s6 =	simm.s32 $0x8B00;
	s7 =	simm.s32 $0x3;
	s8 =	simm.s32 $0x80  }
.LBB2_1:
0x22: {  	s24 =	simm.s32 $0x0;
	s25 =	simm.s32 $0x200  }
.LBB2_2:
0x23: {  	p0 =	sne.s32 s25, $0x3E00;
	[tilespmem:s24+$0x8B70] =	vst v0  }
0x24: {  	[tilespmem:s24+$0x8B00] =	vst v0  }
0x25: {  	[tilespmem:s24+$0x8B10] =	vst v0  }
.Ltmp0:
0x26: {  	[tilespmem:s24+$0x8B20] =	vst v0;
	(pc) =	sbr.rel @p0 .LBB2_2-.Ltmp0, $4  }
0x27: {  	[tilespmem:s24+$0x8B30] =	vst v0  }
0x28: {  	[tilespmem:s24+$0x8B40] =	vst v0  }
0x29: {  	[tilespmem:s24+$0x8B50] =	vst v0  }
0x2a: {  	[tilespmem:s24+$0x8B60] =	vst v0;
	s24 =	sshra.s32 s25, $0x2;
	s25 =	sadd.s32 $0x200, s25  }
0x2b: {  	[tilespmem:s24+$0x8B70] =	vst v0  }
0x2c: {  	[tilespmem:s24+$0x8B00] =	vst v0  }
0x2d: {  	[tilespmem:s24+$0x8B10] =	vst v0  }
0x2e: {  	[tilespmem:s24+$0x8B20] =	vst v0  }
0x2f: {  	[tilespmem:s24+$0x8B30] =	vst v0  }
0x30: {  	[tilespmem:s24+$0x8B40] =	vst v0  }
0x31: {  	[tilespmem:s24+$0x8B50] =	vst v0  }
0x32: {  	[tilespmem:s24+$0x8B60] =	vst v0  }
0x33: {  	[spmem:s5] =	stream.linear.scatter [tilespmem:s6], [sflag:$0x3], $0x1000, $0x38;
	[tilespmem:$0x1DB00] =	vst v63  }
0x34: {  	_ =	swait.ge [sflag:s7], $0x1000  }
0x35: {  	[sflag:s7] =	ssyncset.done $0x0  }
0x36: {  	s26 =	rddreg [dreg:$0x5];
	[sflag:s7] =	ssyncadd.s32 $0xFFFFF000  }
0x37: {  	[spmem:s26] =	stream.linear.scatter [tilespmem:s6], [sflag:$0x3], $0x1000, $0x38;
	[tilespmem:$0x1DB00] =	vst v63  }
0x38: {  	_ =	swait.ge [sflag:s7], $0x1000  }
0x39: {  	[sflag:s7] =	ssyncset.done $0x0  }
0x3a: {  	s28 =	rddreg [dreg:$0x6];
	[sflag:s7] =	ssyncadd.s32 $0xFFFFF000  }
0x3b: {  	[spmem:s28] =	stream.linear.scatter [tilespmem:s6], [sflag:$0x3], $0x1000, $0x38;
	[tilespmem:$0x1DB00] =	vst v63  }
0x3c: {  	_ =	swait.ge [sflag:s7], $0x1000  }
0x3d: {  	[sflag:s7] =	ssyncset.done $0x0  }
0x3e: {  	s29 =	rddreg [dreg:$0x7];
	[sflag:s7] =	ssyncadd.s32 $0xFFFFF000  }
0x3f: {  	[spmem:s29] =	stream.linear.scatter [tilespmem:s6], [sflag:$0x3], $0x1000, $0x38;
	[tilespmem:$0x1DB00] =	vst v63  }
0x40: {  	_ =	swait.ge [sflag:s7], $0x1000  }
0x41: {  	[sflag:s7] =	ssyncset.done $0x0  }
0x42: {  	s25 =	rddreg [dreg:$0x8];
	[sflag:s7] =	ssyncadd.s32 $0xFFFFF000  }
0x43: {  	[spmem:s25] =	stream.linear.scatter [tilespmem:s6], [sflag:$0x3], $0x1000, $0x38;
	[tilespmem:$0x1DB00] =	vst v63  }
0x44: {  	_ =	swait.ge [sflag:s7], $0x1000  }
0x45: {  	[sflag:s7] =	ssyncset.done $0x0  }
0x46: {  	s26 =	rddreg [dreg:$0x9];
	[sflag:s7] =	ssyncadd.s32 $0xFFFFF000  }
0x47: {  	[spmem:s26] =	stream.linear.scatter [tilespmem:s6], [sflag:$0x3], $0x1000, $0x38;
	[tilespmem:$0x1DB00] =	vst v63  }
0x48: {  	_ =	swait.ge [sflag:s7], $0x1000  }
0x49: {  	[sflag:s7] =	ssyncset.done $0x0  }
0x4a: {  	s28 =	rddreg [dreg:$0xa];
	[sflag:s7] =	ssyncadd.s32 $0xFFFFF000  }
0x4b: {  	[spmem:s28] =	stream.linear.scatter [tilespmem:s6], [sflag:$0x3], $0x1000, $0x38;
	[tilespmem:$0x1DB00] =	vst v63  }
0x4c: {  	_ =	swait.ge [sflag:s7], $0x1000  }
0x4d: {  	[sflag:s7] =	ssyncset.done $0x0  }
0x4e: {  	s29 =	rddreg [dreg:$0xb];
	[sflag:s7] =	ssyncadd.s32 $0xFFFFF000  }
0x4f: {  	[spmem:s29] =	stream.linear.scatter [tilespmem:s6], [sflag:$0x3], $0x1000, $0x38;
	[tilespmem:$0x1DB00] =	vst v63  }
0x50: {  	_ =	swait.ge [sflag:s7], $0x1000  }
0x51: {  	[sflag:s7] =	ssyncset.done $0x0  }
0x52: {  	s25 =	rddreg [dreg:$0xc];
	[sflag:s7] =	ssyncadd.s32 $0xFFFFF000  }
0x53: {  	[spmem:s25] =	stream.linear.scatter [tilespmem:s6], [sflag:$0x3], $0x1000, $0x38;
	[tilespmem:$0x1DB00] =	vst v63  }
0x54: {  	_ =	swait.ge [sflag:s7], $0x1000  }
0x55: {  	[sflag:s7] =	ssyncset.done $0x0  }
0x56: {  	s26 =	rddreg [dreg:$0xd];
	[sflag:s7] =	ssyncadd.s32 $0xFFFFF000  }
0x57: {  	[spmem:s26] =	stream.linear.scatter [tilespmem:s6], [sflag:$0x3], $0x1000, $0x38;
	[tilespmem:$0x1DB00] =	vst v63  }
0x58: {  	_ =	swait.ge [sflag:s7], $0x1000  }
0x59: {  	[sflag:s7] =	ssyncset.done $0x0  }
0x5a: {  	s28 =	rddreg [dreg:$0xe];
	[sflag:s7] =	ssyncadd.s32 $0xFFFFF000  }
0x5b: {  	[spmem:s28] =	stream.linear.scatter [tilespmem:s6], [sflag:$0x3], $0x1000, $0x38;
	[tilespmem:$0x1DB00] =	vst v63  }
0x5c: {  	_ =	swait.ge [sflag:s7], $0x1000  }
0x5d: {  	[sflag:s7] =	ssyncset.done $0x0  }
0x5e: {  	s29 =	rddreg [dreg:$0xf];
	[sflag:s7] =	ssyncadd.s32 $0xFFFFF000  }
0x5f: {  	[spmem:s29] =	stream.linear.scatter [tilespmem:s6], [sflag:$0x3], $0x1000, $0x38;
	[tilespmem:$0x1DB00] =	vst v63  }
0x60: {  	_ =	swait.ge [sflag:s7], $0x1000  }
0x61: {  	[sflag:s7] =	ssyncset.done $0x0  }
0x62: {  	s25 =	rddreg [dreg:$0x12];
	[sflag:s7] =	ssyncadd.s32 $0xFFFFF000  }
0x63: {  	[spmem:s25] =	stream.linear.scatter [tilespmem:s6], [sflag:$0x3], $0x1000, $0x38;
	[tilespmem:$0x1DB00] =	vst v63  }
0x64: {  	_ =	swait.ge [sflag:s7], $0x1000  }
0x65: {  	[sflag:s7] =	ssyncset.done $0x0  }
0x66: {  	s26 =	rddreg [dreg:$0x15];
	[sflag:s7] =	ssyncadd.s32 $0xFFFFF000  }
0x67: {  	[spmem:s26] =	stream.linear.scatter [tilespmem:s6], [sflag:$0x3], $0x1000, $0x38;
	[tilespmem:$0x1DB00] =	vst v63  }
0x68: {  	_ =	swait.ge [sflag:s7], $0x1000  }
0x69: {  	[sflag:s7] =	ssyncset.done $0x0  }
0x6a: {  	s28 =	rddreg [dreg:$0x16];
	[sflag:s7] =	ssyncadd.s32 $0xFFFFF000  }
0x6b: {  	[spmem:s28] =	stream.linear.scatter [tilespmem:s6], [sflag:$0x3], $0x1000, $0x38;
	[tilespmem:$0x1DB00] =	vst v63  }
0x6c: {  	_ =	swait.ge [sflag:s7], $0x1000  }
0x6d: {  	[sflag:s7] =	ssyncset.done $0x0  }
0x6e: {  	s29 =	rddreg [dreg:$0x17];
	[sflag:s7] =	ssyncadd.s32 $0xFFFFF000  }
0x6f: {  	[spmem:s29] =	stream.linear.scatter [tilespmem:s6], [sflag:$0x3], $0x1000, $0x38;
	[tilespmem:$0x1DB00] =	vst v63  }
0x70: {  	_ =	swait.ge [sflag:s7], $0x1000  }
0x71: {  	[sflag:s7] =	ssyncset.done $0x0  }
0x72: {  	[sflag:s7] =	ssyncadd.s32 $0xFFFFF000  }
0x73: {  	[spmem:s30] =	stream.linear.scatter [tilespmem:s6], [sflag:$0x3], $0x1000, $0x38;
	[tilespmem:$0x1DB00] =	vst v63  }
0x74: {  	_ =	swait.ge [sflag:s7], $0x1000  }
0x75: {  	[sflag:s7] =	ssyncset.done $0x0  }
0x76: {  	[sflag:s7] =	ssyncadd.s32 $0xFFFFF000  }
0x77: {  	[spmem:s31] =	stream.linear.scatter [tilespmem:s6], [sflag:$0x3], $0x1000, $0x38;
	[tilespmem:$0x1DB00] =	vst v63  }
0x78: {  	_ =	swait.ge [sflag:s7], $0x1000  }
0x79: {  	[sflag:s7] =	ssyncset.done $0x0  }
0x7a: {  	[sflag:s7] =	ssyncadd.s32 $0xFFFFF000  }
0x7b: {  	[spmem:s1] =	stream.linear.scatter [tilespmem:s6], [sflag:$0x3], $0x1000, $0x38;
	[tilespmem:$0x1DB00] =	vst v63  }
0x7c: {  	_ =	swait.ge [sflag:s7], $0x1000  }
0x7d: {  	[sflag:s7] =	ssyncset.done $0x0  }
0x7e: {  	[sflag:s7] =	ssyncadd.s32 $0xFFFFF000  }
0x7f: {  	[spmem:s2] =	stream.linear.scatter [tilespmem:s6], [sflag:$0x3], $0x1000, $0x38;
	[tilespmem:$0x1DB00] =	vst v63  }
0x80: {  	_ =	swait.ge [sflag:s7], $0x1000  }
0x81: {  	[sflag:s7] =	ssyncset.done $0x0  }
0x82: {  	[sflag:s7] =	ssyncadd.s32 $0xFFFFF000  }
0x83: {  	s25 =	sadd.s32 $0x0, s20;
	[bflag:$0x0] =	sbarrier.arrive $0xFFFF  }
0x84: {  	[tilespmem:s4], [sflag:$0x3] =	stream.linear.gather [hbm4b:s25+s4], $0x80, $0x38;
	[tilespmem:$0x1DB00] =	vst v63  }
0x85: {  	_ =	swait.ge [sflag:s7], $0x80  }
0x86: {  	[sflag:s7] =	ssyncset.done $0x0  }
0x87: {  	[sflag:s7] =	ssyncadd.s32 $0xFFFFFF80  }
0x88: {  	[tilespmem:s9], [sflag:$0x1] =	stream.indirect.gather [hbm4b:s0+s8], $0x80, s4, s8, $0xb8;
	[tilespmem:$0x1DB00] =	vst v63  }
0x89: {  	s26 =	sadd.s32 $0x0, s19  }
0x8a: {  	[tilespmem:s8], [sflag:$0x3] =	stream.linear.gather [hbm4b:s26+s4], $0x80, $0x38;
	[tilespmem:$0x1DB00] =	vst v63  }
0x8b: {  	_ =	swait.ge [sflag:s7], $0x80  }
0x8c: {  	[sflag:s7] =	ssyncset.done $0x0  }
0x8d: {  	s28 =	sadd.s32 $0x0, s22;
	[sflag:s7] =	ssyncadd.s32 $0xFFFFFF80  }
0x8e: {  	[tilespmem:s10], [sflag:$0x3] =	stream.linear.gather [hbm4b:s28+s4], $0x80, $0x38;
	[tilespmem:$0x1DB00] =	vst v63  }
0x8f: {  	_ =	swait.ge [sflag:s7], $0x80  }
0x90: {  	[sflag:s7] =	ssyncset.done $0x0  }
0x91: {  	[sflag:s7] =	ssyncadd.s32 $0xFFFFFF80  }
0x92: {  	[tilespmem:s11], [sflag:$0x2] =	stream.indirect.gather [hbm4b:s0+s8], $0x80, s10, s8, $0xb8;
	[tilespmem:$0x1DB00] =	vst v63  }
0x93: {  	s29 =	sadd.s32 $0x0, s21  }
0x94: {  	[tilespmem:s12], [sflag:$0x3] =	stream.linear.gather [hbm4b:s29+s4], $0x80, $0x38;
	[tilespmem:$0x1DB00] =	vst v63  }
0x95: {  	_ =	swait.ge [sflag:s7], $0x80  }
0x96: {  	[sflag:s7] =	ssyncset.done $0x0  }
0x97: {  	[sflag:s7] =	ssyncadd.s32 $0xFFFFFF80  }
0x98: {  	_ =	swait.ge [sflag:s13], $0x4000  }
0x99: {  	[sflag:s13] =	ssyncset.done $0x0  }
0x9a: {  	[sflag:s13] =	ssyncadd.s32 $0xFFFFC000  }
0x9b: {  	[spmem:s3] =	stream.indirect.scatter.add.f32 [tilespmem:s9], [sflag:$0x3], $0x80, s8, s8, $0xb8;
	[tilespmem:$0x1DB00] =	vst v63  }
0x9c: {  	_ =	swait.ge [sflag:s7], $0x4000  }
0x9d: {  	[sflag:s7] =	ssyncset.done $0x0  }
0x9e: {  	[sflag:s7] =	ssyncadd.s32 $0xFFFFC000  }
0x9f: {  	_ =	swait.ge [sflag:s14], $0x4000  }
0xa0: {  	[sflag:s14] =	ssyncset.done $0x0  }
0xa1: {  	[sflag:s14] =	ssyncadd.s32 $0xFFFFC000  }
0xa2: {  	[spmem:s3] =	stream.indirect.scatter.add.f32 [tilespmem:s11], [sflag:$0x3], $0x80, s12, s8, $0xb8;
	[tilespmem:$0x1DB00] =	vst v63  }
0xa3: {  	_ =	swait.ge [sflag:s7], $0x4000  }
0xa4: {  	s24 =	simm.s32 $0x20;
	s25 =	simm.s32 $0x40;
	[sflag:s7] =	ssyncset.done $0x0  }
.LBB2_4:
0xa5: {  	s28 =	sadd.s32 s24, s20  }
0xa6: {  	[sflag:s7] =	ssyncadd.s32 $0xFFFFC000;
	s29 =	smov.u32 s25;
	s26 =	sadd.s32 $0x20, s25  }
0xa7: {  	[tilespmem:s4], [sflag:$0x3] =	stream.linear.gather [hbm4b:s28+s4], $0x80, $0x38;
	[tilespmem:$0x1DB00] =	vst v63  }
0xa8: {  	p0 =	sne.s32 s25, $0x4C0;
	_ =	swait.ge [sflag:s7], $0x80  }
0xa9: {  	[sflag:s7] =	ssyncset.done $0x0  }
0xaa: {  	[sflag:s7] =	ssyncadd.s32 $0xFFFFFF80  }
0xab: {  	[tilespmem:s9], [sflag:$0x1] =	stream.indirect.gather [hbm4b:s0+s8], $0x80, s4, s8, $0xb8;
	[tilespmem:$0x1DB00] =	vst v63  }
0xac: {  	s25 =	sadd.s32 s24, s19  }
0xad: {  	[tilespmem:s8], [sflag:$0x3] =	stream.linear.gather [hbm4b:s25+s4], $0x80, $0x38;
	[tilespmem:$0x1DB00] =	vst v63  }
0xae: {  	_ =	swait.ge [sflag:s7], $0x80  }
0xaf: {  	[sflag:s7] =	ssyncset.done $0x0  }
0xb0: {  	s25 =	sadd.s32 s24, s22;
	[sflag:s7] =	ssyncadd.s32 $0xFFFFFF80  }
0xb1: {  	[tilespmem:s10], [sflag:$0x3] =	stream.linear.gather [hbm4b:s25+s4], $0x80, $0x38;
	[tilespmem:$0x1DB00] =	vst v63  }
0xb2: {  	_ =	swait.ge [sflag:s7], $0x80  }
0xb3: {  	[sflag:s7] =	ssyncset.done $0x0  }
0xb4: {  	[sflag:s7] =	ssyncadd.s32 $0xFFFFFF80  }
0xb5: {  	[tilespmem:s11], [sflag:$0x2] =	stream.indirect.gather [hbm4b:s0+s8], $0x80, s10, s8, $0xb8;
	[tilespmem:$0x1DB00] =	vst v63  }
0xb6: {  	s25 =	sadd.s32 s24, s21;
	s24 =	smov.u32 s29  }
0xb7: {  	[tilespmem:s12], [sflag:$0x3] =	stream.linear.gather [hbm4b:s25+s4], $0x80, $0x38;
	[tilespmem:$0x1DB00] =	vst v63  }
0xb8: {  	_ =	swait.ge [sflag:s7], $0x80  }
0xb9: {  	[sflag:s7] =	ssyncset.done $0x0  }
0xba: {  	[sflag:s7] =	ssyncadd.s32 $0xFFFFFF80  }
0xbb: {  	_ =	swait.ge [sflag:s13], $0x4000  }
0xbc: {  	[sflag:s13] =	ssyncset.done $0x0  }
0xbd: {  	[sflag:s13] =	ssyncadd.s32 $0xFFFFC000  }
0xbe: {  	[spmem:s3] =	stream.indirect.scatter.add.f32 [tilespmem:s9], [sflag:$0x3], $0x80, s8, s8, $0xb8;
	[tilespmem:$0x1DB00] =	vst v63  }
0xbf: {  	_ =	swait.ge [sflag:s7], $0x4000  }
0xc0: {  	[sflag:s7] =	ssyncset.done $0x0  }
0xc1: {  	[sflag:s7] =	ssyncadd.s32 $0xFFFFC000  }
0xc2: {  	_ =	swait.ge [sflag:s14], $0x4000  }
.Ltmp1:
0xc3: {  	[sflag:s14] =	ssyncset.done $0x0;
	(pc) =	sbr.rel @p0 .LBB2_4-.Ltmp1, $4  }
0xc4: {  	[sflag:s14] =	ssyncadd.s32 $0xFFFFC000  }
0xc5: {  	[spmem:s3] =	stream.indirect.scatter.add.f32 [tilespmem:s11], [sflag:$0x3], $0x80, s12, s8, $0xb8;
	[tilespmem:$0x1DB00] =	vst v63  }
0xc6: {  	_ =	swait.ge [sflag:s7], $0x4000  }
0xc7: {  	s25 =	smov.u32 s26;
	[sflag:s7] =	ssyncset.done $0x0  }
0xc8: {  	s25 =	sadd.s32 s24, s20;
	[sflag:s7] =	ssyncadd.s32 $0xFFFFC000  }
0xc9: {  	[tilespmem:s4], [sflag:$0x3] =	stream.linear.gather [hbm4b:s25+s4], $0x80, $0x38;
	[tilespmem:$0x1DB00] =	vst v63  }
0xca: {  	_ =	swait.ge [sflag:s7], $0x80  }
0xcb: {  	[sflag:s7] =	ssyncset.done $0x0  }
0xcc: {  	[sflag:s7] =	ssyncadd.s32 $0xFFFFFF80  }
0xcd: {  	[tilespmem:s9], [sflag:$0x1] =	stream.indirect.gather [hbm4b:s0+s8], $0x80, s4, s8, $0xb8;
	[tilespmem:$0x1DB00] =	vst v63  }
0xce: {  	s29 =	sadd.s32 s24, s19  }
0xcf: {  	[tilespmem:s8], [sflag:$0x3] =	stream.linear.gather [hbm4b:s29+s4], $0x80, $0x38;
	[tilespmem:$0x1DB00] =	vst v63  }
0xd0: {  	_ =	swait.ge [sflag:s7], $0x80  }
0xd1: {  	[sflag:s7] =	ssyncset.done $0x0  }
0xd2: {  	s26 =	sadd.s32 s24, s22;
	[sflag:s7] =	ssyncadd.s32 $0xFFFFFF80  }
0xd3: {  	[tilespmem:s10], [sflag:$0x3] =	stream.linear.gather [hbm4b:s26+s4], $0x80, $0x38;
	[tilespmem:$0x1DB00] =	vst v63  }
0xd4: {  	_ =	swait.ge [sflag:s7], $0x80  }
0xd5: {  	[sflag:s7] =	ssyncset.done $0x0  }
0xd6: {  	[sflag:s7] =	ssyncadd.s32 $0xFFFFFF80  }
0xd7: {  	[tilespmem:s11], [sflag:$0x2] =	stream.indirect.gather [hbm4b:s0+s8], $0x80, s10, s8, $0xb8;
	[tilespmem:$0x1DB00] =	vst v63  }
0xd8: {  	s28 =	sadd.s32 s24, s21  }
0xd9: {  	[tilespmem:s12], [sflag:$0x3] =	stream.linear.gather [hbm4b:s28+s4], $0x80, $0x38;
	[tilespmem:$0x1DB00] =	vst v63  }
0xda: {  	_ =	swait.ge [sflag:s7], $0x80  }
0xdb: {  	[sflag:s7] =	ssyncset.done $0x0  }
0xdc: {  	[sflag:s7] =	ssyncadd.s32 $0xFFFFFF80  }
0xdd: {  	_ =	swait.ge [sflag:s13], $0x4000  }
0xde: {  	[sflag:s13] =	ssyncset.done $0x0  }
0xdf: {  	[sflag:s13] =	ssyncadd.s32 $0xFFFFC000  }
0xe0: {  	[spmem:s3] =	stream.indirect.scatter.add.f32 [tilespmem:s9], [sflag:$0x3], $0x80, s8, s8, $0xb8;
	[tilespmem:$0x1DB00] =	vst v63  }
0xe1: {  	_ =	swait.ge [sflag:s7], $0x4000  }
0xe2: {  	[sflag:s7] =	ssyncset.done $0x0  }
0xe3: {  	[sflag:s7] =	ssyncadd.s32 $0xFFFFC000  }
0xe4: {  	_ =	swait.ge [sflag:s14], $0x4000  }
0xe5: {  	[sflag:s14] =	ssyncset.done $0x0  }
0xe6: {  	[sflag:s14] =	ssyncadd.s32 $0xFFFFC000  }
0xe7: {  	[spmem:s3] =	stream.indirect.scatter.add.f32 [tilespmem:s11], [sflag:$0x3], $0x80, s12, s8, $0xb8;
	[tilespmem:$0x1DB00] =	vst v63  }
0xe8: {  	_ =	swait.ge [sflag:s7], $0x4000  }
0xe9: {  	[sflag:s7] =	ssyncset.done $0x0  }
0xea: {  	s29 =	rddreg [dreg:$0x10];
	[sflag:s7] =	ssyncadd.s32 $0xFFFFC000  }
0xeb: {  	[tilespmem:s15], [sflag:$0x3] =	stream.linear.gather [hbm4b:s29+s4], $0x10, $0x38;
	[tilespmem:$0x1DB00] =	vst v63  }
0xec: {  	_ =	swait.ge [sflag:s7], $0x10  }
0xed: {  	[sflag:s7] =	ssyncset.done $0x0  }
0xee: {  	s25 =	rddreg [dreg:$0x11];
	[sflag:s7] =	ssyncadd.s32 $0xFFFFFFF0  }
0xef: {  	[tilespmem:s16], [sflag:$0x3] =	stream.linear.gather [hbm4b:s25+s4], $0x10, $0x38;
	[tilespmem:$0x1DB00] =	vst v63  }
0xf0: {  	_ =	swait.ge [sflag:s7], $0x10  }
0xf1: {  	[sflag:s7] =	ssyncset.done $0x0  }
0xf2: {  	[sflag:s7] =	ssyncadd.s32 $0xFFFFFFF0  }
0xf3: {  	[tilespmem:s18], [sflag:$0x1] =	stream.indirect.gather [hbm4b:s0+s17], $0x80, s15, s17, $0xb8;
	[tilespmem:$0x1DB00] =	vst v63  }
0xf4: {  	_ =	swait.ge [sflag:s13], $0x800  }
0xf5: {  	[sflag:s13] =	ssyncset.done $0x0  }
0xf6: {  	[sflag:s13] =	ssyncadd.s32 $0xFFFFF800  }
0xf7: {  	[spmem:s3] =	stream.indirect.scatter.add.f32 [tilespmem:s18], [sflag:$0x3], $0x80, s16, s17, $0xb8;
	[tilespmem:$0x1DB00] =	vst v63  }
0xf8: {  	_ =	swait.ge [sflag:s7], $0x800  }
0xf9: {  	[sflag:s7] =	ssyncset.done $0x0  }
0xfa: {  	s26 =	stileid.u32;
	[sflag:s7] =	ssyncadd.s32 $0xFFFFF800  }
0xfb: {  	s24 =	sshll.u32 s26, $0x6;
	[bflag:$0x0] =	sbarrier.arrive $0xFFFF  }
0xfc: {  	s24 =	sor.u32 $0x1C03, s24;
	s28 =	sshrl.u32 s5, $0x3;
	s26 =	rddreg [dreg:$0x13]  }
0xfd: {  	[hbm:s26], [sflag:s24] =	dma.local [spmem:s28], $0x2800  }
0xfe: {  	_ =	swait.ge [sflag:s7], $0x2800  }
0xff: {  	s23 =	sadd.s32 $0x1, s23;
	s29 =	rddreg [dreg:$0x14]  }
0x100: {  	p0 =	sne.s32 s23, s29  }
.Ltmp2:
0x101: {  	_ = 	snop;
	(pc) =	sbr.rel @p0 .LBB2_1-.Ltmp2, $3  }
0x102: {  	_ =	sdelay $0x1  }
0x103: {  	[sflag:s7] =	ssyncset.done $0x0  }
0x104: {  	[sflag:s7] =	ssyncadd.s32 $0xFFFFD800  }
0x105: {  	_ =	sfence.sel $0x180000  }
0x106: {  	[bflag:$0x0] =	sbarrier.arrive $0xFFFF  }
0x107: {  	_ =	strace $0x9000004A  }
0x108: {  	s0 =	stileid.u32;
	[bflag:$0x2] =	sbarrier.arrive $0xFFFF  }
0x109: {  	p0 =	sne.s32 s0, $0x0;
	s0 =	rddreg [dreg:$0x4]  }
0x10a: {  	s0 =	sadd.s32 @!p0 $0x100000, s0  }
0x10b: {  	[sflag:s0] =	ssyncadd.tile.s32 @!p0 $0x1;
	_ =	shalt  }
.Lfunc_end2:
_tile_overlayer_lowered:
.L_overlay_start_2:
0x10c: {  	(tag) =	ssettag $0x2  }
0x10d: {  	s0 =	rddreg [dreg:$0x0];
	s2 =	stileid.u32  }
0x10e: {  	s1 =	rddreg [dreg:$0x1];
	p0 =	sne.s32 s2, $0x0  }
0x10f: {  	s3 =	rddreg [dreg:$0x2];
	[bflag:$0x3] =	sbarrier.arrive $0xFFFF;
	s2 =	simm.s32 @!p0 $0x1C03  }
0x110: {  	[timem:s3], [sflag:s2] =	dma.local @!p0 [hbm:s0], s1  }
0x111: {  	s0 =	simm.s32 @!p0 $0x3  }
0x112: {  	_ =	swait.ge @!p0 [sflag:s0], s1  }
0x113: {  	s1 =	ssub.s32 @!p0 $0x0, s1;
	[sflag:s0] =	ssyncset.done @!p0 $0x0  }
0x114: {  	[sflag:s0] =	ssyncadd.s32 @!p0 s1  }
0x115: {  	[bflag:$0x3] =	sbarrier.arrive $0xFFFF  }
0x116: {  	_ =	shalt  }

</sc_bundles>
